<compile_context>
chip_gen: v7x
topology: tpu7x:2x2x1
jax: 0.10.2.dev20260603
libtpu: 0.0.44.dev20260713+nightly
codegen_flags: <defaults>
</compile_context>

<pallas_src>
import functools

import jax
import jax.numpy as jnp
from jax import lax
from jax.experimental import pallas as pl
from jax.experimental.pallas import tpu as pltpu
from jax.experimental.pallas import tpu_sc as plsc

N_NODES = 10000
NPAD = 10112
D_FEAT = 128
HID = 16
LSTM_H = 32
N_EDGES = 320000
NC, NS = 2, 16
NW = NC * NS
EDGE_B = 128
EPT = 10240
CHUNKS = EPT // EDGE_B
E_PAD = NW * EPT
ROWS_PT = NPAD // NS

_mesh = plsc.VectorSubcoreMesh(core_axis_name="c", subcore_axis_name="s")

_INIT_OFFS = [0, 128, 256, 384, 504]
_NZC = len(_INIT_OFFS)



@functools.partial(
    pl.kernel, mesh=_mesh,
    out_type=jax.ShapeDtypeStruct((NC, NPAD, HID), jnp.float32),
    scratch_types=[
        pltpu.VMEM((CHUNKS, EDGE_B), jnp.int32),
        pltpu.VMEM((_NZC, EDGE_B), jnp.int32),
        pltpu.VMEM((EDGE_B, HID), jnp.float32),
        pltpu.VMEM((EDGE_B, HID), jnp.float32),
        pltpu.VMEM_SHARED((NPAD, HID), jnp.float32),
    ],
)
def _sc_degree(dst_hbm, zidx_hbm, ones_hbm, zeros_hbm, out_hbm, dst_v,
               zidx_v, ones_v, zbuf, accum):
    cid = lax.axis_index("c")
    sid = lax.axis_index("s")
    r0 = sid * ROWS_PT
    pltpu.sync_copy(zidx_hbm.at[sid], zidx_v)
    pltpu.sync_copy(zeros_hbm, zbuf)
    for k in range(_NZC):
        pltpu.sync_copy(zbuf, accum.at[zidx_v.at[k]])
    pltpu.sync_copy(ones_hbm, ones_v)
    pltpu.sync_copy(dst_hbm.at[cid, sid], dst_v)
    plsc.subcore_barrier()

    def body(j, carry):
        pltpu.sync_copy(ones_v, accum.at[dst_v.at[j]], add=True)
        return carry

    lax.fori_loop(0, CHUNKS, body, 0)
    plsc.subcore_barrier()
    pltpu.sync_copy(accum.at[pl.ds(r0, ROWS_PT)],
                    out_hbm.at[cid, pl.ds(r0, ROWS_PT)])


@functools.partial(
    pl.kernel, mesh=_mesh,
    out_type=jax.ShapeDtypeStruct((NC, NPAD, HID), jnp.float32),
    scratch_types=[
        pltpu.VMEM((CHUNKS, EDGE_B), jnp.int32),
        pltpu.VMEM((CHUNKS, EDGE_B), jnp.int32),
        pltpu.VMEM((_NZC, EDGE_B), jnp.int32),
        pltpu.VMEM((EDGE_B, HID), jnp.float32),
        pltpu.VMEM_SHARED((NPAD, HID), jnp.float32),
        pltpu.VMEM_SHARED((NPAD, HID), jnp.float32),
        pltpu.SemaphoreType.DMA,
    ],
)
def _sc_propagate(y_hbm, src_hbm, dst_hbm, zidx_hbm, zeros_hbm, out_hbm,
                  src_v, dst_v, zidx_v, rows0, accum, y_s, sem0):
    cid = lax.axis_index("c")
    sid = lax.axis_index("s")
    r0 = sid * ROWS_PT
    pltpu.sync_copy(zidx_hbm.at[sid], zidx_v)
    for k, off in enumerate(_INIT_OFFS):
        pltpu.sync_copy(y_hbm.at[pl.ds(r0 + off, EDGE_B)], rows0)
        pltpu.sync_copy(rows0, y_s.at[zidx_v.at[k]])
    pltpu.sync_copy(zeros_hbm, rows0)
    for k in range(_NZC):
        pltpu.sync_copy(rows0, accum.at[zidx_v.at[k]])
    pltpu.sync_copy(src_hbm.at[cid, sid], src_v)
    pltpu.sync_copy(dst_hbm.at[cid, sid], dst_v)
    plsc.subcore_barrier()

    def body(j, carry):
        pltpu.async_copy(y_s.at[src_v.at[j]], rows0, sem0).wait()
        pltpu.sync_copy(rows0, accum.at[dst_v.at[j]], add=True)
        return carry

    lax.fori_loop(0, CHUNKS, body, 0)
    plsc.subcore_barrier()
    pltpu.sync_copy(accum.at[pl.ds(r0, ROWS_PT)],
                    out_hbm.at[cid, pl.ds(r0, ROWS_PT)])



_GRID = 4
_R = NPAD // _GRID


def _rows(shape):
    return pl.BlockSpec((_R,) + shape[1:], lambda i: (i,) + (0,) * (len(shape) - 1))


def _srows():
    return pl.BlockSpec((NC, _R, HID), lambda i: (0, i, 0))


def _full(shape):
    return pl.BlockSpec(shape, lambda i: (0,) * len(shape))


def _tc_a_body(x_ref, w1_ref, s0_ref, y1_ref, dinv_ref):
    cnt = s0_ref[0] + s0_ref[1]
    deg = cnt[:, 0:1] + 1.0
    dinvb = jnp.broadcast_to(lax.rsqrt(deg), (_R, HID))
    z1 = jnp.dot(x_ref[...], w1_ref[...], preferred_element_type=jnp.float32)
    y1_ref[...] = z1 * dinvb
    dinv_ref[...] = dinvb


def _tc_a(x_pad, W1, s0):
    return pl.pallas_call(
        _tc_a_body,
        grid=(_GRID,),
        in_specs=[_rows((NPAD, D_FEAT)), _full((D_FEAT, HID)), _srows()],
        out_specs=[_rows((NPAD, HID)), _rows((NPAD, HID))],
        out_shape=[jax.ShapeDtypeStruct((NPAD, HID), jnp.float32),
                   jax.ShapeDtypeStruct((NPAD, HID), jnp.float32)],
    )(x_pad, W1, s0)


def _tc_b_body(s1_ref, y1_ref, dinv_ref, b1_ref, w2_ref, x1_ref, y2_ref):
    dinvb = dinv_ref[...]
    p1 = (s1_ref[0] + s1_ref[1] + y1_ref[...]) * dinvb
    x1 = jax.nn.relu(p1 + b1_ref[...])
    z2 = jnp.dot(x1, w2_ref[...], preferred_element_type=jnp.float32)
    x1_ref[...] = x1
    y2_ref[...] = z2 * dinvb


def _tc_b(s1, y1, dinvb, b1, W2):
    return pl.pallas_call(
        _tc_b_body,
        grid=(_GRID,),
        in_specs=[_srows(), _rows((NPAD, HID)), _rows((NPAD, HID)),
                  _full((1, HID)), _full((HID, HID))],
        out_specs=[_rows((NPAD, HID)), _rows((NPAD, HID))],
        out_shape=[jax.ShapeDtypeStruct((NPAD, HID), jnp.float32),
                   jax.ShapeDtypeStruct((NPAD, HID), jnp.float32)],
    )(s1, y1, dinvb, b1, W2)


def _lstm_step(x_t, h, c, wih_t, whh_t, b):
    g = jnp.dot(x_t, wih_t, preferred_element_type=jnp.float32) + b
    if h is not None:
        g = g + jnp.dot(h, whh_t, preferred_element_type=jnp.float32)
    i, f, gg, o = jnp.split(g, 4, axis=-1)
    i = jax.nn.sigmoid(i)
    f = jax.nn.sigmoid(f)
    gg = jnp.tanh(gg)
    o = jax.nn.sigmoid(o)
    c_new = gg * i if c is None else f * c + i * gg
    h_new = o * jnp.tanh(c_new)
    return h_new, c_new


def _tc_c_body(s2_ref, y2_ref, dinv_ref, b2_ref, x1_ref, wihf_ref, whhf_ref,
               bihf_ref, bhhf_ref, wihb_ref, whhb_ref, bihb_ref, bhhb_ref,
               watt_ref, batt_ref, y3_ref):
    dinvb = dinv_ref[...]
    x1 = x1_ref[...]
    x2 = jax.nn.relu((s2_ref[0] + s2_ref[1] + y2_ref[...]) * dinvb
                     + b2_ref[...])
    bf = bihf_ref[...] + bhhf_ref[...]
    bb = bihb_ref[...] + bhhb_ref[...]
    wihf, whhf = wihf_ref[...], whhf_ref[...]
    wihb, whhb = wihb_ref[...], whhb_ref[...]
    h1f, c1f = _lstm_step(x1, None, None, wihf, whhf, bf)
    h2f, _ = _lstm_step(x2, h1f, c1f, wihf, whhf, bf)
    h1b, c1b = _lstm_step(x2, None, None, wihb, whhb, bb)
    h2b, _ = _lstm_step(x1, h1b, c1b, wihb, whhb, bb)
    wa = watt_ref[...]
    wa_f, wa_b = wa[:, :LSTM_H], wa[:, LSTM_H:]
    ba = batt_ref[...]
    a0 = (jnp.sum(h1f * wa_f, axis=1, keepdims=True)
          + jnp.sum(h2b * wa_b, axis=1, keepdims=True) + ba)
    a1 = (jnp.sum(h2f * wa_f, axis=1, keepdims=True)
          + jnp.sum(h1b * wa_b, axis=1, keepdims=True) + ba)
    m = jnp.maximum(a0, a1)
    e0 = jnp.exp(a0 - m)
    e1 = jnp.exp(a1 - m)
    xjk = (e0 * x1 + e1 * x2) / (e0 + e1)
    y3_ref[...] = xjk * dinvb


def _tc_c(s2, y2, dinvb, b2, x1, wihf_t, whhf_t, bihf, bhhf, wihb_t, whhb_t,
          bihb, bhhb, W_att, batt):
    G4 = 4 * LSTM_H
    return pl.pallas_call(
        _tc_c_body,
        grid=(_GRID,),
        in_specs=[_srows(), _rows((NPAD, HID)), _rows((NPAD, HID)),
                  _full((1, HID)), _rows((NPAD, HID)),
                  _full((HID, G4)), _full((LSTM_H, G4)),
                  _full((1, G4)), _full((1, G4)),
                  _full((HID, G4)), _full((LSTM_H, G4)),
                  _full((1, G4)), _full((1, G4)),
                  _full((1, 2 * LSTM_H)), _full((1, 1))],
        out_specs=[_rows((NPAD, HID))],
        out_shape=[jax.ShapeDtypeStruct((NPAD, HID), jnp.float32)],
    )(s2, y2, dinvb, b2, x1, wihf_t, whhf_t, bihf, bhhf, wihb_t, whhb_t,
      bihb, bhhb, W_att, batt)[0]


def _tc_d_body(s3_ref, y3_ref, dinv_ref, wlin_ref, blin_ref, out_ref):
    xp = (s3_ref[0] + s3_ref[1] + y3_ref[...]) * dinv_ref[...]
    o = jnp.dot(xp, wlin_ref[...], preferred_element_type=jnp.float32)
    o = o + blin_ref[...]
    m = jnp.max(o, axis=1, keepdims=True)
    l = o - m
    lse = jnp.log(jnp.sum(jnp.exp(l), axis=1, keepdims=True))
    out_ref[...] = l - lse


def _tc_d(s3, y3, dinvb, W_lin, b_lin):
    return pl.pallas_call(
        _tc_d_body,
        grid=(_GRID,),
        in_specs=[_srows(), _rows((NPAD, HID)), _rows((NPAD, HID)),
                  _full((HID, HID)), _full((1, HID))],
        out_specs=[_rows((NPAD, HID))],
        out_shape=[jax.ShapeDtypeStruct((NPAD, HID), jnp.float32)],
    )(s3, y3, dinvb, W_lin, b_lin)[0]



def kernel(x, edge_index, W1, b1, W2, b2, W_ih_f, W_hh_f, b_ih_f, b_hh_f,
           W_ih_b, W_hh_b, b_ih_b, b_hh_b, W_att, b_att, W_lin, b_lin):
    n = x.shape[0]
    pad = E_PAD - N_EDGES
    src = jnp.concatenate([edge_index[0],
                           jnp.full((pad,), N_NODES, jnp.int32)])
    dst = jnp.concatenate([edge_index[1],
                           jnp.full((pad,), N_NODES, jnp.int32)])
    src4 = src.reshape(NC, NS, CHUNKS, EDGE_B)
    dst4 = dst.reshape(NC, NS, CHUNKS, EDGE_B)
    x_pad = jnp.concatenate(
        [x, jnp.zeros((NPAD - n, D_FEAT), jnp.float32)])
    ones_rows = jnp.ones((EDGE_B, HID), jnp.float32)
    zeros_rows = jnp.zeros((EDGE_B, HID), jnp.float32)
    zidx = (jnp.arange(NS, dtype=jnp.int32)[:, None, None] * ROWS_PT
            + jnp.asarray(_INIT_OFFS, jnp.int32)[None, :, None]
            + jnp.arange(EDGE_B, dtype=jnp.int32)[None, None, :])

    s0 = _sc_degree(dst4, zidx, ones_rows, zeros_rows)
    y1, dinvb = _tc_a(x_pad, W1, s0)
    s1 = _sc_propagate(y1, src4, dst4, zidx, zeros_rows)
    x1, y2 = _tc_b(s1, y1, dinvb, b1.reshape(1, HID), W2)
    s2 = _sc_propagate(y2, src4, dst4, zidx, zeros_rows)
    y3 = _tc_c(s2, y2, dinvb, b2.reshape(1, HID), x1,
               W_ih_f.T, W_hh_f.T, b_ih_f.reshape(1, -1),
               b_hh_f.reshape(1, -1), W_ih_b.T, W_hh_b.T,
               b_ih_b.reshape(1, -1), b_hh_b.reshape(1, -1),
               W_att, b_att.reshape(1, 1))
    s3 = _sc_propagate(y3, src4, dst4, zidx, zeros_rows)
    out = _tc_d(s3, y3, dinvb, W_lin, b_lin.reshape(1, HID))
    return out[:n]

# --- scband reference (transcript-rebuilt; emitter-appended) ---
"""Pipeline reference for scband-gcn-jknet-8323646620243 (READ-ONLY COPY).

The authoritative reference and input builder live on the scoring server;
editing this copy changes nothing except your own understanding.
"""

import jax, jax.numpy as jnp
import numpy as np

N_NODES = 10000
N_EDGES = 320000
D_FEAT = 128
HID = 16
N_CLASSES = 16
LSTM_H = 32  # (num_layers * channels) // 2 = (4 * 16) // 2


def _gcn_norm(edge_index, n):
    src, dst = edge_index[0], edge_index[1]
    loop = jnp.arange(n, dtype=src.dtype)
    src = jnp.concatenate([src, loop])
    dst = jnp.concatenate([dst, loop])
    deg = jax.ops.segment_sum(jnp.ones(src.shape[0], dtype=jnp.float32), dst, num_segments=n)
    dinv = jnp.where(deg > 0, 1.0 / jnp.sqrt(deg), 0.0)
    norm = dinv[src] * dinv[dst]
    return src, dst, norm


def _propagate(x, src, dst, norm, n):
    return jax.ops.segment_sum(x[src] * norm[:, None], dst, num_segments=n)


def _lstm(seq, W_ih, W_hh, b_ih, b_hh):
    Nn = seq.shape[1]
    H = W_hh.shape[1]

    def step(carry, x_t):
        h, c = carry
        gates = x_t @ W_ih.T + h @ W_hh.T + b_ih + b_hh
        i, f, g, o = jnp.split(gates, 4, axis=-1)
        i = jax.nn.sigmoid(i)
        f = jax.nn.sigmoid(f)
        g = jnp.tanh(g)
        o = jax.nn.sigmoid(o)
        c = f * c + i * g
        h = o * jnp.tanh(c)
        return (h, c), h

    h0 = jnp.zeros((Nn, H), dtype=seq.dtype)
    c0 = jnp.zeros((Nn, H), dtype=seq.dtype)
    _, hs = jax.lax.scan(step, (h0, c0), seq)
    return hs


def setup_inputs(seed: int = 0):
    key = jax.random.key(seed)
    ks = jax.random.split(key, 12)
    s = 0.1
    x = jax.random.normal(ks[0], (N_NODES, D_FEAT), dtype=jnp.float32)
    edge_index = jax.random.randint(ks[1], (2, N_EDGES), 0, N_NODES, dtype=jnp.int32)
    W1 = jax.random.normal(ks[2], (D_FEAT, HID), dtype=jnp.float32) * s
    b1 = jnp.zeros((HID,), dtype=jnp.float32)
    W2 = jax.random.normal(ks[3], (HID, HID), dtype=jnp.float32) * s
    b2 = jnp.zeros((HID,), dtype=jnp.float32)
    W_ih_f = jax.random.normal(ks[4], (4 * LSTM_H, HID), dtype=jnp.float32) * s
    W_hh_f = jax.random.normal(ks[5], (4 * LSTM_H, LSTM_H), dtype=jnp.float32) * s
    b_ih_f = jnp.zeros((4 * LSTM_H,), dtype=jnp.float32)
    b_hh_f = jnp.zeros((4 * LSTM_H,), dtype=jnp.float32)
    W_ih_b = jax.random.normal(ks[6], (4 * LSTM_H, HID), dtype=jnp.float32) * s
    W_hh_b = jax.random.normal(ks[7], (4 * LSTM_H, LSTM_H), dtype=jnp.float32) * s
    b_ih_b = jnp.zeros((4 * LSTM_H,), dtype=jnp.float32)
    b_hh_b = jnp.zeros((4 * LSTM_H,), dtype=jnp.float32)
    W_att = jax.random.normal(ks[8], (1, 2 * LSTM_H), dtype=jnp.float32) * s
    b_att = jnp.zeros((1,), dtype=jnp.float32)
    W_lin = jax.random.normal(ks[9], (HID, N_CLASSES), dtype=jnp.float32) * s
    b_lin = jnp.zeros((N_CLASSES,), dtype=jnp.float32)
    return {"x": x, "edge_index": edge_index, "W1": W1, "b1": b1, "W2": W2, "b2": b2,
            "W_ih_f": W_ih_f, "W_hh_f": W_hh_f, "b_ih_f": b_ih_f, "b_hh_f": b_hh_f,
            "W_ih_b": W_ih_b, "W_hh_b": W_hh_b, "b_ih_b": b_ih_b, "b_hh_b": b_hh_b,
            "W_att": W_att, "b_att": b_att, "W_lin": W_lin, "b_lin": b_lin}


def reference(x, edge_index, W1, b1, W2, b2, W_ih_f, W_hh_f, b_ih_f, b_hh_f,
              W_ih_b, W_hh_b, b_ih_b, b_hh_b, W_att, b_att, W_lin, b_lin):
    n = x.shape[0]
    src, dst, norm = _gcn_norm(edge_index, n)
    # conv1 -> relu (dropout is identity in eval mode)
    x1 = jax.nn.relu(_propagate(x @ W1, src, dst, norm, n) + b1)
    # conv2 -> relu
    x2 = jax.nn.relu(_propagate(x1 @ W2, src, dst, norm, n) + b2)
    # JumpingKnowledge (lstm mode): bi-LSTM attention over layer dimension
    xs = jnp.stack([x1, x2], axis=0)  # [L, N, C]
    hf = _lstm(xs, W_ih_f, W_hh_f, b_ih_f, b_hh_f)
    hb = _lstm(xs[::-1], W_ih_b, W_hh_b, b_ih_b, b_hh_b)[::-1]
    h = jnp.concatenate([hf, hb], axis=-1)  # [L, N, 2H]
    alpha = jnp.squeeze(h @ W_att.T, axis=-1) + b_att[0]  # [L, N]
    alpha = jax.nn.softmax(alpha, axis=0)
    xjk = jnp.sum(alpha[:, :, None] * xs, axis=0)  # [N, C]
    # APPNP with K=1, alpha=0 reduces to one normalized propagation
    xp = _propagate(xjk, src, dst, norm, n)
    out = xp @ W_lin + b_lin
    return jax.nn.log_softmax(out, axis=1)

if __name__ == "__main__":
    import jax
    _d = setup_inputs()
    print(jax.jit(kernel)(*tuple(_d.values())))

</pallas_src>

<mosaic_0001>
#map = affine_map<(d0, d1) -> (0, 0)>
#map1 = affine_map<(d0, d1) -> (0, 0, 0, 0)>
#map2 = affine_map<(d0, d1) -> (0, 0, 0)>
module attributes {stable_mosaic.version = 14 : i64} {
  func.func @_sc_propagate(%arg0: i32, %arg1: i32, %arg2: memref<10112x16xf32, #tpu.memory_space<hbm>>, %arg3: memref<2x16x80x128xi32, #tpu.memory_space<hbm>>, %arg4: memref<2x16x80x128xi32, #tpu.memory_space<hbm>>, %arg5: memref<16x5x128xi32, #tpu.memory_space<hbm>>, %arg6: memref<128x16xf32, #tpu.memory_space<hbm>>, %arg7: memref<2x10112x16xf32, #tpu.memory_space<hbm>>, %arg8: memref<80x128xi32, #tpu.memory_space<vmem>>, %arg9: memref<80x128xi32, #tpu.memory_space<vmem>>, %arg10: memref<5x128xi32, #tpu.memory_space<vmem>>, %arg11: memref<128x16xf32, #tpu.memory_space<vmem>>, %arg12: memref<10112x16xf32, #tpu.memory_space<vmem_shared>>, %arg13: memref<10112x16xf32, #tpu.memory_space<vmem_shared>>, %arg14: memref<!tpu.dma_semaphore, #tpu.memory_space<semaphore_mem>>) attributes {dimension_semantics = [#tpu.dimension_semantics<core_parallel>, #tpu.dimension_semantics<subcore_parallel>], iteration_bounds = array<i64: 2, 16>, scalar_prefetch = 0 : i64, scratch_operands = 7 : i64, tpu.core_type = #tpu.core_type<sc_vector_subcore>, window_params = [{transform_indices = #map}, {transform_indices = #map1}, {transform_indices = #map1}, {transform_indices = #map2}, {transform_indices = #map}, {transform_indices = #map2}]} {
    %mul3A = arith.constant 632 : i32
    %mul3A_0 = arith.muli %arg1, %mul3A : i32
    "tpu.region"() ({
      %run_scoped3A_25 = tpu.sem_alloc : memref<!tpu.dma_semaphore, #tpu.memory_space<semaphore_mem>>
      %dma_start3A = arith.constant 0 : i32
      %dma_start3A_26 = arith.constant 0 : i32
      %dma_start3A_27 = tpu.memref_slice %arg5[%arg1, %dma_start3A, %dma_start3A_26] : memref<16x5x128xi32, #tpu.memory_space<hbm>> -> memref<1x5x128xi32, #tpu.memory_space<hbm>>
      %dma_start3A_28 = tpu.memref_squeeze %dma_start3A_27 : memref<1x5x128xi32, #tpu.memory_space<hbm>> -> memref<5x128xi32, #tpu.memory_space<hbm>>
      %dma_start3A_29 = arith.constant 0 : i32
      %dma_start3A_30 = arith.constant 0 : i32
      %dma_start3A_31 = tpu.memref_slice %arg5[%arg1, %dma_start3A_29, %dma_start3A_30] : memref<16x5x128xi32, #tpu.memory_space<hbm>> -> memref<1x5x128xi32, #tpu.memory_space<hbm>>
      %dma_start3A_32 = tpu.memref_squeeze %dma_start3A_31 : memref<1x5x128xi32, #tpu.memory_space<hbm>> -> memref<5x128xi32, #tpu.memory_space<hbm>>
      tpu.enqueue_dma source(%dma_start3A_32 : memref<5x128xi32, #tpu.memory_space<hbm>>) target(%arg10 : memref<5x128xi32, #tpu.memory_space<vmem>>) target_semaphore(%run_scoped3A_25 : memref<!tpu.dma_semaphore, #tpu.memory_space<semaphore_mem>>)
      %dma_wait3A = arith.constant 0 : i32
      %dma_wait3A_33 = arith.constant 0 : i32
      %dma_wait3A_34 = tpu.memref_slice %arg5[%arg1, %dma_wait3A, %dma_wait3A_33] : memref<16x5x128xi32, #tpu.memory_space<hbm>> -> memref<1x5x128xi32, #tpu.memory_space<hbm>>
      %dma_wait3A_35 = tpu.memref_squeeze %dma_wait3A_34 : memref<1x5x128xi32, #tpu.memory_space<hbm>> -> memref<5x128xi32, #tpu.memory_space<hbm>>
      %dma_wait3A_36 = arith.constant 0 : i32
      %dma_wait3A_37 = arith.constant 0 : i32
      %dma_wait3A_38 = tpu.memref_slice %arg5[%arg1, %dma_wait3A_36, %dma_wait3A_37] : memref<16x5x128xi32, #tpu.memory_space<hbm>> -> memref<1x5x128xi32, #tpu.memory_space<hbm>>
      %dma_wait3A_39 = tpu.memref_squeeze %dma_wait3A_38 : memref<1x5x128xi32, #tpu.memory_space<hbm>> -> memref<5x128xi32, #tpu.memory_space<hbm>>
      tpu.wait_dma2 semaphore(%run_scoped3A_25 : memref<!tpu.dma_semaphore, #tpu.memory_space<semaphore_mem>>) src(%dma_wait3A_39 : memref<5x128xi32, #tpu.memory_space<hbm>>) dst(%arg10 : memref<5x128xi32, #tpu.memory_space<vmem>>)
      tpu.yield
    }) : () -> ()
    %add3A = arith.constant 0 : i32
    %add3A_1 = arith.addi %mul3A_0, %add3A : i32
    "tpu.region"() ({
      %run_scoped3A_25 = tpu.sem_alloc : memref<!tpu.dma_semaphore, #tpu.memory_space<semaphore_mem>>
      %dma_start3A = arith.constant 0 : i32
      %dma_start3A_26 = tpu.memref_slice %arg2[%add3A_1, %dma_start3A] : memref<10112x16xf32, #tpu.memory_space<hbm>> -> memref<128x16xf32, #tpu.memory_space<hbm>>
      %dma_start3A_27 = arith.constant 0 : i32
      %dma_start3A_28 = tpu.memref_slice %arg2[%add3A_1, %dma_start3A_27] : memref<10112x16xf32, #tpu.memory_space<hbm>> -> memref<128x16xf32, #tpu.memory_space<hbm>>
      tpu.enqueue_dma source(%dma_start3A_28 : memref<128x16xf32, #tpu.memory_space<hbm>>) target(%arg11 : memref<128x16xf32, #tpu.memory_space<vmem>>) target_semaphore(%run_scoped3A_25 : memref<!tpu.dma_semaphore, #tpu.memory_space<semaphore_mem>>)
      %dma_wait3A = arith.constant 0 : i32
      %dma_wait3A_29 = tpu.memref_slice %arg2[%add3A_1, %dma_wait3A] : memref<10112x16xf32, #tpu.memory_space<hbm>> -> memref<128x16xf32, #tpu.memory_space<hbm>>
      %dma_wait3A_30 = arith.constant 0 : i32
      %dma_wait3A_31 = tpu.memref_slice %arg2[%add3A_1, %dma_wait3A_30] : memref<10112x16xf32, #tpu.memory_space<hbm>> -> memref<128x16xf32, #tpu.memory_space<hbm>>
      tpu.wait_dma2 semaphore(%run_scoped3A_25 : memref<!tpu.dma_semaphore, #tpu.memory_space<semaphore_mem>>) src(%dma_wait3A_31 : memref<128x16xf32, #tpu.memory_space<hbm>>) dst(%arg11 : memref<128x16xf32, #tpu.memory_space<vmem>>)
      tpu.yield
    }) : () -> ()
    %run_scoped3A = arith.constant 0 : i32
    "tpu.region"() ({
      %run_scoped3A_25 = tpu.sem_alloc : memref<!tpu.dma_semaphore, #tpu.memory_space<semaphore_mem>>
      %dma_start3A = arith.constant 0 : i32
      %dma_start3A_26 = tpu.memref_slice %arg10[%run_scoped3A, %dma_start3A] : memref<5x128xi32, #tpu.memory_space<vmem>> -> memref<1x128xi32, #tpu.memory_space<vmem>>
      %dma_start3A_27 = tpu.memref_squeeze %dma_start3A_26 : memref<1x128xi32, #tpu.memory_space<vmem>> -> memref<128xi32, #tpu.memory_space<vmem>>
      %dma_start3A_28 = arith.constant 0 : i32
      %dma_start3A_29 = arith.constant 0 : i32
      %dma_start3A_30 = tpu.memref_slice %arg13[%dma_start3A_28, %dma_start3A_29] : memref<10112x16xf32, #tpu.memory_space<vmem_shared>> -> memref<10112x16xf32, #tpu.memory_space<vmem_shared>>
      tpu.enqueue_indirect_dma source(%arg11 : memref<128x16xf32, #tpu.memory_space<vmem>>) target(%dma_start3A_30 : memref<10112x16xf32, #tpu.memory_space<vmem_shared>>) offsets(%dma_start3A_27 : memref<128xi32, #tpu.memory_space<vmem>>) semaphore(%run_scoped3A_25 : memref<!tpu.dma_semaphore, #tpu.memory_space<semaphore_mem>>)
      %dma_wait3A = arith.constant 0 : i32
      %dma_wait3A_31 = tpu.memref_slice %arg10[%run_scoped3A, %dma_wait3A] : memref<5x128xi32, #tpu.memory_space<vmem>> -> memref<1x128xi32, #tpu.memory_space<vmem>>
      %dma_wait3A_32 = tpu.memref_squeeze %dma_wait3A_31 : memref<1x128xi32, #tpu.memory_space<vmem>> -> memref<128xi32, #tpu.memory_space<vmem>>
      %dma_wait3A_33 = arith.constant 0 : i32
      %dma_wait3A_34 = arith.constant 0 : i32
      %dma_wait3A_35 = tpu.memref_slice %arg13[%dma_wait3A_33, %dma_wait3A_34] : memref<10112x16xf32, #tpu.memory_space<vmem_shared>> -> memref<10112x16xf32, #tpu.memory_space<vmem_shared>>
      tpu.wait_indirect_dma semaphore(%run_scoped3A_25 : memref<!tpu.dma_semaphore, #tpu.memory_space<semaphore_mem>>) src(%arg11 : memref<128x16xf32, #tpu.memory_space<vmem>>) dst(%dma_wait3A_35 : memref<10112x16xf32, #tpu.memory_space<vmem_shared>>)
      tpu.yield
    }) : () -> ()
    %add3A_2 = arith.constant 128 : i32
    %add3A_3 = arith.addi %mul3A_0, %add3A_2 : i32
    "tpu.region"() ({
      %run_scoped3A_25 = tpu.sem_alloc : memref<!tpu.dma_semaphore, #tpu.memory_space<semaphore_mem>>
      %dma_start3A = arith.constant 0 : i32
      %dma_start3A_26 = tpu.memref_slice %arg2[%add3A_3, %dma_start3A] : memref<10112x16xf32, #tpu.memory_space<hbm>> -> memref<128x16xf32, #tpu.memory_space<hbm>>
      %dma_start3A_27 = arith.constant 0 : i32
      %dma_start3A_28 = tpu.memref_slice %arg2[%add3A_3, %dma_start3A_27] : memref<10112x16xf32, #tpu.memory_space<hbm>> -> memref<128x16xf32, #tpu.memory_space<hbm>>
      tpu.enqueue_dma source(%dma_start3A_28 : memref<128x16xf32, #tpu.memory_space<hbm>>) target(%arg11 : memref<128x16xf32, #tpu.memory_space<vmem>>) target_semaphore(%run_scoped3A_25 : memref<!tpu.dma_semaphore, #tpu.memory_space<semaphore_mem>>)
      %dma_wait3A = arith.constant 0 : i32
      %dma_wait3A_29 = tpu.memref_slice %arg2[%add3A_3, %dma_wait3A] : memref<10112x16xf32, #tpu.memory_space<hbm>> -> memref<128x16xf32, #tpu.memory_space<hbm>>
      %dma_wait3A_30 = arith.constant 0 : i32
      %dma_wait3A_31 = tpu.memref_slice %arg2[%add3A_3, %dma_wait3A_30] : memref<10112x16xf32, #tpu.memory_space<hbm>> -> memref<128x16xf32, #tpu.memory_space<hbm>>
      tpu.wait_dma2 semaphore(%run_scoped3A_25 : memref<!tpu.dma_semaphore, #tpu.memory_space<semaphore_mem>>) src(%dma_wait3A_31 : memref<128x16xf32, #tpu.memory_space<hbm>>) dst(%arg11 : memref<128x16xf32, #tpu.memory_space<vmem>>)
      tpu.yield
    }) : () -> ()
    %run_scoped3A_4 = arith.constant 1 : i32
    "tpu.region"() ({
      %run_scoped3A_25 = tpu.sem_alloc : memref<!tpu.dma_semaphore, #tpu.memory_space<semaphore_mem>>
      %dma_start3A = arith.constant 0 : i32
      %dma_start3A_26 = tpu.memref_slice %arg10[%run_scoped3A_4, %dma_start3A] : memref<5x128xi32, #tpu.memory_space<vmem>> -> memref<1x128xi32, #tpu.memory_space<vmem>>
      %dma_start3A_27 = tpu.memref_squeeze %dma_start3A_26 : memref<1x128xi32, #tpu.memory_space<vmem>> -> memref<128xi32, #tpu.memory_space<vmem>>
      %dma_start3A_28 = arith.constant 0 : i32
      %dma_start3A_29 = arith.constant 0 : i32
      %dma_start3A_30 = tpu.memref_slice %arg13[%dma_start3A_28, %dma_start3A_29] : memref<10112x16xf32, #tpu.memory_space<vmem_shared>> -> memref<10112x16xf32, #tpu.memory_space<vmem_shared>>
      tpu.enqueue_indirect_dma source(%arg11 : memref<128x16xf32, #tpu.memory_space<vmem>>) target(%dma_start3A_30 : memref<10112x16xf32, #tpu.memory_space<vmem_shared>>) offsets(%dma_start3A_27 : memref<128xi32, #tpu.memory_space<vmem>>) semaphore(%run_scoped3A_25 : memref<!tpu.dma_semaphore, #tpu.memory_space<semaphore_mem>>)
      %dma_wait3A = arith.constant 0 : i32
      %dma_wait3A_31 = tpu.memref_slice %arg10[%run_scoped3A_4, %dma_wait3A] : memref<5x128xi32, #tpu.memory_space<vmem>> -> memref<1x128xi32, #tpu.memory_space<vmem>>
      %dma_wait3A_32 = tpu.memref_squeeze %dma_wait3A_31 : memref<1x128xi32, #tpu.memory_space<vmem>> -> memref<128xi32, #tpu.memory_space<vmem>>
      %dma_wait3A_33 = arith.constant 0 : i32
      %dma_wait3A_34 = arith.constant 0 : i32
      %dma_wait3A_35 = tpu.memref_slice %arg13[%dma_wait3A_33, %dma_wait3A_34] : memref<10112x16xf32, #tpu.memory_space<vmem_shared>> -> memref<10112x16xf32, #tpu.memory_space<vmem_shared>>
      tpu.wait_indirect_dma semaphore(%run_scoped3A_25 : memref<!tpu.dma_semaphore, #tpu.memory_space<semaphore_mem>>) src(%arg11 : memref<128x16xf32, #tpu.memory_space<vmem>>) dst(%dma_wait3A_35 : memref<10112x16xf32, #tpu.memory_space<vmem_shared>>)
      tpu.yield
    }) : () -> ()
    %add3A_5 = arith.constant 256 : i32
    %add3A_6 = arith.addi %mul3A_0, %add3A_5 : i32
    "tpu.region"() ({
      %run_scoped3A_25 = tpu.sem_alloc : memref<!tpu.dma_semaphore, #tpu.memory_space<semaphore_mem>>
      %dma_start3A = arith.constant 0 : i32
      %dma_start3A_26 = tpu.memref_slice %arg2[%add3A_6, %dma_start3A] : memref<10112x16xf32, #tpu.memory_space<hbm>> -> memref<128x16xf32, #tpu.memory_space<hbm>>
      %dma_start3A_27 = arith.constant 0 : i32
      %dma_start3A_28 = tpu.memref_slice %arg2[%add3A_6, %dma_start3A_27] : memref<10112x16xf32, #tpu.memory_space<hbm>> -> memref<128x16xf32, #tpu.memory_space<hbm>>
      tpu.enqueue_dma source(%dma_start3A_28 : memref<128x16xf32, #tpu.memory_space<hbm>>) target(%arg11 : memref<128x16xf32, #tpu.memory_space<vmem>>) target_semaphore(%run_scoped3A_25 : memref<!tpu.dma_semaphore, #tpu.memory_space<semaphore_mem>>)
      %dma_wait3A = arith.constant 0 : i32
      %dma_wait3A_29 = tpu.memref_slice %arg2[%add3A_6, %dma_wait3A] : memref<10112x16xf32, #tpu.memory_space<hbm>> -> memref<128x16xf32, #tpu.memory_space<hbm>>
      %dma_wait3A_30 = arith.constant 0 : i32
      %dma_wait3A_31 = tpu.memref_slice %arg2[%add3A_6, %dma_wait3A_30] : memref<10112x16xf32, #tpu.memory_space<hbm>> -> memref<128x16xf32, #tpu.memory_space<hbm>>
      tpu.wait_dma2 semaphore(%run_scoped3A_25 : memref<!tpu.dma_semaphore, #tpu.memory_space<semaphore_mem>>) src(%dma_wait3A_31 : memref<128x16xf32, #tpu.memory_space<hbm>>) dst(%arg11 : memref<128x16xf32, #tpu.memory_space<vmem>>)
      tpu.yield
    }) : () -> ()
    %run_scoped3A_7 = arith.constant 2 : i32
    "tpu.region"() ({
      %run_scoped3A_25 = tpu.sem_alloc : memref<!tpu.dma_semaphore, #tpu.memory_space<semaphore_mem>>
      %dma_start3A = arith.constant 0 : i32
      %dma_start3A_26 = tpu.memref_slice %arg10[%run_scoped3A_7, %dma_start3A] : memref<5x128xi32, #tpu.memory_space<vmem>> -> memref<1x128xi32, #tpu.memory_space<vmem>>
      %dma_start3A_27 = tpu.memref_squeeze %dma_start3A_26 : memref<1x128xi32, #tpu.memory_space<vmem>> -> memref<128xi32, #tpu.memory_space<vmem>>
      %dma_start3A_28 = arith.constant 0 : i32
      %dma_start3A_29 = arith.constant 0 : i32
      %dma_start3A_30 = tpu.memref_slice %arg13[%dma_start3A_28, %dma_start3A_29] : memref<10112x16xf32, #tpu.memory_space<vmem_shared>> -> memref<10112x16xf32, #tpu.memory_space<vmem_shared>>
      tpu.enqueue_indirect_dma source(%arg11 : memref<128x16xf32, #tpu.memory_space<vmem>>) target(%dma_start3A_30 : memref<10112x16xf32, #tpu.memory_space<vmem_shared>>) offsets(%dma_start3A_27 : memref<128xi32, #tpu.memory_space<vmem>>) semaphore(%run_scoped3A_25 : memref<!tpu.dma_semaphore, #tpu.memory_space<semaphore_mem>>)
      %dma_wait3A = arith.constant 0 : i32
      %dma_wait3A_31 = tpu.memref_slice %arg10[%run_scoped3A_7, %dma_wait3A] : memref<5x128xi32, #tpu.memory_space<vmem>> -> memref<1x128xi32, #tpu.memory_space<vmem>>
      %dma_wait3A_32 = tpu.memref_squeeze %dma_wait3A_31 : memref<1x128xi32, #tpu.memory_space<vmem>> -> memref<128xi32, #tpu.memory_space<vmem>>
      %dma_wait3A_33 = arith.constant 0 : i32
      %dma_wait3A_34 = arith.constant 0 : i32
      %dma_wait3A_35 = tpu.memref_slice %arg13[%dma_wait3A_33, %dma_wait3A_34] : memref<10112x16xf32, #tpu.memory_space<vmem_shared>> -> memref<10112x16xf32, #tpu.memory_space<vmem_shared>>
      tpu.wait_indirect_dma semaphore(%run_scoped3A_25 : memref<!tpu.dma_semaphore, #tpu.memory_space<semaphore_mem>>) src(%arg11 : memref<128x16xf32, #tpu.memory_space<vmem>>) dst(%dma_wait3A_35 : memref<10112x16xf32, #tpu.memory_space<vmem_shared>>)
      tpu.yield
    }) : () -> ()
    %add3A_8 = arith.constant 384 : i32
    %add3A_9 = arith.addi %mul3A_0, %add3A_8 : i32
    "tpu.region"() ({
      %run_scoped3A_25 = tpu.sem_alloc : memref<!tpu.dma_semaphore, #tpu.memory_space<semaphore_mem>>
      %dma_start3A = arith.constant 0 : i32
      %dma_start3A_26 = tpu.memref_slice %arg2[%add3A_9, %dma_start3A] : memref<10112x16xf32, #tpu.memory_space<hbm>> -> memref<128x16xf32, #tpu.memory_space<hbm>>
      %dma_start3A_27 = arith.constant 0 : i32
      %dma_start3A_28 = tpu.memref_slice %arg2[%add3A_9, %dma_start3A_27] : memref<10112x16xf32, #tpu.memory_space<hbm>> -> memref<128x16xf32, #tpu.memory_space<hbm>>
      tpu.enqueue_dma source(%dma_start3A_28 : memref<128x16xf32, #tpu.memory_space<hbm>>) target(%arg11 : memref<128x16xf32, #tpu.memory_space<vmem>>) target_semaphore(%run_scoped3A_25 : memref<!tpu.dma_semaphore, #tpu.memory_space<semaphore_mem>>)
      %dma_wait3A = arith.constant 0 : i32
      %dma_wait3A_29 = tpu.memref_slice %arg2[%add3A_9, %dma_wait3A] : memref<10112x16xf32, #tpu.memory_space<hbm>> -> memref<128x16xf32, #tpu.memory_space<hbm>>
      %dma_wait3A_30 = arith.constant 0 : i32
      %dma_wait3A_31 = tpu.memref_slice %arg2[%add3A_9, %dma_wait3A_30] : memref<10112x16xf32, #tpu.memory_space<hbm>> -> memref<128x16xf32, #tpu.memory_space<hbm>>
      tpu.wait_dma2 semaphore(%run_scoped3A_25 : memref<!tpu.dma_semaphore, #tpu.memory_space<semaphore_mem>>) src(%dma_wait3A_31 : memref<128x16xf32, #tpu.memory_space<hbm>>) dst(%arg11 : memref<128x16xf32, #tpu.memory_space<vmem>>)
      tpu.yield
    }) : () -> ()
    %run_scoped3A_10 = arith.constant 3 : i32
    "tpu.region"() ({
      %run_scoped3A_25 = tpu.sem_alloc : memref<!tpu.dma_semaphore, #tpu.memory_space<semaphore_mem>>
      %dma_start3A = arith.constant 0 : i32
      %dma_start3A_26 = tpu.memref_slice %arg10[%run_scoped3A_10, %dma_start3A] : memref<5x128xi32, #tpu.memory_space<vmem>> -> memref<1x128xi32, #tpu.memory_space<vmem>>
      %dma_start3A_27 = tpu.memref_squeeze %dma_start3A_26 : memref<1x128xi32, #tpu.memory_space<vmem>> -> memref<128xi32, #tpu.memory_space<vmem>>
      %dma_start3A_28 = arith.constant 0 : i32
      %dma_start3A_29 = arith.constant 0 : i32
      %dma_start3A_30 = tpu.memref_slice %arg13[%dma_start3A_28, %dma_start3A_29] : memref<10112x16xf32, #tpu.memory_space<vmem_shared>> -> memref<10112x16xf32, #tpu.memory_space<vmem_shared>>
      tpu.enqueue_indirect_dma source(%arg11 : memref<128x16xf32, #tpu.memory_space<vmem>>) target(%dma_start3A_30 : memref<10112x16xf32, #tpu.memory_space<vmem_shared>>) offsets(%dma_start3A_27 : memref<128xi32, #tpu.memory_space<vmem>>) semaphore(%run_scoped3A_25 : memref<!tpu.dma_semaphore, #tpu.memory_space<semaphore_mem>>)
      %dma_wait3A = arith.constant 0 : i32
      %dma_wait3A_31 = tpu.memref_slice %arg10[%run_scoped3A_10, %dma_wait3A] : memref<5x128xi32, #tpu.memory_space<vmem>> -> memref<1x128xi32, #tpu.memory_space<vmem>>
      %dma_wait3A_32 = tpu.memref_squeeze %dma_wait3A_31 : memref<1x128xi32, #tpu.memory_space<vmem>> -> memref<128xi32, #tpu.memory_space<vmem>>
      %dma_wait3A_33 = arith.constant 0 : i32
      %dma_wait3A_34 = arith.constant 0 : i32
      %dma_wait3A_35 = tpu.memref_slice %arg13[%dma_wait3A_33, %dma_wait3A_34] : memref<10112x16xf32, #tpu.memory_space<vmem_shared>> -> memref<10112x16xf32, #tpu.memory_space<vmem_shared>>
      tpu.wait_indirect_dma semaphore(%run_scoped3A_25 : memref<!tpu.dma_semaphore, #tpu.memory_space<semaphore_mem>>) src(%arg11 : memref<128x16xf32, #tpu.memory_space<vmem>>) dst(%dma_wait3A_35 : memref<10112x16xf32, #tpu.memory_space<vmem_shared>>)
      tpu.yield
    }) : () -> ()
    %add3A_11 = arith.constant 504 : i32
    %add3A_12 = arith.addi %mul3A_0, %add3A_11 : i32
    "tpu.region"() ({
      %run_scoped3A_25 = tpu.sem_alloc : memref<!tpu.dma_semaphore, #tpu.memory_space<semaphore_mem>>
      %dma_start3A = arith.constant 0 : i32
      %dma_start3A_26 = tpu.memref_slice %arg2[%add3A_12, %dma_start3A] : memref<10112x16xf32, #tpu.memory_space<hbm>> -> memref<128x16xf32, #tpu.memory_space<hbm>>
      %dma_start3A_27 = arith.constant 0 : i32
      %dma_start3A_28 = tpu.memref_slice %arg2[%add3A_12, %dma_start3A_27] : memref<10112x16xf32, #tpu.memory_space<hbm>> -> memref<128x16xf32, #tpu.memory_space<hbm>>
      tpu.enqueue_dma source(%dma_start3A_28 : memref<128x16xf32, #tpu.memory_space<hbm>>) target(%arg11 : memref<128x16xf32, #tpu.memory_space<vmem>>) target_semaphore(%run_scoped3A_25 : memref<!tpu.dma_semaphore, #tpu.memory_space<semaphore_mem>>)
      %dma_wait3A = arith.constant 0 : i32
      %dma_wait3A_29 = tpu.memref_slice %arg2[%add3A_12, %dma_wait3A] : memref<10112x16xf32, #tpu.memory_space<hbm>> -> memref<128x16xf32, #tpu.memory_space<hbm>>
      %dma_wait3A_30 = arith.constant 0 : i32
      %dma_wait3A_31 = tpu.memref_slice %arg2[%add3A_12, %dma_wait3A_30] : memref<10112x16xf32, #tpu.memory_space<hbm>> -> memref<128x16xf32, #tpu.memory_space<hbm>>
      tpu.wait_dma2 semaphore(%run_scoped3A_25 : memref<!tpu.dma_semaphore, #tpu.memory_space<semaphore_mem>>) src(%dma_wait3A_31 : memref<128x16xf32, #tpu.memory_space<hbm>>) dst(%arg11 : memref<128x16xf32, #tpu.memory_space<vmem>>)
      tpu.yield
    }) : () -> ()
    %run_scoped3A_13 = arith.constant 4 : i32
    "tpu.region"() ({
      %run_scoped3A_25 = tpu.sem_alloc : memref<!tpu.dma_semaphore, #tpu.memory_space<semaphore_mem>>
      %dma_start3A = arith.constant 0 : i32
      %dma_start3A_26 = tpu.memref_slice %arg10[%run_scoped3A_13, %dma_start3A] : memref<5x128xi32, #tpu.memory_space<vmem>> -> memref<1x128xi32, #tpu.memory_space<vmem>>
      %dma_start3A_27 = tpu.memref_squeeze %dma_start3A_26 : memref<1x128xi32, #tpu.memory_space<vmem>> -> memref<128xi32, #tpu.memory_space<vmem>>
      %dma_start3A_28 = arith.constant 0 : i32
      %dma_start3A_29 = arith.constant 0 : i32
      %dma_start3A_30 = tpu.memref_slice %arg13[%dma_start3A_28, %dma_start3A_29] : memref<10112x16xf32, #tpu.memory_space<vmem_shared>> -> memref<10112x16xf32, #tpu.memory_space<vmem_shared>>
      tpu.enqueue_indirect_dma source(%arg11 : memref<128x16xf32, #tpu.memory_space<vmem>>) target(%dma_start3A_30 : memref<10112x16xf32, #tpu.memory_space<vmem_shared>>) offsets(%dma_start3A_27 : memref<128xi32, #tpu.memory_space<vmem>>) semaphore(%run_scoped3A_25 : memref<!tpu.dma_semaphore, #tpu.memory_space<semaphore_mem>>)
      %dma_wait3A = arith.constant 0 : i32
      %dma_wait3A_31 = tpu.memref_slice %arg10[%run_scoped3A_13, %dma_wait3A] : memref<5x128xi32, #tpu.memory_space<vmem>> -> memref<1x128xi32, #tpu.memory_space<vmem>>
      %dma_wait3A_32 = tpu.memref_squeeze %dma_wait3A_31 : memref<1x128xi32, #tpu.memory_space<vmem>> -> memref<128xi32, #tpu.memory_space<vmem>>
      %dma_wait3A_33 = arith.constant 0 : i32
      %dma_wait3A_34 = arith.constant 0 : i32
      %dma_wait3A_35 = tpu.memref_slice %arg13[%dma_wait3A_33, %dma_wait3A_34] : memref<10112x16xf32, #tpu.memory_space<vmem_shared>> -> memref<10112x16xf32, #tpu.memory_space<vmem_shared>>
      tpu.wait_indirect_dma semaphore(%run_scoped3A_25 : memref<!tpu.dma_semaphore, #tpu.memory_space<semaphore_mem>>) src(%arg11 : memref<128x16xf32, #tpu.memory_space<vmem>>) dst(%dma_wait3A_35 : memref<10112x16xf32, #tpu.memory_space<vmem_shared>>)
      tpu.yield
    }) : () -> ()
    "tpu.region"() ({
      %run_scoped3A_25 = tpu.sem_alloc : memref<!tpu.dma_semaphore, #tpu.memory_space<semaphore_mem>>
      tpu.enqueue_dma source(%arg6 : memref<128x16xf32, #tpu.memory_space<hbm>>) target(%arg11 : memref<128x16xf32, #tpu.memory_space<vmem>>) target_semaphore(%run_scoped3A_25 : memref<!tpu.dma_semaphore, #tpu.memory_space<semaphore_mem>>)
      tpu.wait_dma2 semaphore(%run_scoped3A_25 : memref<!tpu.dma_semaphore, #tpu.memory_space<semaphore_mem>>) src(%arg6 : memref<128x16xf32, #tpu.memory_space<hbm>>) dst(%arg11 : memref<128x16xf32, #tpu.memory_space<vmem>>)
      tpu.yield
    }) : () -> ()
    %run_scoped3A_14 = arith.constant 0 : i32
    "tpu.region"() ({
      %run_scoped3A_25 = tpu.sem_alloc : memref<!tpu.dma_semaphore, #tpu.memory_space<semaphore_mem>>
      %dma_start3A = arith.constant 0 : i32
      %dma_start3A_26 = tpu.memref_slice %arg10[%run_scoped3A_14, %dma_start3A] : memref<5x128xi32, #tpu.memory_space<vmem>> -> memref<1x128xi32, #tpu.memory_space<vmem>>
      %dma_start3A_27 = tpu.memref_squeeze %dma_start3A_26 : memref<1x128xi32, #tpu.memory_space<vmem>> -> memref<128xi32, #tpu.memory_space<vmem>>
      %dma_start3A_28 = arith.constant 0 : i32
      %dma_start3A_29 = arith.constant 0 : i32
      %dma_start3A_30 = tpu.memref_slice %arg12[%dma_start3A_28, %dma_start3A_29] : memref<10112x16xf32, #tpu.memory_space<vmem_shared>> -> memref<10112x16xf32, #tpu.memory_space<vmem_shared>>
      tpu.enqueue_indirect_dma source(%arg11 : memref<128x16xf32, #tpu.memory_space<vmem>>) target(%dma_start3A_30 : memref<10112x16xf32, #tpu.memory_space<vmem_shared>>) offsets(%dma_start3A_27 : memref<128xi32, #tpu.memory_space<vmem>>) semaphore(%run_scoped3A_25 : memref<!tpu.dma_semaphore, #tpu.memory_space<semaphore_mem>>)
      %dma_wait3A = arith.constant 0 : i32
      %dma_wait3A_31 = tpu.memref_slice %arg10[%run_scoped3A_14, %dma_wait3A] : memref<5x128xi32, #tpu.memory_space<vmem>> -> memref<1x128xi32, #tpu.memory_space<vmem>>
      %dma_wait3A_32 = tpu.memref_squeeze %dma_wait3A_31 : memref<1x128xi32, #tpu.memory_space<vmem>> -> memref<128xi32, #tpu.memory_space<vmem>>
      %dma_wait3A_33 = arith.constant 0 : i32
      %dma_wait3A_34 = arith.constant 0 : i32
      %dma_wait3A_35 = tpu.memref_slice %arg12[%dma_wait3A_33, %dma_wait3A_34] : memref<10112x16xf32, #tpu.memory_space<vmem_shared>> -> memref<10112x16xf32, #tpu.memory_space<vmem_shared>>
      tpu.wait_indirect_dma semaphore(%run_scoped3A_25 : memref<!tpu.dma_semaphore, #tpu.memory_space<semaphore_mem>>) src(%arg11 : memref<128x16xf32, #tpu.memory_space<vmem>>) dst(%dma_wait3A_35 : memref<10112x16xf32, #tpu.memory_space<vmem_shared>>)
      tpu.yield
    }) : () -> ()
    %run_scoped3A_15 = arith.constant 1 : i32
    "tpu.region"() ({
      %run_scoped3A_25 = tpu.sem_alloc : memref<!tpu.dma_semaphore, #tpu.memory_space<semaphore_mem>>
      %dma_start3A = arith.constant 0 : i32
      %dma_start3A_26 = tpu.memref_slice %arg10[%run_scoped3A_15, %dma_start3A] : memref<5x128xi32, #tpu.memory_space<vmem>> -> memref<1x128xi32, #tpu.memory_space<vmem>>
      %dma_start3A_27 = tpu.memref_squeeze %dma_start3A_26 : memref<1x128xi32, #tpu.memory_space<vmem>> -> memref<128xi32, #tpu.memory_space<vmem>>
      %dma_start3A_28 = arith.constant 0 : i32
      %dma_start3A_29 = arith.constant 0 : i32
      %dma_start3A_30 = tpu.memref_slice %arg12[%dma_start3A_28, %dma_start3A_29] : memref<10112x16xf32, #tpu.memory_space<vmem_shared>> -> memref<10112x16xf32, #tpu.memory_space<vmem_shared>>
      tpu.enqueue_indirect_dma source(%arg11 : memref<128x16xf32, #tpu.memory_space<vmem>>) target(%dma_start3A_30 : memref<10112x16xf32, #tpu.memory_space<vmem_shared>>) offsets(%dma_start3A_27 : memref<128xi32, #tpu.memory_space<vmem>>) semaphore(%run_scoped3A_25 : memref<!tpu.dma_semaphore, #tpu.memory_space<semaphore_mem>>)
      %dma_wait3A = arith.constant 0 : i32
      %dma_wait3A_31 = tpu.memref_slice %arg10[%run_scoped3A_15, %dma_wait3A] : memref<5x128xi32, #tpu.memory_space<vmem>> -> memref<1x128xi32, #tpu.memory_space<vmem>>
      %dma_wait3A_32 = tpu.memref_squeeze %dma_wait3A_31 : memref<1x128xi32, #tpu.memory_space<vmem>> -> memref<128xi32, #tpu.memory_space<vmem>>
      %dma_wait3A_33 = arith.constant 0 : i32
      %dma_wait3A_34 = arith.constant 0 : i32
      %dma_wait3A_35 = tpu.memref_slice %arg12[%dma_wait3A_33, %dma_wait3A_34] : memref<10112x16xf32, #tpu.memory_space<vmem_shared>> -> memref<10112x16xf32, #tpu.memory_space<vmem_shared>>
      tpu.wait_indirect_dma semaphore(%run_scoped3A_25 : memref<!tpu.dma_semaphore, #tpu.memory_space<semaphore_mem>>) src(%arg11 : memref<128x16xf32, #tpu.memory_space<vmem>>) dst(%dma_wait3A_35 : memref<10112x16xf32, #tpu.memory_space<vmem_shared>>)
      tpu.yield
    }) : () -> ()
    %run_scoped3A_16 = arith.constant 2 : i32
    "tpu.region"() ({
      %run_scoped3A_25 = tpu.sem_alloc : memref<!tpu.dma_semaphore, #tpu.memory_space<semaphore_mem>>
      %dma_start3A = arith.constant 0 : i32
      %dma_start3A_26 = tpu.memref_slice %arg10[%run_scoped3A_16, %dma_start3A] : memref<5x128xi32, #tpu.memory_space<vmem>> -> memref<1x128xi32, #tpu.memory_space<vmem>>
      %dma_start3A_27 = tpu.memref_squeeze %dma_start3A_26 : memref<1x128xi32, #tpu.memory_space<vmem>> -> memref<128xi32, #tpu.memory_space<vmem>>
      %dma_start3A_28 = arith.constant 0 : i32
      %dma_start3A_29 = arith.constant 0 : i32
      %dma_start3A_30 = tpu.memref_slice %arg12[%dma_start3A_28, %dma_start3A_29] : memref<10112x16xf32, #tpu.memory_space<vmem_shared>> -> memref<10112x16xf32, #tpu.memory_space<vmem_shared>>
      tpu.enqueue_indirect_dma source(%arg11 : memref<128x16xf32, #tpu.memory_space<vmem>>) target(%dma_start3A_30 : memref<10112x16xf32, #tpu.memory_space<vmem_shared>>) offsets(%dma_start3A_27 : memref<128xi32, #tpu.memory_space<vmem>>) semaphore(%run_scoped3A_25 : memref<!tpu.dma_semaphore, #tpu.memory_space<semaphore_mem>>)
      %dma_wait3A = arith.constant 0 : i32
      %dma_wait3A_31 = tpu.memref_slice %arg10[%run_scoped3A_16, %dma_wait3A] : memref<5x128xi32, #tpu.memory_space<vmem>> -> memref<1x128xi32, #tpu.memory_space<vmem>>
      %dma_wait3A_32 = tpu.memref_squeeze %dma_wait3A_31 : memref<1x128xi32, #tpu.memory_space<vmem>> -> memref<128xi32, #tpu.memory_space<vmem>>
      %dma_wait3A_33 = arith.constant 0 : i32
      %dma_wait3A_34 = arith.constant 0 : i32
      %dma_wait3A_35 = tpu.memref_slice %arg12[%dma_wait3A_33, %dma_wait3A_34] : memref<10112x16xf32, #tpu.memory_space<vmem_shared>> -> memref<10112x16xf32, #tpu.memory_space<vmem_shared>>
      tpu.wait_indirect_dma semaphore(%run_scoped3A_25 : memref<!tpu.dma_semaphore, #tpu.memory_space<semaphore_mem>>) src(%arg11 : memref<128x16xf32, #tpu.memory_space<vmem>>) dst(%dma_wait3A_35 : memref<10112x16xf32, #tpu.memory_space<vmem_shared>>)
      tpu.yield
    }) : () -> ()
    %run_scoped3A_17 = arith.constant 3 : i32
    "tpu.region"() ({
      %run_scoped3A_25 = tpu.sem_alloc : memref<!tpu.dma_semaphore, #tpu.memory_space<semaphore_mem>>
      %dma_start3A = arith.constant 0 : i32
      %dma_start3A_26 = tpu.memref_slice %arg10[%run_scoped3A_17, %dma_start3A] : memref<5x128xi32, #tpu.memory_space<vmem>> -> memref<1x128xi32, #tpu.memory_space<vmem>>
      %dma_start3A_27 = tpu.memref_squeeze %dma_start3A_26 : memref<1x128xi32, #tpu.memory_space<vmem>> -> memref<128xi32, #tpu.memory_space<vmem>>
      %dma_start3A_28 = arith.constant 0 : i32
      %dma_start3A_29 = arith.constant 0 : i32
      %dma_start3A_30 = tpu.memref_slice %arg12[%dma_start3A_28, %dma_start3A_29] : memref<10112x16xf32, #tpu.memory_space<vmem_shared>> -> memref<10112x16xf32, #tpu.memory_space<vmem_shared>>
      tpu.enqueue_indirect_dma source(%arg11 : memref<128x16xf32, #tpu.memory_space<vmem>>) target(%dma_start3A_30 : memref<10112x16xf32, #tpu.memory_space<vmem_shared>>) offsets(%dma_start3A_27 : memref<128xi32, #tpu.memory_space<vmem>>) semaphore(%run_scoped3A_25 : memref<!tpu.dma_semaphore, #tpu.memory_space<semaphore_mem>>)
      %dma_wait3A = arith.constant 0 : i32
      %dma_wait3A_31 = tpu.memref_slice %arg10[%run_scoped3A_17, %dma_wait3A] : memref<5x128xi32, #tpu.memory_space<vmem>> -> memref<1x128xi32, #tpu.memory_space<vmem>>
      %dma_wait3A_32 = tpu.memref_squeeze %dma_wait3A_31 : memref<1x128xi32, #tpu.memory_space<vmem>> -> memref<128xi32, #tpu.memory_space<vmem>>
      %dma_wait3A_33 = arith.constant 0 : i32
      %dma_wait3A_34 = arith.constant 0 : i32
      %dma_wait3A_35 = tpu.memref_slice %arg12[%dma_wait3A_33, %dma_wait3A_34] : memref<10112x16xf32, #tpu.memory_space<vmem_shared>> -> memref<10112x16xf32, #tpu.memory_space<vmem_shared>>
      tpu.wait_indirect_dma semaphore(%run_scoped3A_25 : memref<!tpu.dma_semaphore, #tpu.memory_space<semaphore_mem>>) src(%arg11 : memref<128x16xf32, #tpu.memory_space<vmem>>) dst(%dma_wait3A_35 : memref<10112x16xf32, #tpu.memory_space<vmem_shared>>)
      tpu.yield
    }) : () -> ()
    %run_scoped3A_18 = arith.constant 4 : i32
    "tpu.region"() ({
      %run_scoped3A_25 = tpu.sem_alloc : memref<!tpu.dma_semaphore, #tpu.memory_space<semaphore_mem>>
      %dma_start3A = arith.constant 0 : i32
      %dma_start3A_26 = tpu.memref_slice %arg10[%run_scoped3A_18, %dma_start3A] : memref<5x128xi32, #tpu.memory_space<vmem>> -> memref<1x128xi32, #tpu.memory_space<vmem>>
      %dma_start3A_27 = tpu.memref_squeeze %dma_start3A_26 : memref<1x128xi32, #tpu.memory_space<vmem>> -> memref<128xi32, #tpu.memory_space<vmem>>
      %dma_start3A_28 = arith.constant 0 : i32
      %dma_start3A_29 = arith.constant 0 : i32
      %dma_start3A_30 = tpu.memref_slice %arg12[%dma_start3A_28, %dma_start3A_29] : memref<10112x16xf32, #tpu.memory_space<vmem_shared>> -> memref<10112x16xf32, #tpu.memory_space<vmem_shared>>
      tpu.enqueue_indirect_dma source(%arg11 : memref<128x16xf32, #tpu.memory_space<vmem>>) target(%dma_start3A_30 : memref<10112x16xf32, #tpu.memory_space<vmem_shared>>) offsets(%dma_start3A_27 : memref<128xi32, #tpu.memory_space<vmem>>) semaphore(%run_scoped3A_25 : memref<!tpu.dma_semaphore, #tpu.memory_space<semaphore_mem>>)
      %dma_wait3A = arith.constant 0 : i32
      %dma_wait3A_31 = tpu.memref_slice %arg10[%run_scoped3A_18, %dma_wait3A] : memref<5x128xi32, #tpu.memory_space<vmem>> -> memref<1x128xi32, #tpu.memory_space<vmem>>
      %dma_wait3A_32 = tpu.memref_squeeze %dma_wait3A_31 : memref<1x128xi32, #tpu.memory_space<vmem>> -> memref<128xi32, #tpu.memory_space<vmem>>
      %dma_wait3A_33 = arith.constant 0 : i32
      %dma_wait3A_34 = arith.constant 0 : i32
      %dma_wait3A_35 = tpu.memref_slice %arg12[%dma_wait3A_33, %dma_wait3A_34] : memref<10112x16xf32, #tpu.memory_space<vmem_shared>> -> memref<10112x16xf32, #tpu.memory_space<vmem_shared>>
      tpu.wait_indirect_dma semaphore(%run_scoped3A_25 : memref<!tpu.dma_semaphore, #tpu.memory_space<semaphore_mem>>) src(%arg11 : memref<128x16xf32, #tpu.memory_space<vmem>>) dst(%dma_wait3A_35 : memref<10112x16xf32, #tpu.memory_space<vmem_shared>>)
      tpu.yield
    }) : () -> ()
    "tpu.region"() ({
      %run_scoped3A_25 = tpu.sem_alloc : memref<!tpu.dma_semaphore, #tpu.memory_space<semaphore_mem>>
      %dma_start3A = arith.constant 0 : i32
      %dma_start3A_26 = arith.constant 0 : i32
      %dma_start3A_27 = tpu.memref_slice %arg3[%arg0, %arg1, %dma_start3A, %dma_start3A_26] : memref<2x16x80x128xi32, #tpu.memory_space<hbm>> -> memref<1x1x80x128xi32, #tpu.memory_space<hbm>>
      %dma_start3A_28 = tpu.memref_squeeze %dma_start3A_27 : memref<1x1x80x128xi32, #tpu.memory_space<hbm>> -> memref<80x128xi32, #tpu.memory_space<hbm>>
      %dma_start3A_29 = arith.constant 0 : i32
      %dma_start3A_30 = arith.constant 0 : i32
      %dma_start3A_31 = tpu.memref_slice %arg3[%arg0, %arg1, %dma_start3A_29, %dma_start3A_30] : memref<2x16x80x128xi32, #tpu.memory_space<hbm>> -> memref<1x1x80x128xi32, #tpu.memory_space<hbm>>
      %dma_start3A_32 = tpu.memref_squeeze %dma_start3A_31 : memref<1x1x80x128xi32, #tpu.memory_space<hbm>> -> memref<80x128xi32, #tpu.memory_space<hbm>>
      tpu.enqueue_dma source(%dma_start3A_32 : memref<80x128xi32, #tpu.memory_space<hbm>>) target(%arg8 : memref<80x128xi32, #tpu.memory_space<vmem>>) target_semaphore(%run_scoped3A_25 : memref<!tpu.dma_semaphore, #tpu.memory_space<semaphore_mem>>)
      %dma_wait3A = arith.constant 0 : i32
      %dma_wait3A_33 = arith.constant 0 : i32
      %dma_wait3A_34 = tpu.memref_slice %arg3[%arg0, %arg1, %dma_wait3A, %dma_wait3A_33] : memref<2x16x80x128xi32, #tpu.memory_space<hbm>> -> memref<1x1x80x128xi32, #tpu.memory_space<hbm>>
      %dma_wait3A_35 = tpu.memref_squeeze %dma_wait3A_34 : memref<1x1x80x128xi32, #tpu.memory_space<hbm>> -> memref<80x128xi32, #tpu.memory_space<hbm>>
      %dma_wait3A_36 = arith.constant 0 : i32
      %dma_wait3A_37 = arith.constant 0 : i32
      %dma_wait3A_38 = tpu.memref_slice %arg3[%arg0, %arg1, %dma_wait3A_36, %dma_wait3A_37] : memref<2x16x80x128xi32, #tpu.memory_space<hbm>> -> memref<1x1x80x128xi32, #tpu.memory_space<hbm>>
      %dma_wait3A_39 = tpu.memref_squeeze %dma_wait3A_38 : memref<1x1x80x128xi32, #tpu.memory_space<hbm>> -> memref<80x128xi32, #tpu.memory_space<hbm>>
      tpu.wait_dma2 semaphore(%run_scoped3A_25 : memref<!tpu.dma_semaphore, #tpu.memory_space<semaphore_mem>>) src(%dma_wait3A_39 : memref<80x128xi32, #tpu.memory_space<hbm>>) dst(%arg8 : memref<80x128xi32, #tpu.memory_space<vmem>>)
      tpu.yield
    }) : () -> ()
    "tpu.region"() ({
      %run_scoped3A_25 = tpu.sem_alloc : memref<!tpu.dma_semaphore, #tpu.memory_space<semaphore_mem>>
      %dma_start3A = arith.constant 0 : i32
      %dma_start3A_26 = arith.constant 0 : i32
      %dma_start3A_27 = tpu.memref_slice %arg4[%arg0, %arg1, %dma_start3A, %dma_start3A_26] : memref<2x16x80x128xi32, #tpu.memory_space<hbm>> -> memref<1x1x80x128xi32, #tpu.memory_space<hbm>>
      %dma_start3A_28 = tpu.memref_squeeze %dma_start3A_27 : memref<1x1x80x128xi32, #tpu.memory_space<hbm>> -> memref<80x128xi32, #tpu.memory_space<hbm>>
      %dma_start3A_29 = arith.constant 0 : i32
      %dma_start3A_30 = arith.constant 0 : i32
      %dma_start3A_31 = tpu.memref_slice %arg4[%arg0, %arg1, %dma_start3A_29, %dma_start3A_30] : memref<2x16x80x128xi32, #tpu.memory_space<hbm>> -> memref<1x1x80x128xi32, #tpu.memory_space<hbm>>
      %dma_start3A_32 = tpu.memref_squeeze %dma_start3A_31 : memref<1x1x80x128xi32, #tpu.memory_space<hbm>> -> memref<80x128xi32, #tpu.memory_space<hbm>>
      tpu.enqueue_dma source(%dma_start3A_32 : memref<80x128xi32, #tpu.memory_space<hbm>>) target(%arg9 : memref<80x128xi32, #tpu.memory_space<vmem>>) target_semaphore(%run_scoped3A_25 : memref<!tpu.dma_semaphore, #tpu.memory_space<semaphore_mem>>)
      %dma_wait3A = arith.constant 0 : i32
      %dma_wait3A_33 = arith.constant 0 : i32
      %dma_wait3A_34 = tpu.memref_slice %arg4[%arg0, %arg1, %dma_wait3A, %dma_wait3A_33] : memref<2x16x80x128xi32, #tpu.memory_space<hbm>> -> memref<1x1x80x128xi32, #tpu.memory_space<hbm>>
      %dma_wait3A_35 = tpu.memref_squeeze %dma_wait3A_34 : memref<1x1x80x128xi32, #tpu.memory_space<hbm>> -> memref<80x128xi32, #tpu.memory_space<hbm>>
      %dma_wait3A_36 = arith.constant 0 : i32
      %dma_wait3A_37 = arith.constant 0 : i32
      %dma_wait3A_38 = tpu.memref_slice %arg4[%arg0, %arg1, %dma_wait3A_36, %dma_wait3A_37] : memref<2x16x80x128xi32, #tpu.memory_space<hbm>> -> memref<1x1x80x128xi32, #tpu.memory_space<hbm>>
      %dma_wait3A_39 = tpu.memref_squeeze %dma_wait3A_38 : memref<1x1x80x128xi32, #tpu.memory_space<hbm>> -> memref<80x128xi32, #tpu.memory_space<hbm>>
      tpu.wait_dma2 semaphore(%run_scoped3A_25 : memref<!tpu.dma_semaphore, #tpu.memory_space<semaphore_mem>>) src(%dma_wait3A_39 : memref<80x128xi32, #tpu.memory_space<hbm>>) dst(%arg9 : memref<80x128xi32, #tpu.memory_space<vmem>>)
      tpu.yield
    }) : () -> ()
    %barrier3A = arith.constant 0 : index
    tpu.barrier barrier_id(%barrier3A)
    %scan3A = arith.constant 0 : i32
    %scan3A_19 = arith.constant 0 : i32
    %scan3A_20 = arith.constant 80 : i32
    %scan3A_21 = arith.addi %scan3A_19, %scan3A_20 : i32
    %scan3A_22 = arith.constant 1 : i32
    scf.for %scan3A_25 = %scan3A_19 to %scan3A_21 step %scan3A_22  : i32 {
      %dma_start3A = arith.constant 0 : i32
      %dma_start3A_26 = tpu.memref_slice %arg8[%scan3A_25, %dma_start3A] : memref<80x128xi32, #tpu.memory_space<vmem>> -> memref<1x128xi32, #tpu.memory_space<vmem>>
      %dma_start3A_27 = tpu.memref_squeeze %dma_start3A_26 : memref<1x128xi32, #tpu.memory_space<vmem>> -> memref<128xi32, #tpu.memory_space<vmem>>
      %dma_start3A_28 = arith.constant 0 : i32
      %dma_start3A_29 = arith.constant 0 : i32
      %dma_start3A_30 = tpu.memref_slice %arg13[%dma_start3A_28, %dma_start3A_29] : memref<10112x16xf32, #tpu.memory_space<vmem_shared>> -> memref<10112x16xf32, #tpu.memory_space<vmem_shared>>
      tpu.enqueue_indirect_dma source(%dma_start3A_30 : memref<10112x16xf32, #tpu.memory_space<vmem_shared>>) target(%arg11 : memref<128x16xf32, #tpu.memory_space<vmem>>) offsets(%dma_start3A_27 : memref<128xi32, #tpu.memory_space<vmem>>) semaphore(%arg14 : memref<!tpu.dma_semaphore, #tpu.memory_space<semaphore_mem>>)
      %dma_wait3A = arith.constant 0 : i32
      %dma_wait3A_31 = tpu.memref_slice %arg8[%scan3A_25, %dma_wait3A] : memref<80x128xi32, #tpu.memory_space<vmem>> -> memref<1x128xi32, #tpu.memory_space<vmem>>
      %dma_wait3A_32 = tpu.memref_squeeze %dma_wait3A_31 : memref<1x128xi32, #tpu.memory_space<vmem>> -> memref<128xi32, #tpu.memory_space<vmem>>
      %dma_wait3A_33 = arith.constant 0 : i32
      %dma_wait3A_34 = arith.constant 0 : i32
      %dma_wait3A_35 = tpu.memref_slice %arg13[%dma_wait3A_33, %dma_wait3A_34] : memref<10112x16xf32, #tpu.memory_space<vmem_shared>> -> memref<10112x16xf32, #tpu.memory_space<vmem_shared>>
      tpu.wait_indirect_dma semaphore(%arg14 : memref<!tpu.dma_semaphore, #tpu.memory_space<semaphore_mem>>) src(%dma_wait3A_35 : memref<10112x16xf32, #tpu.memory_space<vmem_shared>>) dst(%arg11 : memref<128x16xf32, #tpu.memory_space<vmem>>)
      "tpu.region"() ({
        %run_scoped3A_36 = tpu.sem_alloc : memref<!tpu.dma_semaphore, #tpu.memory_space<semaphore_mem>>
        %dma_start3A_37 = arith.constant 0 : i32
        %dma_start3A_38 = tpu.memref_slice %arg9[%scan3A_25, %dma_start3A_37] : memref<80x128xi32, #tpu.memory_space<vmem>> -> memref<1x128xi32, #tpu.memory_space<vmem>>
        %dma_start3A_39 = tpu.memref_squeeze %dma_start3A_38 : memref<1x128xi32, #tpu.memory_space<vmem>> -> memref<128xi32, #tpu.memory_space<vmem>>
        %dma_start3A_40 = arith.constant 0 : i32
        %dma_start3A_41 = arith.constant 0 : i32
        %dma_start3A_42 = tpu.memref_slice %arg12[%dma_start3A_40, %dma_start3A_41] : memref<10112x16xf32, #tpu.memory_space<vmem_shared>> -> memref<10112x16xf32, #tpu.memory_space<vmem_shared>>
        tpu.enqueue_indirect_dma source(%arg11 : memref<128x16xf32, #tpu.memory_space<vmem>>) target(%dma_start3A_42 : memref<10112x16xf32, #tpu.memory_space<vmem_shared>>) offsets(%dma_start3A_39 : memref<128xi32, #tpu.memory_space<vmem>>) semaphore(%run_scoped3A_36 : memref<!tpu.dma_semaphore, #tpu.memory_space<semaphore_mem>>) {add = true}
        %dma_wait3A_43 = arith.constant 0 : i32
        %dma_wait3A_44 = tpu.memref_slice %arg9[%scan3A_25, %dma_wait3A_43] : memref<80x128xi32, #tpu.memory_space<vmem>> -> memref<1x128xi32, #tpu.memory_space<vmem>>
        %dma_wait3A_45 = tpu.memref_squeeze %dma_wait3A_44 : memref<1x128xi32, #tpu.memory_space<vmem>> -> memref<128xi32, #tpu.memory_space<vmem>>
        %dma_wait3A_46 = arith.constant 0 : i32
        %dma_wait3A_47 = arith.constant 0 : i32
        %dma_wait3A_48 = tpu.memref_slice %arg12[%dma_wait3A_46, %dma_wait3A_47] : memref<10112x16xf32, #tpu.memory_space<vmem_shared>> -> memref<10112x16xf32, #tpu.memory_space<vmem_shared>>
        tpu.wait_indirect_dma semaphore(%run_scoped3A_36 : memref<!tpu.dma_semaphore, #tpu.memory_space<semaphore_mem>>) src(%arg11 : memref<128x16xf32, #tpu.memory_space<vmem>>) dst(%dma_wait3A_48 : memref<10112x16xf32, #tpu.memory_space<vmem_shared>>)
        tpu.yield
      }) : () -> ()
    }
    %scan3A_23 = arith.constant 80 : i32
    %barrier3A_24 = arith.constant 0 : index
    tpu.barrier barrier_id(%barrier3A_24)
    "tpu.region"() ({
      %run_scoped3A_25 = tpu.sem_alloc : memref<!tpu.dma_semaphore, #tpu.memory_space<semaphore_mem>>
      %dma_start3A = arith.constant 0 : i32
      %dma_start3A_26 = tpu.memref_slice %arg7[%arg0, %mul3A_0, %dma_start3A] : memref<2x10112x16xf32, #tpu.memory_space<hbm>> -> memref<1x632x16xf32, #tpu.memory_space<hbm>>
      %dma_start3A_27 = tpu.memref_squeeze %dma_start3A_26 : memref<1x632x16xf32, #tpu.memory_space<hbm>> -> memref<632x16xf32, #tpu.memory_space<hbm>>
      %dma_start3A_28 = arith.constant 0 : i32
      %dma_start3A_29 = tpu.memref_slice %arg12[%mul3A_0, %dma_start3A_28] : memref<10112x16xf32, #tpu.memory_space<vmem_shared>> -> memref<632x16xf32, #tpu.memory_space<vmem_shared>>
      tpu.enqueue_dma source(%dma_start3A_29 : memref<632x16xf32, #tpu.memory_space<vmem_shared>>) target(%dma_start3A_27 : memref<632x16xf32, #tpu.memory_space<hbm>>) target_semaphore(%run_scoped3A_25 : memref<!tpu.dma_semaphore, #tpu.memory_space<semaphore_mem>>)
      %dma_wait3A = arith.constant 0 : i32
      %dma_wait3A_30 = tpu.memref_slice %arg7[%arg0, %mul3A_0, %dma_wait3A] : memref<2x10112x16xf32, #tpu.memory_space<hbm>> -> memref<1x632x16xf32, #tpu.memory_space<hbm>>
      %dma_wait3A_31 = tpu.memref_squeeze %dma_wait3A_30 : memref<1x632x16xf32, #tpu.memory_space<hbm>> -> memref<632x16xf32, #tpu.memory_space<hbm>>
      %dma_wait3A_32 = arith.constant 0 : i32
      %dma_wait3A_33 = tpu.memref_slice %arg12[%mul3A_0, %dma_wait3A_32] : memref<10112x16xf32, #tpu.memory_space<vmem_shared>> -> memref<632x16xf32, #tpu.memory_space<vmem_shared>>
      tpu.wait_dma2 semaphore(%run_scoped3A_25 : memref<!tpu.dma_semaphore, #tpu.memory_space<semaphore_mem>>) src(%dma_wait3A_33 : memref<632x16xf32, #tpu.memory_space<vmem_shared>>) dst(%dma_wait3A_31 : memref<632x16xf32, #tpu.memory_space<hbm>>)
      tpu.yield
    }) : () -> ()
    return
  }
}

#map = affine_map<(d0, d1) -> (0, 0)>
#map1 = affine_map<(d0, d1) -> (0, 0, 0, 0)>
#map2 = affine_map<(d0, d1) -> (0, 0, 0)>
module attributes {stable_mosaic.version = 14 : i64} {
  func.func @_sc_propagate(%arg0: i32, %arg1: i32, %arg2: memref<10112x16xf32, #tpu.memory_space<hbm>>, %arg3: memref<2x16x80x128xi32, #tpu.memory_space<hbm>>, %arg4: memref<2x16x80x128xi32, #tpu.memory_space<hbm>>, %arg5: memref<16x5x128xi32, #tpu.memory_space<hbm>>, %arg6: memref<128x16xf32, #tpu.memory_space<hbm>>, %arg7: memref<2x10112x16xf32, #tpu.memory_space<hbm>>, %arg8: memref<80x128xi32, #tpu.memory_space<vmem>>, %arg9: memref<80x128xi32, #tpu.memory_space<vmem>>, %arg10: memref<5x128xi32, #tpu.memory_space<vmem>>, %arg11: memref<128x16xf32, #tpu.memory_space<vmem>>, %arg12: memref<10112x16xf32, #tpu.memory_space<vmem_shared>>, %arg13: memref<10112x16xf32, #tpu.memory_space<vmem_shared>>, %arg14: memref<!tpu.dma_semaphore, #tpu.memory_space<semaphore_mem>>) attributes {dimension_semantics = [#tpu.dimension_semantics<core_parallel>, #tpu.dimension_semantics<subcore_parallel>], iteration_bounds = array<i64: 2, 16>, scalar_prefetch = 0 : i64, scratch_operands = 7 : i64, tpu.core_type = #tpu.core_type<sc_vector_subcore>, window_params = [{transform_indices = #map}, {transform_indices = #map1}, {transform_indices = #map1}, {transform_indices = #map2}, {transform_indices = #map}, {transform_indices = #map2}]} {
    %mul3A = arith.constant 632 : i32
    %mul3A_0 = arith.muli %arg1, %mul3A : i32
    "tpu.region"() ({
      %run_scoped3A_25 = tpu.sem_alloc : memref<!tpu.dma_semaphore, #tpu.memory_space<semaphore_mem>>
      %dma_start3A = arith.constant 0 : i32
      %dma_start3A_26 = arith.constant 0 : i32
      %dma_start3A_27 = tpu.memref_slice %arg5[%arg1, %dma_start3A, %dma_start3A_26] : memref<16x5x128xi32, #tpu.memory_space<hbm>> -> memref<1x5x128xi32, #tpu.memory_space<hbm>>
      %dma_start3A_28 = tpu.memref_squeeze %dma_start3A_27 : memref<1x5x128xi32, #tpu.memory_space<hbm>> -> memref<5x128xi32, #tpu.memory_space<hbm>>
      %dma_start3A_29 = arith.constant 0 : i32
      %dma_start3A_30 = arith.constant 0 : i32
      %dma_start3A_31 = tpu.memref_slice %arg5[%arg1, %dma_start3A_29, %dma_start3A_30] : memref<16x5x128xi32, #tpu.memory_space<hbm>> -> memref<1x5x128xi32, #tpu.memory_space<hbm>>
      %dma_start3A_32 = tpu.memref_squeeze %dma_start3A_31 : memref<1x5x128xi32, #tpu.memory_space<hbm>> -> memref<5x128xi32, #tpu.memory_space<hbm>>
      tpu.enqueue_dma source(%dma_start3A_32 : memref<5x128xi32, #tpu.memory_space<hbm>>) target(%arg10 : memref<5x128xi32, #tpu.memory_space<vmem>>) target_semaphore(%run_scoped3A_25 : memref<!tpu.dma_semaphore, #tpu.memory_space<semaphore_mem>>)
      %dma_wait3A = arith.constant 0 : i32
      %dma_wait3A_33 = arith.constant 0 : i32
      %dma_wait3A_34 = tpu.memref_slice %arg5[%arg1, %dma_wait3A, %dma_wait3A_33] : memref<16x5x128xi32, #tpu.memory_space<hbm>> -> memref<1x5x128xi32, #tpu.memory_space<hbm>>
      %dma_wait3A_35 = tpu.memref_squeeze %dma_wait3A_34 : memref<1x5x128xi32, #tpu.memory_space<hbm>> -> memref<5x128xi32, #tpu.memory_space<hbm>>
      %dma_wait3A_36 = arith.constant 0 : i32
      %dma_wait3A_37 = arith.constant 0 : i32
      %dma_wait3A_38 = tpu.memref_slice %arg5[%arg1, %dma_wait3A_36, %dma_wait3A_37] : memref<16x5x128xi32, #tpu.memory_space<hbm>> -> memref<1x5x128xi32, #tpu.memory_space<hbm>>
      %dma_wait3A_39 = tpu.memref_squeeze %dma_wait3A_38 : memref<1x5x128xi32, #tpu.memory_space<hbm>> -> memref<5x128xi32, #tpu.memory_space<hbm>>
      tpu.wait_dma2 semaphore(%run_scoped3A_25 : memref<!tpu.dma_semaphore, #tpu.memory_space<semaphore_mem>>) src(%dma_wait3A_39 : memref<5x128xi32, #tpu.memory_space<hbm>>) dst(%arg10 : memref<5x128xi32, #tpu.memory_space<vmem>>)
      tpu.yield
    }) : () -> ()
    %add3A = arith.constant 0 : i32
    %add3A_1 = arith.addi %mul3A_0, %add3A : i32
    "tpu.region"() ({
      %run_scoped3A_25 = tpu.sem_alloc : memref<!tpu.dma_semaphore, #tpu.memory_space<semaphore_mem>>
      %dma_start3A = arith.constant 0 : i32
      %dma_start3A_26 = tpu.memref_slice %arg2[%add3A_1, %dma_start3A] : memref<10112x16xf32, #tpu.memory_space<hbm>> -> memref<128x16xf32, #tpu.memory_space<hbm>>
      %dma_start3A_27 = arith.constant 0 : i32
      %dma_start3A_28 = tpu.memref_slice %arg2[%add3A_1, %dma_start3A_27] : memref<10112x16xf32, #tpu.memory_space<hbm>> -> memref<128x16xf32, #tpu.memory_space<hbm>>
      tpu.enqueue_dma source(%dma_start3A_28 : memref<128x16xf32, #tpu.memory_space<hbm>>) target(%arg11 : memref<128x16xf32, #tpu.memory_space<vmem>>) target_semaphore(%run_scoped3A_25 : memref<!tpu.dma_semaphore, #tpu.memory_space<semaphore_mem>>)
      %dma_wait3A = arith.constant 0 : i32
      %dma_wait3A_29 = tpu.memref_slice %arg2[%add3A_1, %dma_wait3A] : memref<10112x16xf32, #tpu.memory_space<hbm>> -> memref<128x16xf32, #tpu.memory_space<hbm>>
      %dma_wait3A_30 = arith.constant 0 : i32
      %dma_wait3A_31 = tpu.memref_slice %arg2[%add3A_1, %dma_wait3A_30] : memref<10112x16xf32, #tpu.memory_space<hbm>> -> memref<128x16xf32, #tpu.memory_space<hbm>>
      tpu.wait_dma2 semaphore(%run_scoped3A_25 : memref<!tpu.dma_semaphore, #tpu.memory_space<semaphore_mem>>) src(%dma_wait3A_31 : memref<128x16xf32, #tpu.memory_space<hbm>>) dst(%arg11 : memref<128x16xf32, #tpu.memory_space<vmem>>)
      tpu.yield
    }) : () -> ()
    %run_scoped3A = arith.constant 0 : i32
    "tpu.region"() ({
      %run_scoped3A_25 = tpu.sem_alloc : memref<!tpu.dma_semaphore, #tpu.memory_space<semaphore_mem>>
      %dma_start3A = arith.constant 0 : i32
      %dma_start3A_26 = tpu.memref_slice %arg10[%run_scoped3A, %dma_start3A] : memref<5x128xi32, #tpu.memory_space<vmem>> -> memref<1x128xi32, #tpu.memory_space<vmem>>
      %dma_start3A_27 = tpu.memref_squeeze %dma_start3A_26 : memref<1x128xi32, #tpu.memory_space<vmem>> -> memref<128xi32, #tpu.memory_space<vmem>>
      %dma_start3A_28 = arith.constant 0 : i32
      %dma_start3A_29 = arith.constant 0 : i32
      %dma_start3A_30 = tpu.memref_slice %arg13[%dma_start3A_28, %dma_start3A_29] : memref<10112x16xf32, #tpu.memory_space<vmem_shared>> -> memref<10112x16xf32, #tpu.memory_space<vmem_shared>>
      tpu.enqueue_indirect_dma source(%arg11 : memref<128x16xf32, #tpu.memory_space<vmem>>) target(%dma_start3A_30 : memref<10112x16xf32, #tpu.memory_space<vmem_shared>>) offsets(%dma_start3A_27 : memref<128xi32, #tpu.memory_space<vmem>>) semaphore(%run_scoped3A_25 : memref<!tpu.dma_semaphore, #tpu.memory_space<semaphore_mem>>)
      %dma_wait3A = arith.constant 0 : i32
      %dma_wait3A_31 = tpu.memref_slice %arg10[%run_scoped3A, %dma_wait3A] : memref<5x128xi32, #tpu.memory_space<vmem>> -> memref<1x128xi32, #tpu.memory_space<vmem>>
      %dma_wait3A_32 = tpu.memref_squeeze %dma_wait3A_31 : memref<1x128xi32, #tpu.memory_space<vmem>> -> memref<128xi32, #tpu.memory_space<vmem>>
      %dma_wait3A_33 = arith.constant 0 : i32
      %dma_wait3A_34 = arith.constant 0 : i32
      %dma_wait3A_35 = tpu.memref_slice %arg13[%dma_wait3A_33, %dma_wait3A_34] : memref<10112x16xf32, #tpu.memory_space<vmem_shared>> -> memref<10112x16xf32, #tpu.memory_space<vmem_shared>>
      tpu.wait_indirect_dma semaphore(%run_scoped3A_25 : memref<!tpu.dma_semaphore, #tpu.memory_space<semaphore_mem>>) src(%arg11 : memref<128x16xf32, #tpu.memory_space<vmem>>) dst(%dma_wait3A_35 : memref<10112x16xf32, #tpu.memory_space<vmem_shared>>)
      tpu.yield
    }) : () -> ()
    %add3A_2 = arith.constant 128 : i32
    %add3A_3 = arith.addi %mul3A_0, %add3A_2 : i32
    "tpu.region"() ({
      %run_scoped3A_25 = tpu.sem_alloc : memref<!tpu.dma_semaphore, #tpu.memory_space<semaphore_mem>>
      %dma_start3A = arith.constant 0 : i32
      %dma_start3A_26 = tpu.memref_slice %arg2[%add3A_3, %dma_start3A] : memref<10112x16xf32, #tpu.memory_space<hbm>> -> memref<128x16xf32, #tpu.memory_space<hbm>>
      %dma_start3A_27 = arith.constant 0 : i32
      %dma_start3A_28 = tpu.memref_slice %arg2[%add3A_3, %dma_start3A_27] : memref<10112x16xf32, #tpu.memory_space<hbm>> -> memref<128x16xf32, #tpu.memory_space<hbm>>
      tpu.enqueue_dma source(%dma_start3A_28 : memref<128x16xf32, #tpu.memory_space<hbm>>) target(%arg11 : memref<128x16xf32, #tpu.memory_space<vmem>>) target_semaphore(%run_scoped3A_25 : memref<!tpu.dma_semaphore, #tpu.memory_space<semaphore_mem>>)
      %dma_wait3A = arith.constant 0 : i32
      %dma_wait3A_29 = tpu.memref_slice %arg2[%add3A_3, %dma_wait3A] : memref<10112x16xf32, #tpu.memory_space<hbm>> -> memref<128x16xf32, #tpu.memory_space<hbm>>
      %dma_wait3A_30 = arith.constant 0 : i32
      %dma_wait3A_31 = tpu.memref_slice %arg2[%add3A_3, %dma_wait3A_30] : memref<10112x16xf32, #tpu.memory_space<hbm>> -> memref<128x16xf32, #tpu.memory_space<hbm>>
      tpu.wait_dma2 semaphore(%run_scoped3A_25 : memref<!tpu.dma_semaphore, #tpu.memory_space<semaphore_mem>>) src(%dma_wait3A_31 : memref<128x16xf32, #tpu.memory_space<hbm>>) dst(%arg11 : memref<128x16xf32, #tpu.memory_space<vmem>>)
      tpu.yield
    }) : () -> ()
    %run_scoped3A_4 = arith.constant 1 : i32
    "tpu.region"() ({
      %run_scoped3A_25 = tpu.sem_alloc : memref<!tpu.dma_semaphore, #tpu.memory_space<semaphore_mem>>
      %dma_start3A = arith.constant 0 : i32
      %dma_start3A_26 = tpu.memref_slice %arg10[%run_scoped3A_4, %dma_start3A] : memref<5x128xi32, #tpu.memory_space<vmem>> -> memref<1x128xi32, #tpu.memory_space<vmem>>
      %dma_start3A_27 = tpu.memref_squeeze %dma_start3A_26 : memref<1x128xi32, #tpu.memory_space<vmem>> -> memref<128xi32, #tpu.memory_space<vmem>>
      %dma_start3A_28 = arith.constant 0 : i32
      %dma_start3A_29 = arith.constant 0 : i32
      %dma_start3A_30 = tpu.memref_slice %arg13[%dma_start3A_28, %dma_start3A_29] : memref<10112x16xf32, #tpu.memory_space<vmem_shared>> -> memref<10112x16xf32, #tpu.memory_space<vmem_shared>>
      tpu.enqueue_indirect_dma source(%arg11 : memref<128x16xf32, #tpu.memory_space<vmem>>) target(%dma_start3A_30 : memref<10112x16xf32, #tpu.memory_space<vmem_shared>>) offsets(%dma_start3A_27 : memref<128xi32, #tpu.memory_space<vmem>>) semaphore(%run_scoped3A_25 : memref<!tpu.dma_semaphore, #tpu.memory_space<semaphore_mem>>)
      %dma_wait3A = arith.constant 0 : i32
      %dma_wait3A_31 = tpu.memref_slice %arg10[%run_scoped3A_4, %dma_wait3A] : memref<5x128xi32, #tpu.memory_space<vmem>> -> memref<1x128xi32, #tpu.memory_space<vmem>>
      %dma_wait3A_32 = tpu.memref_squeeze %dma_wait3A_31 : memref<1x128xi32, #tpu.memory_space<vmem>> -> memref<128xi32, #tpu.memory_space<vmem>>
      %dma_wait3A_33 = arith.constant 0 : i32
      %dma_wait3A_34 = arith.constant 0 : i32
      %dma_wait3A_35 = tpu.memref_slice %arg13[%dma_wait3A_33, %dma_wait3A_34] : memref<10112x16xf32, #tpu.memory_space<vmem_shared>> -> memref<10112x16xf32, #tpu.memory_space<vmem_shared>>
      tpu.wait_indirect_dma semaphore(%run_scoped3A_25 : memref<!tpu.dma_semaphore, #tpu.memory_space<semaphore_mem>>) src(%arg11 : memref<128x16xf32, #tpu.memory_space<vmem>>) dst(%dma_wait3A_35 : memref<10112x16xf32, #tpu.memory_space<vmem_shared>>)
      tpu.yield
    }) : () -> ()
    %add3A_5 = arith.constant 256 : i32
    %add3A_6 = arith.addi %mul3A_0, %add3A_5 : i32
    "tpu.region"() ({
      %run_scoped3A_25 = tpu.sem_alloc : memref<!tpu.dma_semaphore, #tpu.memory_space<semaphore_mem>>
      %dma_start3A = arith.constant 0 : i32
      %dma_start3A_26 = tpu.memref_slice %arg2[%add3A_6, %dma_start3A] : memref<10112x16xf32, #tpu.memory_space<hbm>> -> memref<128x16xf32, #tpu.memory_space<hbm>>
      %dma_start3A_27 = arith.constant 0 : i32
      %dma_start3A_28 = tpu.memref_slice %arg2[%add3A_6, %dma_start3A_27] : memref<10112x16xf32, #tpu.memory_space<hbm>> -> memref<128x16xf32, #tpu.memory_space<hbm>>
      tpu.enqueue_dma source(%dma_start3A_28 : memref<128x16xf32, #tpu.memory_space<hbm>>) target(%arg11 : memref<128x16xf32, #tpu.memory_space<vmem>>) target_semaphore(%run_scoped3A_25 : memref<!tpu.dma_semaphore, #tpu.memory_space<semaphore_mem>>)
      %dma_wait3A = arith.constant 0 : i32
      %dma_wait3A_29 = tpu.memref_slice %arg2[%add3A_6, %dma_wait3A] : memref<10112x16xf32, #tpu.memory_space<hbm>> -> memref<128x16xf32, #tpu.memory_space<hbm>>
      %dma_wait3A_30 = arith.constant 0 : i32
      %dma_wait3A_31 = tpu.memref_slice %arg2[%add3A_6, %dma_wait3A_30] : memref<10112x16xf32, #tpu.memory_space<hbm>> -> memref<128x16xf32, #tpu.memory_space<hbm>>
      tpu.wait_dma2 semaphore(%run_scoped3A_25 : memref<!tpu.dma_semaphore, #tpu.memory_space<semaphore_mem>>) src(%dma_wait3A_31 : memref<128x16xf32, #tpu.memory_space<hbm>>) dst(%arg11 : memref<128x16xf32, #tpu.memory_space<vmem>>)
      tpu.yield
    }) : () -> ()
    %run_scoped3A_7 = arith.constant 2 : i32
    "tpu.region"() ({
      %run_scoped3A_25 = tpu.sem_alloc : memref<!tpu.dma_semaphore, #tpu.memory_space<semaphore_mem>>
      %dma_start3A = arith.constant 0 : i32
      %dma_start3A_26 = tpu.memref_slice %arg10[%run_scoped3A_7, %dma_start3A] : memref<5x128xi32, #tpu.memory_space<vmem>> -> memref<1x128xi32, #tpu.memory_space<vmem>>
      %dma_start3A_27 = tpu.memref_squeeze %dma_start3A_26 : memref<1x128xi32, #tpu.memory_space<vmem>> -> memref<128xi32, #tpu.memory_space<vmem>>
      %dma_start3A_28 = arith.constant 0 : i32
      %dma_start3A_29 = arith.constant 0 : i32
      %dma_start3A_30 = tpu.memref_slice %arg13[%dma_start3A_28, %dma_start3A_29] : memref<10112x16xf32, #tpu.memory_space<vmem_shared>> -> memref<10112x16xf32, #tpu.memory_space<vmem_shared>>
      tpu.enqueue_indirect_dma source(%arg11 : memref<128x16xf32, #tpu.memory_space<vmem>>) target(%dma_start3A_30 : memref<10112x16xf32, #tpu.memory_space<vmem_shared>>) offsets(%dma_start3A_27 : memref<128xi32, #tpu.memory_space<vmem>>) semaphore(%run_scoped3A_25 : memref<!tpu.dma_semaphore, #tpu.memory_space<semaphore_mem>>)
      %dma_wait3A = arith.constant 0 : i32
      %dma_wait3A_31 = tpu.memref_slice %arg10[%run_scoped3A_7, %dma_wait3A] : memref<5x128xi32, #tpu.memory_space<vmem>> -> memref<1x128xi32, #tpu.memory_space<vmem>>
      %dma_wait3A_32 = tpu.memref_squeeze %dma_wait3A_31 : memref<1x128xi32, #tpu.memory_space<vmem>> -> memref<128xi32, #tpu.memory_space<vmem>>
      %dma_wait3A_33 = arith.constant 0 : i32
      %dma_wait3A_34 = arith.constant 0 : i32
      %dma_wait3A_35 = tpu.memref_slice %arg13[%dma_wait3A_33, %dma_wait3A_34] : memref<10112x16xf32, #tpu.memory_space<vmem_shared>> -> memref<10112x16xf32, #tpu.memory_space<vmem_shared>>
      tpu.wait_indirect_dma semaphore(%run_scoped3A_25 : memref<!tpu.dma_semaphore, #tpu.memory_space<semaphore_mem>>) src(%arg11 : memref<128x16xf32, #tpu.memory_space<vmem>>) dst(%dma_wait3A_35 : memref<10112x16xf32, #tpu.memory_space<vmem_shared>>)
      tpu.yield
    }) : () -> ()
    %add3A_8 = arith.constant 384 : i32
    %add3A_9 = arith.addi %mul3A_0, %add3A_8 : i32
    "tpu.region"() ({
      %run_scoped3A_25 = tpu.sem_alloc : memref<!tpu.dma_semaphore, #tpu.memory_space<semaphore_mem>>
      %dma_start3A = arith.constant 0 : i32
      %dma_start3A_26 = tpu.memref_slice %arg2[%add3A_9, %dma_start3A] : memref<10112x16xf32, #tpu.memory_space<hbm>> -> memref<128x16xf32, #tpu.memory_space<hbm>>
      %dma_start3A_27 = arith.constant 0 : i32
      %dma_start3A_28 = tpu.memref_slice %arg2[%add3A_9, %dma_start3A_27] : memref<10112x16xf32, #tpu.memory_space<hbm>> -> memref<128x16xf32, #tpu.memory_space<hbm>>
      tpu.enqueue_dma source(%dma_start3A_28 : memref<128x16xf32, #tpu.memory_space<hbm>>) target(%arg11 : memref<128x16xf32, #tpu.memory_space<vmem>>) target_semaphore(%run_scoped3A_25 : memref<!tpu.dma_semaphore, #tpu.memory_space<semaphore_mem>>)
      %dma_wait3A = arith.constant 0 : i32
      %dma_wait3A_29 = tpu.memref_slice %arg2[%add3A_9, %dma_wait3A] : memref<10112x16xf32, #tpu.memory_space<hbm>> -> memref<128x16xf32, #tpu.memory_space<hbm>>
      %dma_wait3A_30 = arith.constant 0 : i32
      %dma_wait3A_31 = tpu.memref_slice %arg2[%add3A_9, %dma_wait3A_30] : memref<10112x16xf32, #tpu.memory_space<hbm>> -> memref<128x16xf32, #tpu.memory_space<hbm>>
      tpu.wait_dma2 semaphore(%run_scoped3A_25 : memref<!tpu.dma_semaphore, #tpu.memory_space<semaphore_mem>>) src(%dma_wait3A_31 : memref<128x16xf32, #tpu.memory_space<hbm>>) dst(%arg11 : memref<128x16xf32, #tpu.memory_space<vmem>>)
      tpu.yield
    }) : () -> ()
    %run_scoped3A_10 = arith.constant 3 : i32
    "tpu.region"() ({
      %run_scoped3A_25 = tpu.sem_alloc : memref<!tpu.dma_semaphore, #tpu.memory_space<semaphore_mem>>
      %dma_start3A = arith.constant 0 : i32
      %dma_start3A_26 = tpu.memref_slice %arg10[%run_scoped3A_10, %dma_start3A] : memref<5x128xi32, #tpu.memory_space<vmem>> -> memref<1x128xi32, #tpu.memory_space<vmem>>
      %dma_start3A_27 = tpu.memref_squeeze %dma_start3A_26 : memref<1x128xi32, #tpu.memory_space<vmem>> -> memref<128xi32, #tpu.memory_space<vmem>>
      %dma_start3A_28 = arith.constant 0 : i32
      %dma_start3A_29 = arith.constant 0 : i32
      %dma_start3A_30 = tpu.memref_slice %arg13[%dma_start3A_28, %dma_start3A_29] : memref<10112x16xf32, #tpu.memory_space<vmem_shared>> -> memref<10112x16xf32, #tpu.memory_space<vmem_shared>>
      tpu.enqueue_indirect_dma source(%arg11 : memref<128x16xf32, #tpu.memory_space<vmem>>) target(%dma_start3A_30 : memref<10112x16xf32, #tpu.memory_space<vmem_shared>>) offsets(%dma_start3A_27 : memref<128xi32, #tpu.memory_space<vmem>>) semaphore(%run_scoped3A_25 : memref<!tpu.dma_semaphore, #tpu.memory_space<semaphore_mem>>)
      %dma_wait3A = arith.constant 0 : i32
      %dma_wait3A_31 = tpu.memref_slice %arg10[%run_scoped3A_10, %dma_wait3A] : memref<5x128xi32, #tpu.memory_space<vmem>> -> memref<1x128xi32, #tpu.memory_space<vmem>>
      %dma_wait3A_32 = tpu.memref_squeeze %dma_wait3A_31 : memref<1x128xi32, #tpu.memory_space<vmem>> -> memref<128xi32, #tpu.memory_space<vmem>>
      %dma_wait3A_33 = arith.constant 0 : i32
      %dma_wait3A_34 = arith.constant 0 : i32
      %dma_wait3A_35 = tpu.memref_slice %arg13[%dma_wait3A_33, %dma_wait3A_34] : memref<10112x16xf32, #tpu.memory_space<vmem_shared>> -> memref<10112x16xf32, #tpu.memory_space<vmem_shared>>
      tpu.wait_indirect_dma semaphore(%run_scoped3A_25 : memref<!tpu.dma_semaphore, #tpu.memory_space<semaphore_mem>>) src(%arg11 : memref<128x16xf32, #tpu.memory_space<vmem>>) dst(%dma_wait3A_35 : memref<10112x16xf32, #tpu.memory_space<vmem_shared>>)
      tpu.yield
    }) : () -> ()
    %add3A_11 = arith.constant 504 : i32
    %add3A_12 = arith.addi %mul3A_0, %add3A_11 : i32
    "tpu.region"() ({
      %run_scoped3A_25 = tpu.sem_alloc : memref<!tpu.dma_semaphore, #tpu.memory_space<semaphore_mem>>
      %dma_start3A = arith.constant 0 : i32
      %dma_start3A_26 = tpu.memref_slice %arg2[%add3A_12, %dma_start3A] : memref<10112x16xf32, #tpu.memory_space<hbm>> -> memref<128x16xf32, #tpu.memory_space<hbm>>
      %dma_start3A_27 = arith.constant 0 : i32
      %dma_start3A_28 = tpu.memref_slice %arg2[%add3A_12, %dma_start3A_27] : memref<10112x16xf32, #tpu.memory_space<hbm>> -> memref<128x16xf32, #tpu.memory_space<hbm>>
      tpu.enqueue_dma source(%dma_start3A_28 : memref<128x16xf32, #tpu.memory_space<hbm>>) target(%arg11 : memref<128x16xf32, #tpu.memory_space<vmem>>) target_semaphore(%run_scoped3A_25 : memref<!tpu.dma_semaphore, #tpu.memory_space<semaphore_mem>>)
      %dma_wait3A = arith.constant 0 : i32
      %dma_wait3A_29 = tpu.memref_slice %arg2[%add3A_12, %dma_wait3A] : memref<10112x16xf32, #tpu.memory_space<hbm>> -> memref<128x16xf32, #tpu.memory_space<hbm>>
      %dma_wait3A_30 = arith.constant 0 : i32
      %dma_wait3A_31 = tpu.memref_slice %arg2[%add3A_12, %dma_wait3A_30] : memref<10112x16xf32, #tpu.memory_space<hbm>> -> memref<128x16xf32, #tpu.memory_space<hbm>>
      tpu.wait_dma2 semaphore(%run_scoped3A_25 : memref<!tpu.dma_semaphore, #tpu.memory_space<semaphore_mem>>) src(%dma_wait3A_31 : memref<128x16xf32, #tpu.memory_space<hbm>>) dst(%arg11 : memref<128x16xf32, #tpu.memory_space<vmem>>)
      tpu.yield
    }) : () -> ()
    %run_scoped3A_13 = arith.constant 4 : i32
    "tpu.region"() ({
      %run_scoped3A_25 = tpu.sem_alloc : memref<!tpu.dma_semaphore, #tpu.memory_space<semaphore_mem>>
      %dma_start3A = arith.constant 0 : i32
      %dma_start3A_26 = tpu.memref_slice %arg10[%run_scoped3A_13, %dma_start3A] : memref<5x128xi32, #tpu.memory_space<vmem>> -> memref<1x128xi32, #tpu.memory_space<vmem>>
      %dma_start3A_27 = tpu.memref_squeeze %dma_start3A_26 : memref<1x128xi32, #tpu.memory_space<vmem>> -> memref<128xi32, #tpu.memory_space<vmem>>
      %dma_start3A_28 = arith.constant 0 : i32
      %dma_start3A_29 = arith.constant 0 : i32
      %dma_start3A_30 = tpu.memref_slice %arg13[%dma_start3A_28, %dma_start3A_29] : memref<10112x16xf32, #tpu.memory_space<vmem_shared>> -> memref<10112x16xf32, #tpu.memory_space<vmem_shared>>
      tpu.enqueue_indirect_dma source(%arg11 : memref<128x16xf32, #tpu.memory_space<vmem>>) target(%dma_start3A_30 : memref<10112x16xf32, #tpu.memory_space<vmem_shared>>) offsets(%dma_start3A_27 : memref<128xi32, #tpu.memory_space<vmem>>) semaphore(%run_scoped3A_25 : memref<!tpu.dma_semaphore, #tpu.memory_space<semaphore_mem>>)
      %dma_wait3A = arith.constant 0 : i32
      %dma_wait3A_31 = tpu.memref_slice %arg10[%run_scoped3A_13, %dma_wait3A] : memref<5x128xi32, #tpu.memory_space<vmem>> -> memref<1x128xi32, #tpu.memory_space<vmem>>
      %dma_wait3A_32 = tpu.memref_squeeze %dma_wait3A_31 : memref<1x128xi32, #tpu.memory_space<vmem>> -> memref<128xi32, #tpu.memory_space<vmem>>
      %dma_wait3A_33 = arith.constant 0 : i32
      %dma_wait3A_34 = arith.constant 0 : i32
      %dma_wait3A_35 = tpu.memref_slice %arg13[%dma_wait3A_33, %dma_wait3A_34] : memref<10112x16xf32, #tpu.memory_space<vmem_shared>> -> memref<10112x16xf32, #tpu.memory_space<vmem_shared>>
      tpu.wait_indirect_dma semaphore(%run_scoped3A_25 : memref<!tpu.dma_semaphore, #tpu.memory_space<semaphore_mem>>) src(%arg11 : memref<128x16xf32, #tpu.memory_space<vmem>>) dst(%dma_wait3A_35 : memref<10112x16xf32, #tpu.memory_space<vmem_shared>>)
      tpu.yield
    }) : () -> ()
    "tpu.region"() ({
      %run_scoped3A_25 = tpu.sem_alloc : memref<!tpu.dma_semaphore, #tpu.memory_space<semaphore_mem>>
      tpu.enqueue_dma source(%arg6 : memref<128x16xf32, #tpu.memory_space<hbm>>) target(%arg11 : memref<128x16xf32, #tpu.memory_space<vmem>>) target_semaphore(%run_scoped3A_25 : memref<!tpu.dma_semaphore, #tpu.memory_space<semaphore_mem>>)
      tpu.wait_dma2 semaphore(%run_scoped3A_25 : memref<!tpu.dma_semaphore, #tpu.memory_space<semaphore_mem>>) src(%arg6 : memref<128x16xf32, #tpu.memory_space<hbm>>) dst(%arg11 : memref<128x16xf32, #tpu.memory_space<vmem>>)
      tpu.yield
    }) : () -> ()
    %run_scoped3A_14 = arith.constant 0 : i32
    "tpu.region"() ({
      %run_scoped3A_25 = tpu.sem_alloc : memref<!tpu.dma_semaphore, #tpu.memory_space<semaphore_mem>>
      %dma_start3A = arith.constant 0 : i32
      %dma_start3A_26 = tpu.memref_slice %arg10[%run_scoped3A_14, %dma_start3A] : memref<5x128xi32, #tpu.memory_space<vmem>> -> memref<1x128xi32, #tpu.memory_space<vmem>>
      %dma_start3A_27 = tpu.memref_squeeze %dma_start3A_26 : memref<1x128xi32, #tpu.memory_space<vmem>> -> memref<128xi32, #tpu.memory_space<vmem>>
      %dma_start3A_28 = arith.constant 0 : i32
      %dma_start3A_29 = arith.constant 0 : i32
      %dma_start3A_30 = tpu.memref_slice %arg12[%dma_start3A_28, %dma_start3A_29] : memref<10112x16xf32, #tpu.memory_space<vmem_shared>> -> memref<10112x16xf32, #tpu.memory_space<vmem_shared>>
      tpu.enqueue_indirect_dma source(%arg11 : memref<128x16xf32, #tpu.memory_space<vmem>>) target(%dma_start3A_30 : memref<10112x16xf32, #tpu.memory_space<vmem_shared>>) offsets(%dma_start3A_27 : memref<128xi32, #tpu.memory_space<vmem>>) semaphore(%run_scoped3A_25 : memref<!tpu.dma_semaphore, #tpu.memory_space<semaphore_mem>>)
      %dma_wait3A = arith.constant 0 : i32
      %dma_wait3A_31 = tpu.memref_slice %arg10[%run_scoped3A_14, %dma_wait3A] : memref<5x128xi32, #tpu.memory_space<vmem>> -> memref<1x128xi32, #tpu.memory_space<vmem>>
      %dma_wait3A_32 = tpu.memref_squeeze %dma_wait3A_31 : memref<1x128xi32, #tpu.memory_space<vmem>> -> memref<128xi32, #tpu.memory_space<vmem>>
      %dma_wait3A_33 = arith.constant 0 : i32
      %dma_wait3A_34 = arith.constant 0 : i32
      %dma_wait3A_35 = tpu.memref_slice %arg12[%dma_wait3A_33, %dma_wait3A_34] : memref<10112x16xf32, #tpu.memory_space<vmem_shared>> -> memref<10112x16xf32, #tpu.memory_space<vmem_shared>>
      tpu.wait_indirect_dma semaphore(%run_scoped3A_25 : memref<!tpu.dma_semaphore, #tpu.memory_space<semaphore_mem>>) src(%arg11 : memref<128x16xf32, #tpu.memory_space<vmem>>) dst(%dma_wait3A_35 : memref<10112x16xf32, #tpu.memory_space<vmem_shared>>)
      tpu.yield
    }) : () -> ()
    %run_scoped3A_15 = arith.constant 1 : i32
    "tpu.region"() ({
      %run_scoped3A_25 = tpu.sem_alloc : memref<!tpu.dma_semaphore, #tpu.memory_space<semaphore_mem>>
      %dma_start3A = arith.constant 0 : i32
      %dma_start3A_26 = tpu.memref_slice %arg10[%run_scoped3A_15, %dma_start3A] : memref<5x128xi32, #tpu.memory_space<vmem>> -> memref<1x128xi32, #tpu.memory_space<vmem>>
      %dma_start3A_27 = tpu.memref_squeeze %dma_start3A_26 : memref<1x128xi32, #tpu.memory_space<vmem>> -> memref<128xi32, #tpu.memory_space<vmem>>
      %dma_start3A_28 = arith.constant 0 : i32
      %dma_start3A_29 = arith.constant 0 : i32
      %dma_start3A_30 = tpu.memref_slice %arg12[%dma_start3A_28, %dma_start3A_29] : memref<10112x16xf32, #tpu.memory_space<vmem_shared>> -> memref<10112x16xf32, #tpu.memory_space<vmem_shared>>
      tpu.enqueue_indirect_dma source(%arg11 : memref<128x16xf32, #tpu.memory_space<vmem>>) target(%dma_start3A_30 : memref<10112x16xf32, #tpu.memory_space<vmem_shared>>) offsets(%dma_start3A_27 : memref<128xi32, #tpu.memory_space<vmem>>) semaphore(%run_scoped3A_25 : memref<!tpu.dma_semaphore, #tpu.memory_space<semaphore_mem>>)
      %dma_wait3A = arith.constant 0 : i32
      %dma_wait3A_31 = tpu.memref_slice %arg10[%run_scoped3A_15, %dma_wait3A] : memref<5x128xi32, #tpu.memory_space<vmem>> -> memref<1x128xi32, #tpu.memory_space<vmem>>
      %dma_wait3A_32 = tpu.memref_squeeze %dma_wait3A_31 : memref<1x128xi32, #tpu.memory_space<vmem>> -> memref<128xi32, #tpu.memory_space<vmem>>
      %dma_wait3A_33 = arith.constant 0 : i32
      %dma_wait3A_34 = arith.constant 0 : i32
      %dma_wait3A_35 = tpu.memref_slice %arg12[%dma_wait3A_33, %dma_wait3A_34] : memref<10112x16xf32, #tpu.memory_space<vmem_shared>> -> memref<10112x16xf32, #tpu.memory_space<vmem_shared>>
      tpu.wait_indirect_dma semaphore(%run_scoped3A_25 : memref<!tpu.dma_semaphore, #tpu.memory_space<semaphore_mem>>) src(%arg11 : memref<128x16xf32, #tpu.memory_space<vmem>>) dst(%dma_wait3A_35 : memref<10112x16xf32, #tpu.memory_space<vmem_shared>>)
      tpu.yield
    }) : () -> ()
    %run_scoped3A_16 = arith.constant 2 : i32
    "tpu.region"() ({
      %run_scoped3A_25 = tpu.sem_alloc : memref<!tpu.dma_semaphore, #tpu.memory_space<semaphore_mem>>
      %dma_start3A = arith.constant 0 : i32
      %dma_start3A_26 = tpu.memref_slice %arg10[%run_scoped3A_16, %dma_start3A] : memref<5x128xi32, #tpu.memory_space<vmem>> -> memref<1x128xi32, #tpu.memory_space<vmem>>
      %dma_start3A_27 = tpu.memref_squeeze %dma_start3A_26 : memref<1x128xi32, #tpu.memory_space<vmem>> -> memref<128xi32, #tpu.memory_space<vmem>>
      %dma_start3A_28 = arith.constant 0 : i32
      %dma_start3A_29 = arith.constant 0 : i32
      %dma_start3A_30 = tpu.memref_slice %arg12[%dma_start3A_28, %dma_start3A_29] : memref<10112x16xf32, #tpu.memory_space<vmem_shared>> -> memref<10112x16xf32, #tpu.memory_space<vmem_shared>>
      tpu.enqueue_indirect_dma source(%arg11 : memref<128x16xf32, #tpu.memory_space<vmem>>) target(%dma_start3A_30 : memref<10112x16xf32, #tpu.memory_space<vmem_shared>>) offsets(%dma_start3A_27 : memref<128xi32, #tpu.memory_space<vmem>>) semaphore(%run_scoped3A_25 : memref<!tpu.dma_semaphore, #tpu.memory_space<semaphore_mem>>)
      %dma_wait3A = arith.constant 0 : i32
      %dma_wait3A_31 = tpu.memref_slice %arg10[%run_scoped3A_16, %dma_wait3A] : memref<5x128xi32, #tpu.memory_space<vmem>> -> memref<1x128xi32, #tpu.memory_space<vmem>>
      %dma_wait3A_32 = tpu.memref_squeeze %dma_wait3A_31 : memref<1x128xi32, #tpu.memory_space<vmem>> -> memref<128xi32, #tpu.memory_space<vmem>>
      %dma_wait3A_33 = arith.constant 0 : i32
      %dma_wait3A_34 = arith.constant 0 : i32
      %dma_wait3A_35 = tpu.memref_slice %arg12[%dma_wait3A_33, %dma_wait3A_34] : memref<10112x16xf32, #tpu.memory_space<vmem_shared>> -> memref<10112x16xf32, #tpu.memory_space<vmem_shared>>
      tpu.wait_indirect_dma semaphore(%run_scoped3A_25 : memref<!tpu.dma_semaphore, #tpu.memory_space<semaphore_mem>>) src(%arg11 : memref<128x16xf32, #tpu.memory_space<vmem>>) dst(%dma_wait3A_35 : memref<10112x16xf32, #tpu.memory_space<vmem_shared>>)
      tpu.yield
    }) : () -> ()
    %run_scoped3A_17 = arith.constant 3 : i32
    "tpu.region"() ({
      %run_scoped3A_25 = tpu.sem_alloc : memref<!tpu.dma_semaphore, #tpu.memory_space<semaphore_mem>>
      %dma_start3A = arith.constant 0 : i32
      %dma_start3A_26 = tpu.memref_slice %arg10[%run_scoped3A_17, %dma_start3A] : memref<5x128xi32, #tpu.memory_space<vmem>> -> memref<1x128xi32, #tpu.memory_space<vmem>>
      %dma_start3A_27 = tpu.memref_squeeze %dma_start3A_26 : memref<1x128xi32, #tpu.memory_space<vmem>> -> memref<128xi32, #tpu.memory_space<vmem>>
      %dma_start3A_28 = arith.constant 0 : i32
      %dma_start3A_29 = arith.constant 0 : i32
      %dma_start3A_30 = tpu.memref_slice %arg12[%dma_start3A_28, %dma_start3A_29] : memref<10112x16xf32, #tpu.memory_space<vmem_shared>> -> memref<10112x16xf32, #tpu.memory_space<vmem_shared>>
      tpu.enqueue_indirect_dma source(%arg11 : memref<128x16xf32, #tpu.memory_space<vmem>>) target(%dma_start3A_30 : memref<10112x16xf32, #tpu.memory_space<vmem_shared>>) offsets(%dma_start3A_27 : memref<128xi32, #tpu.memory_space<vmem>>) semaphore(%run_scoped3A_25 : memref<!tpu.dma_semaphore, #tpu.memory_space<semaphore_mem>>)
      %dma_wait3A = arith.constant 0 : i32
      %dma_wait3A_31 = tpu.memref_slice %arg10[%run_scoped3A_17, %dma_wait3A] : memref<5x128xi32, #tpu.memory_space<vmem>> -> memref<1x128xi32, #tpu.memory_space<vmem>>
      %dma_wait3A_32 = tpu.memref_squeeze %dma_wait3A_31 : memref<1x128xi32, #tpu.memory_space<vmem>> -> memref<128xi32, #tpu.memory_space<vmem>>
      %dma_wait3A_33 = arith.constant 0 : i32
      %dma_wait3A_34 = arith.constant 0 : i32
      %dma_wait3A_35 = tpu.memref_slice %arg12[%dma_wait3A_33, %dma_wait3A_34] : memref<10112x16xf32, #tpu.memory_space<vmem_shared>> -> memref<10112x16xf32, #tpu.memory_space<vmem_shared>>
      tpu.wait_indirect_dma semaphore(%run_scoped3A_25 : memref<!tpu.dma_semaphore, #tpu.memory_space<semaphore_mem>>) src(%arg11 : memref<128x16xf32, #tpu.memory_space<vmem>>) dst(%dma_wait3A_35 : memref<10112x16xf32, #tpu.memory_space<vmem_shared>>)
      tpu.yield
    }) : () -> ()
    %run_scoped3A_18 = arith.constant 4 : i32
    "tpu.region"() ({
      %run_scoped3A_25 = tpu.sem_alloc : memref<!tpu.dma_semaphore, #tpu.memory_space<semaphore_mem>>
      %dma_start3A = arith.constant 0 : i32
      %dma_start3A_26 = tpu.memref_slice %arg10[%run_scoped3A_18, %dma_start3A] : memref<5x128xi32, #tpu.memory_space<vmem>> -> memref<1x128xi32, #tpu.memory_space<vmem>>
      %dma_start3A_27 = tpu.memref_squeeze %dma_start3A_26 : memref<1x128xi32, #tpu.memory_space<vmem>> -> memref<128xi32, #tpu.memory_space<vmem>>
      %dma_start3A_28 = arith.constant 0 : i32
      %dma_start3A_29 = arith.constant 0 : i32
      %dma_start3A_30 = tpu.memref_slice %arg12[%dma_start3A_28, %dma_start3A_29] : memref<10112x16xf32, #tpu.memory_space<vmem_shared>> -> memref<10112x16xf32, #tpu.memory_space<vmem_shared>>
      tpu.enqueue_indirect_dma source(%arg11 : memref<128x16xf32, #tpu.memory_space<vmem>>) target(%dma_start3A_30 : memref<10112x16xf32, #tpu.memory_space<vmem_shared>>) offsets(%dma_start3A_27 : memref<128xi32, #tpu.memory_space<vmem>>) semaphore(%run_scoped3A_25 : memref<!tpu.dma_semaphore, #tpu.memory_space<semaphore_mem>>)
      %dma_wait3A = arith.constant 0 : i32
      %dma_wait3A_31 = tpu.memref_slice %arg10[%run_scoped3A_18, %dma_wait3A] : memref<5x128xi32, #tpu.memory_space<vmem>> -> memref<1x128xi32, #tpu.memory_space<vmem>>
      %dma_wait3A_32 = tpu.memref_squeeze %dma_wait3A_31 : memref<1x128xi32, #tpu.memory_space<vmem>> -> memref<128xi32, #tpu.memory_space<vmem>>
      %dma_wait3A_33 = arith.constant 0 : i32
      %dma_wait3A_34 = arith.constant 0 : i32
      %dma_wait3A_35 = tpu.memref_slice %arg12[%dma_wait3A_33, %dma_wait3A_34] : memref<10112x16xf32, #tpu.memory_space<vmem_shared>> -> memref<10112x16xf32, #tpu.memory_space<vmem_shared>>
      tpu.wait_indirect_dma semaphore(%run_scoped3A_25 : memref<!tpu.dma_semaphore, #tpu.memory_space<semaphore_mem>>) src(%arg11 : memref<128x16xf32, #tpu.memory_space<vmem>>) dst(%dma_wait3A_35 : memref<10112x16xf32, #tpu.memory_space<vmem_shared>>)
      tpu.yield
    }) : () -> ()
    "tpu.region"() ({
      %run_scoped3A_25 = tpu.sem_alloc : memref<!tpu.dma_semaphore, #tpu.memory_space<semaphore_mem>>
      %dma_start3A = arith.constant 0 : i32
      %dma_start3A_26 = arith.constant 0 : i32
      %dma_start3A_27 = tpu.memref_slice %arg3[%arg0, %arg1, %dma_start3A, %dma_start3A_26] : memref<2x16x80x128xi32, #tpu.memory_space<hbm>> -> memref<1x1x80x128xi32, #tpu.memory_space<hbm>>
      %dma_start3A_28 = tpu.memref_squeeze %dma_start3A_27 : memref<1x1x80x128xi32, #tpu.memory_space<hbm>> -> memref<80x128xi32, #tpu.memory_space<hbm>>
      %dma_start3A_29 = arith.constant 0 : i32
      %dma_start3A_30 = arith.constant 0 : i32
      %dma_start3A_31 = tpu.memref_slice %arg3[%arg0, %arg1, %dma_start3A_29, %dma_start3A_30] : memref<2x16x80x128xi32, #tpu.memory_space<hbm>> -> memref<1x1x80x128xi32, #tpu.memory_space<hbm>>
      %dma_start3A_32 = tpu.memref_squeeze %dma_start3A_31 : memref<1x1x80x128xi32, #tpu.memory_space<hbm>> -> memref<80x128xi32, #tpu.memory_space<hbm>>
      tpu.enqueue_dma source(%dma_start3A_32 : memref<80x128xi32, #tpu.memory_space<hbm>>) target(%arg8 : memref<80x128xi32, #tpu.memory_space<vmem>>) target_semaphore(%run_scoped3A_25 : memref<!tpu.dma_semaphore, #tpu.memory_space<semaphore_mem>>)
      %dma_wait3A = arith.constant 0 : i32
      %dma_wait3A_33 = arith.constant 0 : i32
      %dma_wait3A_34 = tpu.memref_slice %arg3[%arg0, %arg1, %dma_wait3A, %dma_wait3A_33] : memref<2x16x80x128xi32, #tpu.memory_space<hbm>> -> memref<1x1x80x128xi32, #tpu.memory_space<hbm>>
      %dma_wait3A_35 = tpu.memref_squeeze %dma_wait3A_34 : memref<1x1x80x128xi32, #tpu.memory_space<hbm>> -> memref<80x128xi32, #tpu.memory_space<hbm>>
      %dma_wait3A_36 = arith.constant 0 : i32
      %dma_wait3A_37 = arith.constant 0 : i32
      %dma_wait3A_38 = tpu.memref_slice %arg3[%arg0, %arg1, %dma_wait3A_36, %dma_wait3A_37] : memref<2x16x80x128xi32, #tpu.memory_space<hbm>> -> memref<1x1x80x128xi32, #tpu.memory_space<hbm>>
      %dma_wait3A_39 = tpu.memref_squeeze %dma_wait3A_38 : memref<1x1x80x128xi32, #tpu.memory_space<hbm>> -> memref<80x128xi32, #tpu.memory_space<hbm>>
      tpu.wait_dma2 semaphore(%run_scoped3A_25 : memref<!tpu.dma_semaphore, #tpu.memory_space<semaphore_mem>>) src(%dma_wait3A_39 : memref<80x128xi32, #tpu.memory_space<hbm>>) dst(%arg8 : memref<80x128xi32, #tpu.memory_space<vmem>>)
      tpu.yield
    }) : () -> ()
    "tpu.region"() ({
      %run_scoped3A_25 = tpu.sem_alloc : memref<!tpu.dma_semaphore, #tpu.memory_space<semaphore_mem>>
      %dma_start3A = arith.constant 0 : i32
      %dma_start3A_26 = arith.constant 0 : i32
      %dma_start3A_27 = tpu.memref_slice %arg4[%arg0, %arg1, %dma_start3A, %dma_start3A_26] : memref<2x16x80x128xi32, #tpu.memory_space<hbm>> -> memref<1x1x80x128xi32, #tpu.memory_space<hbm>>
      %dma_start3A_28 = tpu.memref_squeeze %dma_start3A_27 : memref<1x1x80x128xi32, #tpu.memory_space<hbm>> -> memref<80x128xi32, #tpu.memory_space<hbm>>
      %dma_start3A_29 = arith.constant 0 : i32
      %dma_start3A_30 = arith.constant 0 : i32
      %dma_start3A_31 = tpu.memref_slice %arg4[%arg0, %arg1, %dma_start3A_29, %dma_start3A_30] : memref<2x16x80x128xi32, #tpu.memory_space<hbm>> -> memref<1x1x80x128xi32, #tpu.memory_space<hbm>>
      %dma_start3A_32 = tpu.memref_squeeze %dma_start3A_31 : memref<1x1x80x128xi32, #tpu.memory_space<hbm>> -> memref<80x128xi32, #tpu.memory_space<hbm>>
      tpu.enqueue_dma source(%dma_start3A_32 : memref<80x128xi32, #tpu.memory_space<hbm>>) target(%arg9 : memref<80x128xi32, #tpu.memory_space<vmem>>) target_semaphore(%run_scoped3A_25 : memref<!tpu.dma_semaphore, #tpu.memory_space<semaphore_mem>>)
      %dma_wait3A = arith.constant 0 : i32
      %dma_wait3A_33 = arith.constant 0 : i32
      %dma_wait3A_34 = tpu.memref_slice %arg4[%arg0, %arg1, %dma_wait3A, %dma_wait3A_33] : memref<2x16x80x128xi32, #tpu.memory_space<hbm>> -> memref<1x1x80x128xi32, #tpu.memory_space<hbm>>
      %dma_wait3A_35 = tpu.memref_squeeze %dma_wait3A_34 : memref<1x1x80x128xi32, #tpu.memory_space<hbm>> -> memref<80x128xi32, #tpu.memory_space<hbm>>
      %dma_wait3A_36 = arith.constant 0 : i32
      %dma_wait3A_37 = arith.constant 0 : i32
      %dma_wait3A_38 = tpu.memref_slice %arg4[%arg0, %arg1, %dma_wait3A_36, %dma_wait3A_37] : memref<2x16x80x128xi32, #tpu.memory_space<hbm>> -> memref<1x1x80x128xi32, #tpu.memory_space<hbm>>
      %dma_wait3A_39 = tpu.memref_squeeze %dma_wait3A_38 : memref<1x1x80x128xi32, #tpu.memory_space<hbm>> -> memref<80x128xi32, #tpu.memory_space<hbm>>
      tpu.wait_dma2 semaphore(%run_scoped3A_25 : memref<!tpu.dma_semaphore, #tpu.memory_space<semaphore_mem>>) src(%dma_wait3A_39 : memref<80x128xi32, #tpu.memory_space<hbm>>) dst(%arg9 : memref<80x128xi32, #tpu.memory_space<vmem>>)
      tpu.yield
    }) : () -> ()
    %barrier3A = arith.constant 0 : index
    tpu.barrier barrier_id(%barrier3A)
    %scan3A = arith.constant 0 : i32
    %scan3A_19 = arith.constant 0 : i32
    %scan3A_20 = arith.constant 80 : i32
    %scan3A_21 = arith.addi %scan3A_19, %scan3A_20 : i32
    %scan3A_22 = arith.constant 1 : i32
    scf.for %scan3A_25 = %scan3A_19 to %scan3A_21 step %scan3A_22  : i32 {
      %dma_start3A = arith.constant 0 : i32
      %dma_start3A_26 = tpu.memref_slice %arg8[%scan3A_25, %dma_start3A] : memref<80x128xi32, #tpu.memory_space<vmem>> -> memref<1x128xi32, #tpu.memory_space<vmem>>
      %dma_start3A_27 = tpu.memref_squeeze %dma_start3A_26 : memref<1x128xi32, #tpu.memory_space<vmem>> -> memref<128xi32, #tpu.memory_space<vmem>>
      %dma_start3A_28 = arith.constant 0 : i32
      %dma_start3A_29 = arith.constant 0 : i32
      %dma_start3A_30 = tpu.memref_slice %arg13[%dma_start3A_28, %dma_start3A_29] : memref<10112x16xf32, #tpu.memory_space<vmem_shared>> -> memref<10112x16xf32, #tpu.memory_space<vmem_shared>>
      tpu.enqueue_indirect_dma source(%dma_start3A_30 : memref<10112x16xf32, #tpu.memory_space<vmem_shared>>) target(%arg11 : memref<128x16xf32, #tpu.memory_space<vmem>>) offsets(%dma_start3A_27 : memref<128xi32, #tpu.memory_space<vmem>>) semaphore(%arg14 : memref<!tpu.dma_semaphore, #tpu.memory_space<semaphore_mem>>)
      %dma_wait3A = arith.constant 0 : i32
      %dma_wait3A_31 = tpu.memref_slice %arg8[%scan3A_25, %dma_wait3A] : memref<80x128xi32, #tpu.memory_space<vmem>> -> memref<1x128xi32, #tpu.memory_space<vmem>>
      %dma_wait3A_32 = tpu.memref_squeeze %dma_wait3A_31 : memref<1x128xi32, #tpu.memory_space<vmem>> -> memref<128xi32, #tpu.memory_space<vmem>>
      %dma_wait3A_33 = arith.constant 0 : i32
      %dma_wait3A_34 = arith.constant 0 : i32
      %dma_wait3A_35 = tpu.memref_slice %arg13[%dma_wait3A_33, %dma_wait3A_34] : memref<10112x16xf32, #tpu.memory_space<vmem_shared>> -> memref<10112x16xf32, #tpu.memory_space<vmem_shared>>
      tpu.wait_indirect_dma semaphore(%arg14 : memref<!tpu.dma_semaphore, #tpu.memory_space<semaphore_mem>>) src(%dma_wait3A_35 : memref<10112x16xf32, #tpu.memory_space<vmem_shared>>) dst(%arg11 : memref<128x16xf32, #tpu.memory_space<vmem>>)
      "tpu.region"() ({
        %run_scoped3A_36 = tpu.sem_alloc : memref<!tpu.dma_semaphore, #tpu.memory_space<semaphore_mem>>
        %dma_start3A_37 = arith.constant 0 : i32
        %dma_start3A_38 = tpu.memref_slice %arg9[%scan3A_25, %dma_start3A_37] : memref<80x128xi32, #tpu.memory_space<vmem>> -> memref<1x128xi32, #tpu.memory_space<vmem>>
        %dma_start3A_39 = tpu.memref_squeeze %dma_start3A_38 : memref<1x128xi32, #tpu.memory_space<vmem>> -> memref<128xi32, #tpu.memory_space<vmem>>
        %dma_start3A_40 = arith.constant 0 : i32
        %dma_start3A_41 = arith.constant 0 : i32
        %dma_start3A_42 = tpu.memref_slice %arg12[%dma_start3A_40, %dma_start3A_41] : memref<10112x16xf32, #tpu.memory_space<vmem_shared>> -> memref<10112x16xf32, #tpu.memory_space<vmem_shared>>
        tpu.enqueue_indirect_dma source(%arg11 : memref<128x16xf32, #tpu.memory_space<vmem>>) target(%dma_start3A_42 : memref<10112x16xf32, #tpu.memory_space<vmem_shared>>) offsets(%dma_start3A_39 : memref<128xi32, #tpu.memory_space<vmem>>) semaphore(%run_scoped3A_36 : memref<!tpu.dma_semaphore, #tpu.memory_space<semaphore_mem>>) {add = true}
        %dma_wait3A_43 = arith.constant 0 : i32
        %dma_wait3A_44 = tpu.memref_slice %arg9[%scan3A_25, %dma_wait3A_43] : memref<80x128xi32, #tpu.memory_space<vmem>> -> memref<1x128xi32, #tpu.memory_space<vmem>>
        %dma_wait3A_45 = tpu.memref_squeeze %dma_wait3A_44 : memref<1x128xi32, #tpu.memory_space<vmem>> -> memref<128xi32, #tpu.memory_space<vmem>>
        %dma_wait3A_46 = arith.constant 0 : i32
        %dma_wait3A_47 = arith.constant 0 : i32
        %dma_wait3A_48 = tpu.memref_slice %arg12[%dma_wait3A_46, %dma_wait3A_47] : memref<10112x16xf32, #tpu.memory_space<vmem_shared>> -> memref<10112x16xf32, #tpu.memory_space<vmem_shared>>
        tpu.wait_indirect_dma semaphore(%run_scoped3A_36 : memref<!tpu.dma_semaphore, #tpu.memory_space<semaphore_mem>>) src(%arg11 : memref<128x16xf32, #tpu.memory_space<vmem>>) dst(%dma_wait3A_48 : memref<10112x16xf32, #tpu.memory_space<vmem_shared>>)
        tpu.yield
      }) : () -> ()
    }
    %scan3A_23 = arith.constant 80 : i32
    %barrier3A_24 = arith.constant 0 : index
    tpu.barrier barrier_id(%barrier3A_24)
    "tpu.region"() ({
      %run_scoped3A_25 = tpu.sem_alloc : memref<!tpu.dma_semaphore, #tpu.memory_space<semaphore_mem>>
      %dma_start3A = arith.constant 0 : i32
      %dma_start3A_26 = tpu.memref_slice %arg7[%arg0, %mul3A_0, %dma_start3A] : memref<2x10112x16xf32, #tpu.memory_space<hbm>> -> memref<1x632x16xf32, #tpu.memory_space<hbm>>
      %dma_start3A_27 = tpu.memref_squeeze %dma_start3A_26 : memref<1x632x16xf32, #tpu.memory_space<hbm>> -> memref<632x16xf32, #tpu.memory_space<hbm>>
      %dma_start3A_28 = arith.constant 0 : i32
      %dma_start3A_29 = tpu.memref_slice %arg12[%mul3A_0, %dma_start3A_28] : memref<10112x16xf32, #tpu.memory_space<vmem_shared>> -> memref<632x16xf32, #tpu.memory_space<vmem_shared>>
      tpu.enqueue_dma source(%dma_start3A_29 : memref<632x16xf32, #tpu.memory_space<vmem_shared>>) target(%dma_start3A_27 : memref<632x16xf32, #tpu.memory_space<hbm>>) target_semaphore(%run_scoped3A_25 : memref<!tpu.dma_semaphore, #tpu.memory_space<semaphore_mem>>)
      %dma_wait3A = arith.constant 0 : i32
      %dma_wait3A_30 = tpu.memref_slice %arg7[%arg0, %mul3A_0, %dma_wait3A] : memref<2x10112x16xf32, #tpu.memory_space<hbm>> -> memref<1x632x16xf32, #tpu.memory_space<hbm>>
      %dma_wait3A_31 = tpu.memref_squeeze %dma_wait3A_30 : memref<1x632x16xf32, #tpu.memory_space<hbm>> -> memref<632x16xf32, #tpu.memory_space<hbm>>
      %dma_wait3A_32 = arith.constant 0 : i32
      %dma_wait3A_33 = tpu.memref_slice %arg12[%mul3A_0, %dma_wait3A_32] : memref<10112x16xf32, #tpu.memory_space<vmem_shared>> -> memref<632x16xf32, #tpu.memory_space<vmem_shared>>
      tpu.wait_dma2 semaphore(%run_scoped3A_25 : memref<!tpu.dma_semaphore, #tpu.memory_space<semaphore_mem>>) src(%dma_wait3A_33 : memref<632x16xf32, #tpu.memory_space<vmem_shared>>) dst(%dma_wait3A_31 : memref<632x16xf32, #tpu.memory_space<hbm>>)
      tpu.yield
    }) : () -> ()
    return
  }
}

#map = affine_map<(d0, d1) -> (0, 0, 0, 0)>
#map1 = affine_map<(d0, d1) -> (0, 0, 0)>
#map2 = affine_map<(d0, d1) -> (0, 0)>
module attributes {stable_mosaic.version = 14 : i64} {
  func.func @_sc_degree(%arg0: i32, %arg1: i32, %arg2: memref<2x16x80x128xi32, #tpu.memory_space<hbm>>, %arg3: memref<16x5x128xi32, #tpu.memory_space<hbm>>, %arg4: memref<128x16xf32, #tpu.memory_space<hbm>>, %arg5: memref<128x16xf32, #tpu.memory_space<hbm>>, %arg6: memref<2x10112x16xf32, #tpu.memory_space<hbm>>, %arg7: memref<80x128xi32, #tpu.memory_space<vmem>>, %arg8: memref<5x128xi32, #tpu.memory_space<vmem>>, %arg9: memref<128x16xf32, #tpu.memory_space<vmem>>, %arg10: memref<128x16xf32, #tpu.memory_space<vmem>>, %arg11: memref<10112x16xf32, #tpu.memory_space<vmem_shared>>) attributes {dimension_semantics = [#tpu.dimension_semantics<core_parallel>, #tpu.dimension_semantics<subcore_parallel>], iteration_bounds = array<i64: 2, 16>, scalar_prefetch = 0 : i64, scratch_operands = 5 : i64, tpu.core_type = #tpu.core_type<sc_vector_subcore>, window_params = [{transform_indices = #map}, {transform_indices = #map1}, {transform_indices = #map2}, {transform_indices = #map2}, {transform_indices = #map1}]} {
    %mul3A = arith.constant 632 : i32
    %mul3A_0 = arith.muli %arg1, %mul3A : i32
    "tpu.region"() ({
      %run_scoped3A_11 = tpu.sem_alloc : memref<!tpu.dma_semaphore, #tpu.memory_space<semaphore_mem>>
      %dma_start3A = arith.constant 0 : i32
      %dma_start3A_12 = arith.constant 0 : i32
      %dma_start3A_13 = tpu.memref_slice %arg3[%arg1, %dma_start3A, %dma_start3A_12] : memref<16x5x128xi32, #tpu.memory_space<hbm>> -> memref<1x5x128xi32, #tpu.memory_space<hbm>>
      %dma_start3A_14 = tpu.memref_squeeze %dma_start3A_13 : memref<1x5x128xi32, #tpu.memory_space<hbm>> -> memref<5x128xi32, #tpu.memory_space<hbm>>
      %dma_start3A_15 = arith.constant 0 : i32
      %dma_start3A_16 = arith.constant 0 : i32
      %dma_start3A_17 = tpu.memref_slice %arg3[%arg1, %dma_start3A_15, %dma_start3A_16] : memref<16x5x128xi32, #tpu.memory_space<hbm>> -> memref<1x5x128xi32, #tpu.memory_space<hbm>>
      %dma_start3A_18 = tpu.memref_squeeze %dma_start3A_17 : memref<1x5x128xi32, #tpu.memory_space<hbm>> -> memref<5x128xi32, #tpu.memory_space<hbm>>
      tpu.enqueue_dma source(%dma_start3A_18 : memref<5x128xi32, #tpu.memory_space<hbm>>) target(%arg8 : memref<5x128xi32, #tpu.memory_space<vmem>>) target_semaphore(%run_scoped3A_11 : memref<!tpu.dma_semaphore, #tpu.memory_space<semaphore_mem>>)
      %dma_wait3A = arith.constant 0 : i32
      %dma_wait3A_19 = arith.constant 0 : i32
      %dma_wait3A_20 = tpu.memref_slice %arg3[%arg1, %dma_wait3A, %dma_wait3A_19] : memref<16x5x128xi32, #tpu.memory_space<hbm>> -> memref<1x5x128xi32, #tpu.memory_space<hbm>>
      %dma_wait3A_21 = tpu.memref_squeeze %dma_wait3A_20 : memref<1x5x128xi32, #tpu.memory_space<hbm>> -> memref<5x128xi32, #tpu.memory_space<hbm>>
      %dma_wait3A_22 = arith.constant 0 : i32
      %dma_wait3A_23 = arith.constant 0 : i32
      %dma_wait3A_24 = tpu.memref_slice %arg3[%arg1, %dma_wait3A_22, %dma_wait3A_23] : memref<16x5x128xi32, #tpu.memory_space<hbm>> -> memref<1x5x128xi32, #tpu.memory_space<hbm>>
      %dma_wait3A_25 = tpu.memref_squeeze %dma_wait3A_24 : memref<1x5x128xi32, #tpu.memory_space<hbm>> -> memref<5x128xi32, #tpu.memory_space<hbm>>
      tpu.wait_dma2 semaphore(%run_scoped3A_11 : memref<!tpu.dma_semaphore, #tpu.memory_space<semaphore_mem>>) src(%dma_wait3A_25 : memref<5x128xi32, #tpu.memory_space<hbm>>) dst(%arg8 : memref<5x128xi32, #tpu.memory_space<vmem>>)
      tpu.yield
    }) : () -> ()
    "tpu.region"() ({
      %run_scoped3A_11 = tpu.sem_alloc : memref<!tpu.dma_semaphore, #tpu.memory_space<semaphore_mem>>
      tpu.enqueue_dma source(%arg5 : memref<128x16xf32, #tpu.memory_space<hbm>>) target(%arg10 : memref<128x16xf32, #tpu.memory_space<vmem>>) target_semaphore(%run_scoped3A_11 : memref<!tpu.dma_semaphore, #tpu.memory_space<semaphore_mem>>)
      tpu.wait_dma2 semaphore(%run_scoped3A_11 : memref<!tpu.dma_semaphore, #tpu.memory_space<semaphore_mem>>) src(%arg5 : memref<128x16xf32, #tpu.memory_space<hbm>>) dst(%arg10 : memref<128x16xf32, #tpu.memory_space<vmem>>)
      tpu.yield
    }) : () -> ()
    %run_scoped3A = arith.constant 0 : i32
    "tpu.region"() ({
      %run_scoped3A_11 = tpu.sem_alloc : memref<!tpu.dma_semaphore, #tpu.memory_space<semaphore_mem>>
      %dma_start3A = arith.constant 0 : i32
      %dma_start3A_12 = tpu.memref_slice %arg8[%run_scoped3A, %dma_start3A] : memref<5x128xi32, #tpu.memory_space<vmem>> -> memref<1x128xi32, #tpu.memory_space<vmem>>
      %dma_start3A_13 = tpu.memref_squeeze %dma_start3A_12 : memref<1x128xi32, #tpu.memory_space<vmem>> -> memref<128xi32, #tpu.memory_space<vmem>>
      %dma_start3A_14 = arith.constant 0 : i32
      %dma_start3A_15 = arith.constant 0 : i32
      %dma_start3A_16 = tpu.memref_slice %arg11[%dma_start3A_14, %dma_start3A_15] : memref<10112x16xf32, #tpu.memory_space<vmem_shared>> -> memref<10112x16xf32, #tpu.memory_space<vmem_shared>>
      tpu.enqueue_indirect_dma source(%arg10 : memref<128x16xf32, #tpu.memory_space<vmem>>) target(%dma_start3A_16 : memref<10112x16xf32, #tpu.memory_space<vmem_shared>>) offsets(%dma_start3A_13 : memref<128xi32, #tpu.memory_space<vmem>>) semaphore(%run_scoped3A_11 : memref<!tpu.dma_semaphore, #tpu.memory_space<semaphore_mem>>)
      %dma_wait3A = arith.constant 0 : i32
      %dma_wait3A_17 = tpu.memref_slice %arg8[%run_scoped3A, %dma_wait3A] : memref<5x128xi32, #tpu.memory_space<vmem>> -> memref<1x128xi32, #tpu.memory_space<vmem>>
      %dma_wait3A_18 = tpu.memref_squeeze %dma_wait3A_17 : memref<1x128xi32, #tpu.memory_space<vmem>> -> memref<128xi32, #tpu.memory_space<vmem>>
      %dma_wait3A_19 = arith.constant 0 : i32
      %dma_wait3A_20 = arith.constant 0 : i32
      %dma_wait3A_21 = tpu.memref_slice %arg11[%dma_wait3A_19, %dma_wait3A_20] : memref<10112x16xf32, #tpu.memory_space<vmem_shared>> -> memref<10112x16xf32, #tpu.memory_space<vmem_shared>>
      tpu.wait_indirect_dma semaphore(%run_scoped3A_11 : memref<!tpu.dma_semaphore, #tpu.memory_space<semaphore_mem>>) src(%arg10 : memref<128x16xf32, #tpu.memory_space<vmem>>) dst(%dma_wait3A_21 : memref<10112x16xf32, #tpu.memory_space<vmem_shared>>)
      tpu.yield
    }) : () -> ()
    %run_scoped3A_1 = arith.constant 1 : i32
    "tpu.region"() ({
      %run_scoped3A_11 = tpu.sem_alloc : memref<!tpu.dma_semaphore, #tpu.memory_space<semaphore_mem>>
      %dma_start3A = arith.constant 0 : i32
      %dma_start3A_12 = tpu.memref_slice %arg8[%run_scoped3A_1, %dma_start3A] : memref<5x128xi32, #tpu.memory_space<vmem>> -> memref<1x128xi32, #tpu.memory_space<vmem>>
      %dma_start3A_13 = tpu.memref_squeeze %dma_start3A_12 : memref<1x128xi32, #tpu.memory_space<vmem>> -> memref<128xi32, #tpu.memory_space<vmem>>
      %dma_start3A_14 = arith.constant 0 : i32
      %dma_start3A_15 = arith.constant 0 : i32
      %dma_start3A_16 = tpu.memref_slice %arg11[%dma_start3A_14, %dma_start3A_15] : memref<10112x16xf32, #tpu.memory_space<vmem_shared>> -> memref<10112x16xf32, #tpu.memory_space<vmem_shared>>
      tpu.enqueue_indirect_dma source(%arg10 : memref<128x16xf32, #tpu.memory_space<vmem>>) target(%dma_start3A_16 : memref<10112x16xf32, #tpu.memory_space<vmem_shared>>) offsets(%dma_start3A_13 : memref<128xi32, #tpu.memory_space<vmem>>) semaphore(%run_scoped3A_11 : memref<!tpu.dma_semaphore, #tpu.memory_space<semaphore_mem>>)
      %dma_wait3A = arith.constant 0 : i32
      %dma_wait3A_17 = tpu.memref_slice %arg8[%run_scoped3A_1, %dma_wait3A] : memref<5x128xi32, #tpu.memory_space<vmem>> -> memref<1x128xi32, #tpu.memory_space<vmem>>
      %dma_wait3A_18 = tpu.memref_squeeze %dma_wait3A_17 : memref<1x128xi32, #tpu.memory_space<vmem>> -> memref<128xi32, #tpu.memory_space<vmem>>
      %dma_wait3A_19 = arith.constant 0 : i32
      %dma_wait3A_20 = arith.constant 0 : i32
      %dma_wait3A_21 = tpu.memref_slice %arg11[%dma_wait3A_19, %dma_wait3A_20] : memref<10112x16xf32, #tpu.memory_space<vmem_shared>> -> memref<10112x16xf32, #tpu.memory_space<vmem_shared>>
      tpu.wait_indirect_dma semaphore(%run_scoped3A_11 : memref<!tpu.dma_semaphore, #tpu.memory_space<semaphore_mem>>) src(%arg10 : memref<128x16xf32, #tpu.memory_space<vmem>>) dst(%dma_wait3A_21 : memref<10112x16xf32, #tpu.memory_space<vmem_shared>>)
      tpu.yield
    }) : () -> ()
    %run_scoped3A_2 = arith.constant 2 : i32
    "tpu.region"() ({
      %run_scoped3A_11 = tpu.sem_alloc : memref<!tpu.dma_semaphore, #tpu.memory_space<semaphore_mem>>
      %dma_start3A = arith.constant 0 : i32
      %dma_start3A_12 = tpu.memref_slice %arg8[%run_scoped3A_2, %dma_start3A] : memref<5x128xi32, #tpu.memory_space<vmem>> -> memref<1x128xi32, #tpu.memory_space<vmem>>
      %dma_start3A_13 = tpu.memref_squeeze %dma_start3A_12 : memref<1x128xi32, #tpu.memory_space<vmem>> -> memref<128xi32, #tpu.memory_space<vmem>>
      %dma_start3A_14 = arith.constant 0 : i32
      %dma_start3A_15 = arith.constant 0 : i32
      %dma_start3A_16 = tpu.memref_slice %arg11[%dma_start3A_14, %dma_start3A_15] : memref<10112x16xf32, #tpu.memory_space<vmem_shared>> -> memref<10112x16xf32, #tpu.memory_space<vmem_shared>>
      tpu.enqueue_indirect_dma source(%arg10 : memref<128x16xf32, #tpu.memory_space<vmem>>) target(%dma_start3A_16 : memref<10112x16xf32, #tpu.memory_space<vmem_shared>>) offsets(%dma_start3A_13 : memref<128xi32, #tpu.memory_space<vmem>>) semaphore(%run_scoped3A_11 : memref<!tpu.dma_semaphore, #tpu.memory_space<semaphore_mem>>)
      %dma_wait3A = arith.constant 0 : i32
      %dma_wait3A_17 = tpu.memref_slice %arg8[%run_scoped3A_2, %dma_wait3A] : memref<5x128xi32, #tpu.memory_space<vmem>> -> memref<1x128xi32, #tpu.memory_space<vmem>>
      %dma_wait3A_18 = tpu.memref_squeeze %dma_wait3A_17 : memref<1x128xi32, #tpu.memory_space<vmem>> -> memref<128xi32, #tpu.memory_space<vmem>>
      %dma_wait3A_19 = arith.constant 0 : i32
      %dma_wait3A_20 = arith.constant 0 : i32
      %dma_wait3A_21 = tpu.memref_slice %arg11[%dma_wait3A_19, %dma_wait3A_20] : memref<10112x16xf32, #tpu.memory_space<vmem_shared>> -> memref<10112x16xf32, #tpu.memory_space<vmem_shared>>
      tpu.wait_indirect_dma semaphore(%run_scoped3A_11 : memref<!tpu.dma_semaphore, #tpu.memory_space<semaphore_mem>>) src(%arg10 : memref<128x16xf32, #tpu.memory_space<vmem>>) dst(%dma_wait3A_21 : memref<10112x16xf32, #tpu.memory_space<vmem_shared>>)
      tpu.yield
    }) : () -> ()
    %run_scoped3A_3 = arith.constant 3 : i32
    "tpu.region"() ({
      %run_scoped3A_11 = tpu.sem_alloc : memref<!tpu.dma_semaphore, #tpu.memory_space<semaphore_mem>>
      %dma_start3A = arith.constant 0 : i32
      %dma_start3A_12 = tpu.memref_slice %arg8[%run_scoped3A_3, %dma_start3A] : memref<5x128xi32, #tpu.memory_space<vmem>> -> memref<1x128xi32, #tpu.memory_space<vmem>>
      %dma_start3A_13 = tpu.memref_squeeze %dma_start3A_12 : memref<1x128xi32, #tpu.memory_space<vmem>> -> memref<128xi32, #tpu.memory_space<vmem>>
      %dma_start3A_14 = arith.constant 0 : i32
      %dma_start3A_15 = arith.constant 0 : i32
      %dma_start3A_16 = tpu.memref_slice %arg11[%dma_start3A_14, %dma_start3A_15] : memref<10112x16xf32, #tpu.memory_space<vmem_shared>> -> memref<10112x16xf32, #tpu.memory_space<vmem_shared>>
      tpu.enqueue_indirect_dma source(%arg10 : memref<128x16xf32, #tpu.memory_space<vmem>>) target(%dma_start3A_16 : memref<10112x16xf32, #tpu.memory_space<vmem_shared>>) offsets(%dma_start3A_13 : memref<128xi32, #tpu.memory_space<vmem>>) semaphore(%run_scoped3A_11 : memref<!tpu.dma_semaphore, #tpu.memory_space<semaphore_mem>>)
      %dma_wait3A = arith.constant 0 : i32
      %dma_wait3A_17 = tpu.memref_slice %arg8[%run_scoped3A_3, %dma_wait3A] : memref<5x128xi32, #tpu.memory_space<vmem>> -> memref<1x128xi32, #tpu.memory_space<vmem>>
      %dma_wait3A_18 = tpu.memref_squeeze %dma_wait3A_17 : memref<1x128xi32, #tpu.memory_space<vmem>> -> memref<128xi32, #tpu.memory_space<vmem>>
      %dma_wait3A_19 = arith.constant 0 : i32
      %dma_wait3A_20 = arith.constant 0 : i32
      %dma_wait3A_21 = tpu.memref_slice %arg11[%dma_wait3A_19, %dma_wait3A_20] : memref<10112x16xf32, #tpu.memory_space<vmem_shared>> -> memref<10112x16xf32, #tpu.memory_space<vmem_shared>>
      tpu.wait_indirect_dma semaphore(%run_scoped3A_11 : memref<!tpu.dma_semaphore, #tpu.memory_space<semaphore_mem>>) src(%arg10 : memref<128x16xf32, #tpu.memory_space<vmem>>) dst(%dma_wait3A_21 : memref<10112x16xf32, #tpu.memory_space<vmem_shared>>)
      tpu.yield
    }) : () -> ()
    %run_scoped3A_4 = arith.constant 4 : i32
    "tpu.region"() ({
      %run_scoped3A_11 = tpu.sem_alloc : memref<!tpu.dma_semaphore, #tpu.memory_space<semaphore_mem>>
      %dma_start3A = arith.constant 0 : i32
      %dma_start3A_12 = tpu.memref_slice %arg8[%run_scoped3A_4, %dma_start3A] : memref<5x128xi32, #tpu.memory_space<vmem>> -> memref<1x128xi32, #tpu.memory_space<vmem>>
      %dma_start3A_13 = tpu.memref_squeeze %dma_start3A_12 : memref<1x128xi32, #tpu.memory_space<vmem>> -> memref<128xi32, #tpu.memory_space<vmem>>
      %dma_start3A_14 = arith.constant 0 : i32
      %dma_start3A_15 = arith.constant 0 : i32
      %dma_start3A_16 = tpu.memref_slice %arg11[%dma_start3A_14, %dma_start3A_15] : memref<10112x16xf32, #tpu.memory_space<vmem_shared>> -> memref<10112x16xf32, #tpu.memory_space<vmem_shared>>
      tpu.enqueue_indirect_dma source(%arg10 : memref<128x16xf32, #tpu.memory_space<vmem>>) target(%dma_start3A_16 : memref<10112x16xf32, #tpu.memory_space<vmem_shared>>) offsets(%dma_start3A_13 : memref<128xi32, #tpu.memory_space<vmem>>) semaphore(%run_scoped3A_11 : memref<!tpu.dma_semaphore, #tpu.memory_space<semaphore_mem>>)
      %dma_wait3A = arith.constant 0 : i32
      %dma_wait3A_17 = tpu.memref_slice %arg8[%run_scoped3A_4, %dma_wait3A] : memref<5x128xi32, #tpu.memory_space<vmem>> -> memref<1x128xi32, #tpu.memory_space<vmem>>
      %dma_wait3A_18 = tpu.memref_squeeze %dma_wait3A_17 : memref<1x128xi32, #tpu.memory_space<vmem>> -> memref<128xi32, #tpu.memory_space<vmem>>
      %dma_wait3A_19 = arith.constant 0 : i32
      %dma_wait3A_20 = arith.constant 0 : i32
      %dma_wait3A_21 = tpu.memref_slice %arg11[%dma_wait3A_19, %dma_wait3A_20] : memref<10112x16xf32, #tpu.memory_space<vmem_shared>> -> memref<10112x16xf32, #tpu.memory_space<vmem_shared>>
      tpu.wait_indirect_dma semaphore(%run_scoped3A_11 : memref<!tpu.dma_semaphore, #tpu.memory_space<semaphore_mem>>) src(%arg10 : memref<128x16xf32, #tpu.memory_space<vmem>>) dst(%dma_wait3A_21 : memref<10112x16xf32, #tpu.memory_space<vmem_shared>>)
      tpu.yield
    }) : () -> ()
    "tpu.region"() ({
      %run_scoped3A_11 = tpu.sem_alloc : memref<!tpu.dma_semaphore, #tpu.memory_space<semaphore_mem>>
      tpu.enqueue_dma source(%arg4 : memref<128x16xf32, #tpu.memory_space<hbm>>) target(%arg9 : memref<128x16xf32, #tpu.memory_space<vmem>>) target_semaphore(%run_scoped3A_11 : memref<!tpu.dma_semaphore, #tpu.memory_space<semaphore_mem>>)
      tpu.wait_dma2 semaphore(%run_scoped3A_11 : memref<!tpu.dma_semaphore, #tpu.memory_space<semaphore_mem>>) src(%arg4 : memref<128x16xf32, #tpu.memory_space<hbm>>) dst(%arg9 : memref<128x16xf32, #tpu.memory_space<vmem>>)
      tpu.yield
    }) : () -> ()
    "tpu.region"() ({
      %run_scoped3A_11 = tpu.sem_alloc : memref<!tpu.dma_semaphore, #tpu.memory_space<semaphore_mem>>
      %dma_start3A = arith.constant 0 : i32
      %dma_start3A_12 = arith.constant 0 : i32
      %dma_start3A_13 = tpu.memref_slice %arg2[%arg0, %arg1, %dma_start3A, %dma_start3A_12] : memref<2x16x80x128xi32, #tpu.memory_space<hbm>> -> memref<1x1x80x128xi32, #tpu.memory_space<hbm>>
      %dma_start3A_14 = tpu.memref_squeeze %dma_start3A_13 : memref<1x1x80x128xi32, #tpu.memory_space<hbm>> -> memref<80x128xi32, #tpu.memory_space<hbm>>
      %dma_start3A_15 = arith.constant 0 : i32
      %dma_start3A_16 = arith.constant 0 : i32
      %dma_start3A_17 = tpu.memref_slice %arg2[%arg0, %arg1, %dma_start3A_15, %dma_start3A_16] : memref<2x16x80x128xi32, #tpu.memory_space<hbm>> -> memref<1x1x80x128xi32, #tpu.memory_space<hbm>>
      %dma_start3A_18 = tpu.memref_squeeze %dma_start3A_17 : memref<1x1x80x128xi32, #tpu.memory_space<hbm>> -> memref<80x128xi32, #tpu.memory_space<hbm>>
      tpu.enqueue_dma source(%dma_start3A_18 : memref<80x128xi32, #tpu.memory_space<hbm>>) target(%arg7 : memref<80x128xi32, #tpu.memory_space<vmem>>) target_semaphore(%run_scoped3A_11 : memref<!tpu.dma_semaphore, #tpu.memory_space<semaphore_mem>>)
      %dma_wait3A = arith.constant 0 : i32
      %dma_wait3A_19 = arith.constant 0 : i32
      %dma_wait3A_20 = tpu.memref_slice %arg2[%arg0, %arg1, %dma_wait3A, %dma_wait3A_19] : memref<2x16x80x128xi32, #tpu.memory_space<hbm>> -> memref<1x1x80x128xi32, #tpu.memory_space<hbm>>
      %dma_wait3A_21 = tpu.memref_squeeze %dma_wait3A_20 : memref<1x1x80x128xi32, #tpu.memory_space<hbm>> -> memref<80x128xi32, #tpu.memory_space<hbm>>
      %dma_wait3A_22 = arith.constant 0 : i32
      %dma_wait3A_23 = arith.constant 0 : i32
      %dma_wait3A_24 = tpu.memref_slice %arg2[%arg0, %arg1, %dma_wait3A_22, %dma_wait3A_23] : memref<2x16x80x128xi32, #tpu.memory_space<hbm>> -> memref<1x1x80x128xi32, #tpu.memory_space<hbm>>
      %dma_wait3A_25 = tpu.memref_squeeze %dma_wait3A_24 : memref<1x1x80x128xi32, #tpu.memory_space<hbm>> -> memref<80x128xi32, #tpu.memory_space<hbm>>
      tpu.wait_dma2 semaphore(%run_scoped3A_11 : memref<!tpu.dma_semaphore, #tpu.memory_space<semaphore_mem>>) src(%dma_wait3A_25 : memref<80x128xi32, #tpu.memory_space<hbm>>) dst(%arg7 : memref<80x128xi32, #tpu.memory_space<vmem>>)
      tpu.yield
    }) : () -> ()
    %barrier3A = arith.constant 0 : index
    tpu.barrier barrier_id(%barrier3A)
    %scan3A = arith.constant 0 : i32
    %scan3A_5 = arith.constant 0 : i32
    %scan3A_6 = arith.constant 80 : i32
    %scan3A_7 = arith.addi %scan3A_5, %scan3A_6 : i32
    %scan3A_8 = arith.constant 1 : i32
    scf.for %scan3A_11 = %scan3A_5 to %scan3A_7 step %scan3A_8  : i32 {
      "tpu.region"() ({
        %run_scoped3A_12 = tpu.sem_alloc : memref<!tpu.dma_semaphore, #tpu.memory_space<semaphore_mem>>
        %dma_start3A = arith.constant 0 : i32
        %dma_start3A_13 = tpu.memref_slice %arg7[%scan3A_11, %dma_start3A] : memref<80x128xi32, #tpu.memory_space<vmem>> -> memref<1x128xi32, #tpu.memory_space<vmem>>
        %dma_start3A_14 = tpu.memref_squeeze %dma_start3A_13 : memref<1x128xi32, #tpu.memory_space<vmem>> -> memref<128xi32, #tpu.memory_space<vmem>>
        %dma_start3A_15 = arith.constant 0 : i32
        %dma_start3A_16 = arith.constant 0 : i32
        %dma_start3A_17 = tpu.memref_slice %arg11[%dma_start3A_15, %dma_start3A_16] : memref<10112x16xf32, #tpu.memory_space<vmem_shared>> -> memref<10112x16xf32, #tpu.memory_space<vmem_shared>>
        tpu.enqueue_indirect_dma source(%arg9 : memref<128x16xf32, #tpu.memory_space<vmem>>) target(%dma_start3A_17 : memref<10112x16xf32, #tpu.memory_space<vmem_shared>>) offsets(%dma_start3A_14 : memref<128xi32, #tpu.memory_space<vmem>>) semaphore(%run_scoped3A_12 : memref<!tpu.dma_semaphore, #tpu.memory_space<semaphore_mem>>) {add = true}
        %dma_wait3A = arith.constant 0 : i32
        %dma_wait3A_18 = tpu.memref_slice %arg7[%scan3A_11, %dma_wait3A] : memref<80x128xi32, #tpu.memory_space<vmem>> -> memref<1x128xi32, #tpu.memory_space<vmem>>
        %dma_wait3A_19 = tpu.memref_squeeze %dma_wait3A_18 : memref<1x128xi32, #tpu.memory_space<vmem>> -> memref<128xi32, #tpu.memory_space<vmem>>
        %dma_wait3A_20 = arith.constant 0 : i32
        %dma_wait3A_21 = arith.constant 0 : i32
        %dma_wait3A_22 = tpu.memref_slice %arg11[%dma_wait3A_20, %dma_wait3A_21] : memref<10112x16xf32, #tpu.memory_space<vmem_shared>> -> memref<10112x16xf32, #tpu.memory_space<vmem_shared>>
        tpu.wait_indirect_dma semaphore(%run_scoped3A_12 : memref<!tpu.dma_semaphore, #tpu.memory_space<semaphore_mem>>) src(%arg9 : memref<128x16xf32, #tpu.memory_space<vmem>>) dst(%dma_wait3A_22 : memref<10112x16xf32, #tpu.memory_space<vmem_shared>>)
        tpu.yield
      }) : () -> ()
    }
    %scan3A_9 = arith.constant 80 : i32
    %barrier3A_10 = arith.constant 0 : index
    tpu.barrier barrier_id(%barrier3A_10)
    "tpu.region"() ({
      %run_scoped3A_11 = tpu.sem_alloc : memref<!tpu.dma_semaphore, #tpu.memory_space<semaphore_mem>>
      %dma_start3A = arith.constant 0 : i32
      %dma_start3A_12 = tpu.memref_slice %arg6[%arg0, %mul3A_0, %dma_start3A] : memref<2x10112x16xf32, #tpu.memory_space<hbm>> -> memref<1x632x16xf32, #tpu.memory_space<hbm>>
      %dma_start3A_13 = tpu.memref_squeeze %dma_start3A_12 : memref<1x632x16xf32, #tpu.memory_space<hbm>> -> memref<632x16xf32, #tpu.memory_space<hbm>>
      %dma_start3A_14 = arith.constant 0 : i32
      %dma_start3A_15 = tpu.memref_slice %arg11[%mul3A_0, %dma_start3A_14] : memref<10112x16xf32, #tpu.memory_space<vmem_shared>> -> memref<632x16xf32, #tpu.memory_space<vmem_shared>>
      tpu.enqueue_dma source(%dma_start3A_15 : memref<632x16xf32, #tpu.memory_space<vmem_shared>>) target(%dma_start3A_13 : memref<632x16xf32, #tpu.memory_space<hbm>>) target_semaphore(%run_scoped3A_11 : memref<!tpu.dma_semaphore, #tpu.memory_space<semaphore_mem>>)
      %dma_wait3A = arith.constant 0 : i32
      %dma_wait3A_16 = tpu.memref_slice %arg6[%arg0, %mul3A_0, %dma_wait3A] : memref<2x10112x16xf32, #tpu.memory_space<hbm>> -> memref<1x632x16xf32, #tpu.memory_space<hbm>>
      %dma_wait3A_17 = tpu.memref_squeeze %dma_wait3A_16 : memref<1x632x16xf32, #tpu.memory_space<hbm>> -> memref<632x16xf32, #tpu.memory_space<hbm>>
      %dma_wait3A_18 = arith.constant 0 : i32
      %dma_wait3A_19 = tpu.memref_slice %arg11[%mul3A_0, %dma_wait3A_18] : memref<10112x16xf32, #tpu.memory_space<vmem_shared>> -> memref<632x16xf32, #tpu.memory_space<vmem_shared>>
      tpu.wait_dma2 semaphore(%run_scoped3A_11 : memref<!tpu.dma_semaphore, #tpu.memory_space<semaphore_mem>>) src(%dma_wait3A_19 : memref<632x16xf32, #tpu.memory_space<vmem_shared>>) dst(%dma_wait3A_17 : memref<632x16xf32, #tpu.memory_space<hbm>>)
      tpu.yield
    }) : () -> ()
    return
  }
}

#map = affine_map<(d0, d1) -> (0, 0)>
#map1 = affine_map<(d0, d1) -> (0, 0, 0, 0)>
#map2 = affine_map<(d0, d1) -> (0, 0, 0)>
module attributes {stable_mosaic.version = 14 : i64} {
  func.func @_sc_propagate(%arg0: i32, %arg1: i32, %arg2: memref<10112x16xf32, #tpu.memory_space<hbm>>, %arg3: memref<2x16x80x128xi32, #tpu.memory_space<hbm>>, %arg4: memref<2x16x80x128xi32, #tpu.memory_space<hbm>>, %arg5: memref<16x5x128xi32, #tpu.memory_space<hbm>>, %arg6: memref<128x16xf32, #tpu.memory_space<hbm>>, %arg7: memref<2x10112x16xf32, #tpu.memory_space<hbm>>, %arg8: memref<80x128xi32, #tpu.memory_space<vmem>>, %arg9: memref<80x128xi32, #tpu.memory_space<vmem>>, %arg10: memref<5x128xi32, #tpu.memory_space<vmem>>, %arg11: memref<128x16xf32, #tpu.memory_space<vmem>>, %arg12: memref<10112x16xf32, #tpu.memory_space<vmem_shared>>, %arg13: memref<10112x16xf32, #tpu.memory_space<vmem_shared>>, %arg14: memref<!tpu.dma_semaphore, #tpu.memory_space<semaphore_mem>>) attributes {dimension_semantics = [#tpu.dimension_semantics<core_parallel>, #tpu.dimension_semantics<subcore_parallel>], iteration_bounds = array<i64: 2, 16>, scalar_prefetch = 0 : i64, scratch_operands = 7 : i64, tpu.core_type = #tpu.core_type<sc_vector_subcore>, window_params = [{transform_indices = #map}, {transform_indices = #map1}, {transform_indices = #map1}, {transform_indices = #map2}, {transform_indices = #map}, {transform_indices = #map2}]} {
    %mul3A = arith.constant 632 : i32
    %mul3A_0 = arith.muli %arg1, %mul3A : i32
    "tpu.region"() ({
      %run_scoped3A_25 = tpu.sem_alloc : memref<!tpu.dma_semaphore, #tpu.memory_space<semaphore_mem>>
      %dma_start3A = arith.constant 0 : i32
      %dma_start3A_26 = arith.constant 0 : i32
      %dma_start3A_27 = tpu.memref_slice %arg5[%arg1, %dma_start3A, %dma_start3A_26] : memref<16x5x128xi32, #tpu.memory_space<hbm>> -> memref<1x5x128xi32, #tpu.memory_space<hbm>>
      %dma_start3A_28 = tpu.memref_squeeze %dma_start3A_27 : memref<1x5x128xi32, #tpu.memory_space<hbm>> -> memref<5x128xi32, #tpu.memory_space<hbm>>
      %dma_start3A_29 = arith.constant 0 : i32
      %dma_start3A_30 = arith.constant 0 : i32
      %dma_start3A_31 = tpu.memref_slice %arg5[%arg1, %dma_start3A_29, %dma_start3A_30] : memref<16x5x128xi32, #tpu.memory_space<hbm>> -> memref<1x5x128xi32, #tpu.memory_space<hbm>>
      %dma_start3A_32 = tpu.memref_squeeze %dma_start3A_31 : memref<1x5x128xi32, #tpu.memory_space<hbm>> -> memref<5x128xi32, #tpu.memory_space<hbm>>
      tpu.enqueue_dma source(%dma_start3A_32 : memref<5x128xi32, #tpu.memory_space<hbm>>) target(%arg10 : memref<5x128xi32, #tpu.memory_space<vmem>>) target_semaphore(%run_scoped3A_25 : memref<!tpu.dma_semaphore, #tpu.memory_space<semaphore_mem>>)
      %dma_wait3A = arith.constant 0 : i32
      %dma_wait3A_33 = arith.constant 0 : i32
      %dma_wait3A_34 = tpu.memref_slice %arg5[%arg1, %dma_wait3A, %dma_wait3A_33] : memref<16x5x128xi32, #tpu.memory_space<hbm>> -> memref<1x5x128xi32, #tpu.memory_space<hbm>>
      %dma_wait3A_35 = tpu.memref_squeeze %dma_wait3A_34 : memref<1x5x128xi32, #tpu.memory_space<hbm>> -> memref<5x128xi32, #tpu.memory_space<hbm>>
      %dma_wait3A_36 = arith.constant 0 : i32
      %dma_wait3A_37 = arith.constant 0 : i32
      %dma_wait3A_38 = tpu.memref_slice %arg5[%arg1, %dma_wait3A_36, %dma_wait3A_37] : memref<16x5x128xi32, #tpu.memory_space<hbm>> -> memref<1x5x128xi32, #tpu.memory_space<hbm>>
      %dma_wait3A_39 = tpu.memref_squeeze %dma_wait3A_38 : memref<1x5x128xi32, #tpu.memory_space<hbm>> -> memref<5x128xi32, #tpu.memory_space<hbm>>
      tpu.wait_dma2 semaphore(%run_scoped3A_25 : memref<!tpu.dma_semaphore, #tpu.memory_space<semaphore_mem>>) src(%dma_wait3A_39 : memref<5x128xi32, #tpu.memory_space<hbm>>) dst(%arg10 : memref<5x128xi32, #tpu.memory_space<vmem>>)
      tpu.yield
    }) : () -> ()
    %add3A = arith.constant 0 : i32
    %add3A_1 = arith.addi %mul3A_0, %add3A : i32
    "tpu.region"() ({
      %run_scoped3A_25 = tpu.sem_alloc : memref<!tpu.dma_semaphore, #tpu.memory_space<semaphore_mem>>
      %dma_start3A = arith.constant 0 : i32
      %dma_start3A_26 = tpu.memref_slice %arg2[%add3A_1, %dma_start3A] : memref<10112x16xf32, #tpu.memory_space<hbm>> -> memref<128x16xf32, #tpu.memory_space<hbm>>
      %dma_start3A_27 = arith.constant 0 : i32
      %dma_start3A_28 = tpu.memref_slice %arg2[%add3A_1, %dma_start3A_27] : memref<10112x16xf32, #tpu.memory_space<hbm>> -> memref<128x16xf32, #tpu.memory_space<hbm>>
      tpu.enqueue_dma source(%dma_start3A_28 : memref<128x16xf32, #tpu.memory_space<hbm>>) target(%arg11 : memref<128x16xf32, #tpu.memory_space<vmem>>) target_semaphore(%run_scoped3A_25 : memref<!tpu.dma_semaphore, #tpu.memory_space<semaphore_mem>>)
      %dma_wait3A = arith.constant 0 : i32
      %dma_wait3A_29 = tpu.memref_slice %arg2[%add3A_1, %dma_wait3A] : memref<10112x16xf32, #tpu.memory_space<hbm>> -> memref<128x16xf32, #tpu.memory_space<hbm>>
      %dma_wait3A_30 = arith.constant 0 : i32
      %dma_wait3A_31 = tpu.memref_slice %arg2[%add3A_1, %dma_wait3A_30] : memref<10112x16xf32, #tpu.memory_space<hbm>> -> memref<128x16xf32, #tpu.memory_space<hbm>>
      tpu.wait_dma2 semaphore(%run_scoped3A_25 : memref<!tpu.dma_semaphore, #tpu.memory_space<semaphore_mem>>) src(%dma_wait3A_31 : memref<128x16xf32, #tpu.memory_space<hbm>>) dst(%arg11 : memref<128x16xf32, #tpu.memory_space<vmem>>)
      tpu.yield
    }) : () -> ()
    %run_scoped3A = arith.constant 0 : i32
    "tpu.region"() ({
      %run_scoped3A_25 = tpu.sem_alloc : memref<!tpu.dma_semaphore, #tpu.memory_space<semaphore_mem>>
      %dma_start3A = arith.constant 0 : i32
      %dma_start3A_26 = tpu.memref_slice %arg10[%run_scoped3A, %dma_start3A] : memref<5x128xi32, #tpu.memory_space<vmem>> -> memref<1x128xi32, #tpu.memory_space<vmem>>
      %dma_start3A_27 = tpu.memref_squeeze %dma_start3A_26 : memref<1x128xi32, #tpu.memory_space<vmem>> -> memref<128xi32, #tpu.memory_space<vmem>>
      %dma_start3A_28 = arith.constant 0 : i32
      %dma_start3A_29 = arith.constant 0 : i32
      %dma_start3A_30 = tpu.memref_slice %arg13[%dma_start3A_28, %dma_start3A_29] : memref<10112x16xf32, #tpu.memory_space<vmem_shared>> -> memref<10112x16xf32, #tpu.memory_space<vmem_shared>>
      tpu.enqueue_indirect_dma source(%arg11 : memref<128x16xf32, #tpu.memory_space<vmem>>) target(%dma_start3A_30 : memref<10112x16xf32, #tpu.memory_space<vmem_shared>>) offsets(%dma_start3A_27 : memref<128xi32, #tpu.memory_space<vmem>>) semaphore(%run_scoped3A_25 : memref<!tpu.dma_semaphore, #tpu.memory_space<semaphore_mem>>)
      %dma_wait3A = arith.constant 0 : i32
      %dma_wait3A_31 = tpu.memref_slice %arg10[%run_scoped3A, %dma_wait3A] : memref<5x128xi32, #tpu.memory_space<vmem>> -> memref<1x128xi32, #tpu.memory_space<vmem>>
      %dma_wait3A_32 = tpu.memref_squeeze %dma_wait3A_31 : memref<1x128xi32, #tpu.memory_space<vmem>> -> memref<128xi32, #tpu.memory_space<vmem>>
      %dma_wait3A_33 = arith.constant 0 : i32
      %dma_wait3A_34 = arith.constant 0 : i32
      %dma_wait3A_35 = tpu.memref_slice %arg13[%dma_wait3A_33, %dma_wait3A_34] : memref<10112x16xf32, #tpu.memory_space<vmem_shared>> -> memref<10112x16xf32, #tpu.memory_space<vmem_shared>>
      tpu.wait_indirect_dma semaphore(%run_scoped3A_25 : memref<!tpu.dma_semaphore, #tpu.memory_space<semaphore_mem>>) src(%arg11 : memref<128x16xf32, #tpu.memory_space<vmem>>) dst(%dma_wait3A_35 : memref<10112x16xf32, #tpu.memory_space<vmem_shared>>)
      tpu.yield
    }) : () -> ()
    %add3A_2 = arith.constant 128 : i32
    %add3A_3 = arith.addi %mul3A_0, %add3A_2 : i32
    "tpu.region"() ({
      %run_scoped3A_25 = tpu.sem_alloc : memref<!tpu.dma_semaphore, #tpu.memory_space<semaphore_mem>>
      %dma_start3A = arith.constant 0 : i32
      %dma_start3A_26 = tpu.memref_slice %arg2[%add3A_3, %dma_start3A] : memref<10112x16xf32, #tpu.memory_space<hbm>> -> memref<128x16xf32, #tpu.memory_space<hbm>>
      %dma_start3A_27 = arith.constant 0 : i32
      %dma_start3A_28 = tpu.memref_slice %arg2[%add3A_3, %dma_start3A_27] : memref<10112x16xf32, #tpu.memory_space<hbm>> -> memref<128x16xf32, #tpu.memory_space<hbm>>
      tpu.enqueue_dma source(%dma_start3A_28 : memref<128x16xf32, #tpu.memory_space<hbm>>) target(%arg11 : memref<128x16xf32, #tpu.memory_space<vmem>>) target_semaphore(%run_scoped3A_25 : memref<!tpu.dma_semaphore, #tpu.memory_space<semaphore_mem>>)
      %dma_wait3A = arith.constant 0 : i32
      %dma_wait3A_29 = tpu.memref_slice %arg2[%add3A_3, %dma_wait3A] : memref<10112x16xf32, #tpu.memory_space<hbm>> -> memref<128x16xf32, #tpu.memory_space<hbm>>
      %dma_wait3A_30 = arith.constant 0 : i32
      %dma_wait3A_31 = tpu.memref_slice %arg2[%add3A_3, %dma_wait3A_30] : memref<10112x16xf32, #tpu.memory_space<hbm>> -> memref<128x16xf32, #tpu.memory_space<hbm>>
      tpu.wait_dma2 semaphore(%run_scoped3A_25 : memref<!tpu.dma_semaphore, #tpu.memory_space<semaphore_mem>>) src(%dma_wait3A_31 : memref<128x16xf32, #tpu.memory_space<hbm>>) dst(%arg11 : memref<128x16xf32, #tpu.memory_space<vmem>>)
      tpu.yield
    }) : () -> ()
    %run_scoped3A_4 = arith.constant 1 : i32
    "tpu.region"() ({
      %run_scoped3A_25 = tpu.sem_alloc : memref<!tpu.dma_semaphore, #tpu.memory_space<semaphore_mem>>
      %dma_start3A = arith.constant 0 : i32
      %dma_start3A_26 = tpu.memref_slice %arg10[%run_scoped3A_4, %dma_start3A] : memref<5x128xi32, #tpu.memory_space<vmem>> -> memref<1x128xi32, #tpu.memory_space<vmem>>
      %dma_start3A_27 = tpu.memref_squeeze %dma_start3A_26 : memref<1x128xi32, #tpu.memory_space<vmem>> -> memref<128xi32, #tpu.memory_space<vmem>>
      %dma_start3A_28 = arith.constant 0 : i32
      %dma_start3A_29 = arith.constant 0 : i32
      %dma_start3A_30 = tpu.memref_slice %arg13[%dma_start3A_28, %dma_start3A_29] : memref<10112x16xf32, #tpu.memory_space<vmem_shared>> -> memref<10112x16xf32, #tpu.memory_space<vmem_shared>>
      tpu.enqueue_indirect_dma source(%arg11 : memref<128x16xf32, #tpu.memory_space<vmem>>) target(%dma_start3A_30 : memref<10112x16xf32, #tpu.memory_space<vmem_shared>>) offsets(%dma_start3A_27 : memref<128xi32, #tpu.memory_space<vmem>>) semaphore(%run_scoped3A_25 : memref<!tpu.dma_semaphore, #tpu.memory_space<semaphore_mem>>)
      %dma_wait3A = arith.constant 0 : i32
      %dma_wait3A_31 = tpu.memref_slice %arg10[%run_scoped3A_4, %dma_wait3A] : memref<5x128xi32, #tpu.memory_space<vmem>> -> memref<1x128xi32, #tpu.memory_space<vmem>>
      %dma_wait3A_32 = tpu.memref_squeeze %dma_wait3A_31 : memref<1x128xi32, #tpu.memory_space<vmem>> -> memref<128xi32, #tpu.memory_space<vmem>>
      %dma_wait3A_33 = arith.constant 0 : i32
      %dma_wait3A_34 = arith.constant 0 : i32
      %dma_wait3A_35 = tpu.memref_slice %arg13[%dma_wait3A_33, %dma_wait3A_34] : memref<10112x16xf32, #tpu.memory_space<vmem_shared>> -> memref<10112x16xf32, #tpu.memory_space<vmem_shared>>
      tpu.wait_indirect_dma semaphore(%run_scoped3A_25 : memref<!tpu.dma_semaphore, #tpu.memory_space<semaphore_mem>>) src(%arg11 : memref<128x16xf32, #tpu.memory_space<vmem>>) dst(%dma_wait3A_35 : memref<10112x16xf32, #tpu.memory_space<vmem_shared>>)
      tpu.yield
    }) : () -> ()
    %add3A_5 = arith.constant 256 : i32
    %add3A_6 = arith.addi %mul3A_0, %add3A_5 : i32
    "tpu.region"() ({
      %run_scoped3A_25 = tpu.sem_alloc : memref<!tpu.dma_semaphore, #tpu.memory_space<semaphore_mem>>
      %dma_start3A = arith.constant 0 : i32
      %dma_start3A_26 = tpu.memref_slice %arg2[%add3A_6, %dma_start3A] : memref<10112x16xf32, #tpu.memory_space<hbm>> -> memref<128x16xf32, #tpu.memory_space<hbm>>
      %dma_start3A_27 = arith.constant 0 : i32
      %dma_start3A_28 = tpu.memref_slice %arg2[%add3A_6, %dma_start3A_27] : memref<10112x16xf32, #tpu.memory_space<hbm>> -> memref<128x16xf32, #tpu.memory_space<hbm>>
      tpu.enqueue_dma source(%dma_start3A_28 : memref<128x16xf32, #tpu.memory_space<hbm>>) target(%arg11 : memref<128x16xf32, #tpu.memory_space<vmem>>) target_semaphore(%run_scoped3A_25 : memref<!tpu.dma_semaphore, #tpu.memory_space<semaphore_mem>>)
      %dma_wait3A = arith.constant 0 : i32
      %dma_wait3A_29 = tpu.memref_slice %arg2[%add3A_6, %dma_wait3A] : memref<10112x16xf32, #tpu.memory_space<hbm>> -> memref<128x16xf32, #tpu.memory_space<hbm>>
      %dma_wait3A_30 = arith.constant 0 : i32
      %dma_wait3A_31 = tpu.memref_slice %arg2[%add3A_6, %dma_wait3A_30] : memref<10112x16xf32, #tpu.memory_space<hbm>> -> memref<128x16xf32, #tpu.memory_space<hbm>>
      tpu.wait_dma2 semaphore(%run_scoped3A_25 : memref<!tpu.dma_semaphore, #tpu.memory_space<semaphore_mem>>) src(%dma_wait3A_31 : memref<128x16xf32, #tpu.memory_space<hbm>>) dst(%arg11 : memref<128x16xf32, #tpu.memory_space<vmem>>)
      tpu.yield
    }) : () -> ()
    %run_scoped3A_7 = arith.constant 2 : i32
    "tpu.region"() ({
      %run_scoped3A_25 = tpu.sem_alloc : memref<!tpu.dma_semaphore, #tpu.memory_space<semaphore_mem>>
      %dma_start3A = arith.constant 0 : i32
      %dma_start3A_26 = tpu.memref_slice %arg10[%run_scoped3A_7, %dma_start3A] : memref<5x128xi32, #tpu.memory_space<vmem>> -> memref<1x128xi32, #tpu.memory_space<vmem>>
      %dma_start3A_27 = tpu.memref_squeeze %dma_start3A_26 : memref<1x128xi32, #tpu.memory_space<vmem>> -> memref<128xi32, #tpu.memory_space<vmem>>
      %dma_start3A_28 = arith.constant 0 : i32
      %dma_start3A_29 = arith.constant 0 : i32
      %dma_start3A_30 = tpu.memref_slice %arg13[%dma_start3A_28, %dma_start3A_29] : memref<10112x16xf32, #tpu.memory_space<vmem_shared>> -> memref<10112x16xf32, #tpu.memory_space<vmem_shared>>
      tpu.enqueue_indirect_dma source(%arg11 : memref<128x16xf32, #tpu.memory_space<vmem>>) target(%dma_start3A_30 : memref<10112x16xf32, #tpu.memory_space<vmem_shared>>) offsets(%dma_start3A_27 : memref<128xi32, #tpu.memory_space<vmem>>) semaphore(%run_scoped3A_25 : memref<!tpu.dma_semaphore, #tpu.memory_space<semaphore_mem>>)
      %dma_wait3A = arith.constant 0 : i32
      %dma_wait3A_31 = tpu.memref_slice %arg10[%run_scoped3A_7, %dma_wait3A] : memref<5x128xi32, #tpu.memory_space<vmem>> -> memref<1x128xi32, #tpu.memory_space<vmem>>
      %dma_wait3A_32 = tpu.memref_squeeze %dma_wait3A_31 : memref<1x128xi32, #tpu.memory_space<vmem>> -> memref<128xi32, #tpu.memory_space<vmem>>
      %dma_wait3A_33 = arith.constant 0 : i32
      %dma_wait3A_34 = arith.constant 0 : i32
      %dma_wait3A_35 = tpu.memref_slice %arg13[%dma_wait3A_33, %dma_wait3A_34] : memref<10112x16xf32, #tpu.memory_space<vmem_shared>> -> memref<10112x16xf32, #tpu.memory_space<vmem_shared>>
      tpu.wait_indirect_dma semaphore(%run_scoped3A_25 : memref<!tpu.dma_semaphore, #tpu.memory_space<semaphore_mem>>) src(%arg11 : memref<128x16xf32, #tpu.memory_space<vmem>>) dst(%dma_wait3A_35 : memref<10112x16xf32, #tpu.memory_space<vmem_shared>>)
      tpu.yield
    }) : () -> ()
    %add3A_8 = arith.constant 384 : i32
    %add3A_9 = arith.addi %mul3A_0, %add3A_8 : i32
    "tpu.region"() ({
      %run_scoped3A_25 = tpu.sem_alloc : memref<!tpu.dma_semaphore, #tpu.memory_space<semaphore_mem>>
      %dma_start3A = arith.constant 0 : i32
      %dma_start3A_26 = tpu.memref_slice %arg2[%add3A_9, %dma_start3A] : memref<10112x16xf32, #tpu.memory_space<hbm>> -> memref<128x16xf32, #tpu.memory_space<hbm>>
      %dma_start3A_27 = arith.constant 0 : i32
      %dma_start3A_28 = tpu.memref_slice %arg2[%add3A_9, %dma_start3A_27] : memref<10112x16xf32, #tpu.memory_space<hbm>> -> memref<128x16xf32, #tpu.memory_space<hbm>>
      tpu.enqueue_dma source(%dma_start3A_28 : memref<128x16xf32, #tpu.memory_space<hbm>>) target(%arg11 : memref<128x16xf32, #tpu.memory_space<vmem>>) target_semaphore(%run_scoped3A_25 : memref<!tpu.dma_semaphore, #tpu.memory_space<semaphore_mem>>)
      %dma_wait3A = arith.constant 0 : i32
      %dma_wait3A_29 = tpu.memref_slice %arg2[%add3A_9, %dma_wait3A] : memref<10112x16xf32, #tpu.memory_space<hbm>> -> memref<128x16xf32, #tpu.memory_space<hbm>>
      %dma_wait3A_30 = arith.constant 0 : i32
      %dma_wait3A_31 = tpu.memref_slice %arg2[%add3A_9, %dma_wait3A_30] : memref<10112x16xf32, #tpu.memory_space<hbm>> -> memref<128x16xf32, #tpu.memory_space<hbm>>
      tpu.wait_dma2 semaphore(%run_scoped3A_25 : memref<!tpu.dma_semaphore, #tpu.memory_space<semaphore_mem>>) src(%dma_wait3A_31 : memref<128x16xf32, #tpu.memory_space<hbm>>) dst(%arg11 : memref<128x16xf32, #tpu.memory_space<vmem>>)
      tpu.yield
    }) : () -> ()
    %run_scoped3A_10 = arith.constant 3 : i32
    "tpu.region"() ({
      %run_scoped3A_25 = tpu.sem_alloc : memref<!tpu.dma_semaphore, #tpu.memory_space<semaphore_mem>>
      %dma_start3A = arith.constant 0 : i32
      %dma_start3A_26 = tpu.memref_slice %arg10[%run_scoped3A_10, %dma_start3A] : memref<5x128xi32, #tpu.memory_space<vmem>> -> memref<1x128xi32, #tpu.memory_space<vmem>>
      %dma_start3A_27 = tpu.memref_squeeze %dma_start3A_26 : memref<1x128xi32, #tpu.memory_space<vmem>> -> memref<128xi32, #tpu.memory_space<vmem>>
      %dma_start3A_28 = arith.constant 0 : i32
      %dma_start3A_29 = arith.constant 0 : i32
      %dma_start3A_30 = tpu.memref_slice %arg13[%dma_start3A_28, %dma_start3A_29] : memref<10112x16xf32, #tpu.memory_space<vmem_shared>> -> memref<10112x16xf32, #tpu.memory_space<vmem_shared>>
      tpu.enqueue_indirect_dma source(%arg11 : memref<128x16xf32, #tpu.memory_space<vmem>>) target(%dma_start3A_30 : memref<10112x16xf32, #tpu.memory_space<vmem_shared>>) offsets(%dma_start3A_27 : memref<128xi32, #tpu.memory_space<vmem>>) semaphore(%run_scoped3A_25 : memref<!tpu.dma_semaphore, #tpu.memory_space<semaphore_mem>>)
      %dma_wait3A = arith.constant 0 : i32
      %dma_wait3A_31 = tpu.memref_slice %arg10[%run_scoped3A_10, %dma_wait3A] : memref<5x128xi32, #tpu.memory_space<vmem>> -> memref<1x128xi32, #tpu.memory_space<vmem>>
      %dma_wait3A_32 = tpu.memref_squeeze %dma_wait3A_31 : memref<1x128xi32, #tpu.memory_space<vmem>> -> memref<128xi32, #tpu.memory_space<vmem>>
      %dma_wait3A_33 = arith.constant 0 : i32
      %dma_wait3A_34 = arith.constant 0 : i32
      %dma_wait3A_35 = tpu.memref_slice %arg13[%dma_wait3A_33, %dma_wait3A_34] : memref<10112x16xf32, #tpu.memory_space<vmem_shared>> -> memref<10112x16xf32, #tpu.memory_space<vmem_shared>>
      tpu.wait_indirect_dma semaphore(%run_scoped3A_25 : memref<!tpu.dma_semaphore, #tpu.memory_space<semaphore_mem>>) src(%arg11 : memref<128x16xf32, #tpu.memory_space<vmem>>) dst(%dma_wait3A_35 : memref<10112x16xf32, #tpu.memory_space<vmem_shared>>)
      tpu.yield
    }) : () -> ()
    %add3A_11 = arith.constant 504 : i32
    %add3A_12 = arith.addi %mul3A_0, %add3A_11 : i32
    "tpu.region"() ({
      %run_scoped3A_25 = tpu.sem_alloc : memref<!tpu.dma_semaphore, #tpu.memory_space<semaphore_mem>>
      %dma_start3A = arith.constant 0 : i32
      %dma_start3A_26 = tpu.memref_slice %arg2[%add3A_12, %dma_start3A] : memref<10112x16xf32, #tpu.memory_space<hbm>> -> memref<128x16xf32, #tpu.memory_space<hbm>>
      %dma_start3A_27 = arith.constant 0 : i32
      %dma_start3A_28 = tpu.memref_slice %arg2[%add3A_12, %dma_start3A_27] : memref<10112x16xf32, #tpu.memory_space<hbm>> -> memref<128x16xf32, #tpu.memory_space<hbm>>
      tpu.enqueue_dma source(%dma_start3A_28 : memref<128x16xf32, #tpu.memory_space<hbm>>) target(%arg11 : memref<128x16xf32, #tpu.memory_space<vmem>>) target_semaphore(%run_scoped3A_25 : memref<!tpu.dma_semaphore, #tpu.memory_space<semaphore_mem>>)
      %dma_wait3A = arith.constant 0 : i32
      %dma_wait3A_29 = tpu.memref_slice %arg2[%add3A_12, %dma_wait3A] : memref<10112x16xf32, #tpu.memory_space<hbm>> -> memref<128x16xf32, #tpu.memory_space<hbm>>
      %dma_wait3A_30 = arith.constant 0 : i32
      %dma_wait3A_31 = tpu.memref_slice %arg2[%add3A_12, %dma_wait3A_30] : memref<10112x16xf32, #tpu.memory_space<hbm>> -> memref<128x16xf32, #tpu.memory_space<hbm>>
      tpu.wait_dma2 semaphore(%run_scoped3A_25 : memref<!tpu.dma_semaphore, #tpu.memory_space<semaphore_mem>>) src(%dma_wait3A_31 : memref<128x16xf32, #tpu.memory_space<hbm>>) dst(%arg11 : memref<128x16xf32, #tpu.memory_space<vmem>>)
      tpu.yield
    }) : () -> ()
    %run_scoped3A_13 = arith.constant 4 : i32
    "tpu.region"() ({
      %run_scoped3A_25 = tpu.sem_alloc : memref<!tpu.dma_semaphore, #tpu.memory_space<semaphore_mem>>
      %dma_start3A = arith.constant 0 : i32
      %dma_start3A_26 = tpu.memref_slice %arg10[%run_scoped3A_13, %dma_start3A] : memref<5x128xi32, #tpu.memory_space<vmem>> -> memref<1x128xi32, #tpu.memory_space<vmem>>
      %dma_start3A_27 = tpu.memref_squeeze %dma_start3A_26 : memref<1x128xi32, #tpu.memory_space<vmem>> -> memref<128xi32, #tpu.memory_space<vmem>>
      %dma_start3A_28 = arith.constant 0 : i32
      %dma_start3A_29 = arith.constant 0 : i32
      %dma_start3A_30 = tpu.memref_slice %arg13[%dma_start3A_28, %dma_start3A_29] : memref<10112x16xf32, #tpu.memory_space<vmem_shared>> -> memref<10112x16xf32, #tpu.memory_space<vmem_shared>>
      tpu.enqueue_indirect_dma source(%arg11 : memref<128x16xf32, #tpu.memory_space<vmem>>) target(%dma_start3A_30 : memref<10112x16xf32, #tpu.memory_space<vmem_shared>>) offsets(%dma_start3A_27 : memref<128xi32, #tpu.memory_space<vmem>>) semaphore(%run_scoped3A_25 : memref<!tpu.dma_semaphore, #tpu.memory_space<semaphore_mem>>)
      %dma_wait3A = arith.constant 0 : i32
      %dma_wait3A_31 = tpu.memref_slice %arg10[%run_scoped3A_13, %dma_wait3A] : memref<5x128xi32, #tpu.memory_space<vmem>> -> memref<1x128xi32, #tpu.memory_space<vmem>>
      %dma_wait3A_32 = tpu.memref_squeeze %dma_wait3A_31 : memref<1x128xi32, #tpu.memory_space<vmem>> -> memref<128xi32, #tpu.memory_space<vmem>>
      %dma_wait3A_33 = arith.constant 0 : i32
      %dma_wait3A_34 = arith.constant 0 : i32
      %dma_wait3A_35 = tpu.memref_slice %arg13[%dma_wait3A_33, %dma_wait3A_34] : memref<10112x16xf32, #tpu.memory_space<vmem_shared>> -> memref<10112x16xf32, #tpu.memory_space<vmem_shared>>
      tpu.wait_indirect_dma semaphore(%run_scoped3A_25 : memref<!tpu.dma_semaphore, #tpu.memory_space<semaphore_mem>>) src(%arg11 : memref<128x16xf32, #tpu.memory_space<vmem>>) dst(%dma_wait3A_35 : memref<10112x16xf32, #tpu.memory_space<vmem_shared>>)
      tpu.yield
    }) : () -> ()
    "tpu.region"() ({
      %run_scoped3A_25 = tpu.sem_alloc : memref<!tpu.dma_semaphore, #tpu.memory_space<semaphore_mem>>
      tpu.enqueue_dma source(%arg6 : memref<128x16xf32, #tpu.memory_space<hbm>>) target(%arg11 : memref<128x16xf32, #tpu.memory_space<vmem>>) target_semaphore(%run_scoped3A_25 : memref<!tpu.dma_semaphore, #tpu.memory_space<semaphore_mem>>)
      tpu.wait_dma2 semaphore(%run_scoped3A_25 : memref<!tpu.dma_semaphore, #tpu.memory_space<semaphore_mem>>) src(%arg6 : memref<128x16xf32, #tpu.memory_space<hbm>>) dst(%arg11 : memref<128x16xf32, #tpu.memory_space<vmem>>)
      tpu.yield
    }) : () -> ()
    %run_scoped3A_14 = arith.constant 0 : i32
    "tpu.region"() ({
      %run_scoped3A_25 = tpu.sem_alloc : memref<!tpu.dma_semaphore, #tpu.memory_space<semaphore_mem>>
      %dma_start3A = arith.constant 0 : i32
      %dma_start3A_26 = tpu.memref_slice %arg10[%run_scoped3A_14, %dma_start3A] : memref<5x128xi32, #tpu.memory_space<vmem>> -> memref<1x128xi32, #tpu.memory_space<vmem>>
      %dma_start3A_27 = tpu.memref_squeeze %dma_start3A_26 : memref<1x128xi32, #tpu.memory_space<vmem>> -> memref<128xi32, #tpu.memory_space<vmem>>
      %dma_start3A_28 = arith.constant 0 : i32
      %dma_start3A_29 = arith.constant 0 : i32
      %dma_start3A_30 = tpu.memref_slice %arg12[%dma_start3A_28, %dma_start3A_29] : memref<10112x16xf32, #tpu.memory_space<vmem_shared>> -> memref<10112x16xf32, #tpu.memory_space<vmem_shared>>
      tpu.enqueue_indirect_dma source(%arg11 : memref<128x16xf32, #tpu.memory_space<vmem>>) target(%dma_start3A_30 : memref<10112x16xf32, #tpu.memory_space<vmem_shared>>) offsets(%dma_start3A_27 : memref<128xi32, #tpu.memory_space<vmem>>) semaphore(%run_scoped3A_25 : memref<!tpu.dma_semaphore, #tpu.memory_space<semaphore_mem>>)
      %dma_wait3A = arith.constant 0 : i32
      %dma_wait3A_31 = tpu.memref_slice %arg10[%run_scoped3A_14, %dma_wait3A] : memref<5x128xi32, #tpu.memory_space<vmem>> -> memref<1x128xi32, #tpu.memory_space<vmem>>
      %dma_wait3A_32 = tpu.memref_squeeze %dma_wait3A_31 : memref<1x128xi32, #tpu.memory_space<vmem>> -> memref<128xi32, #tpu.memory_space<vmem>>
      %dma_wait3A_33 = arith.constant 0 : i32
      %dma_wait3A_34 = arith.constant 0 : i32
      %dma_wait3A_35 = tpu.memref_slice %arg12[%dma_wait3A_33, %dma_wait3A_34] : memref<10112x16xf32, #tpu.memory_space<vmem_shared>> -> memref<10112x16xf32, #tpu.memory_space<vmem_shared>>
      tpu.wait_indirect_dma semaphore(%run_scoped3A_25 : memref<!tpu.dma_semaphore, #tpu.memory_space<semaphore_mem>>) src(%arg11 : memref<128x16xf32, #tpu.memory_space<vmem>>) dst(%dma_wait3A_35 : memref<10112x16xf32, #tpu.memory_space<vmem_shared>>)
      tpu.yield
    }) : () -> ()
    %run_scoped3A_15 = arith.constant 1 : i32
    "tpu.region"() ({
      %run_scoped3A_25 = tpu.sem_alloc : memref<!tpu.dma_semaphore, #tpu.memory_space<semaphore_mem>>
      %dma_start3A = arith.constant 0 : i32
      %dma_start3A_26 = tpu.memref_slice %arg10[%run_scoped3A_15, %dma_start3A] : memref<5x128xi32, #tpu.memory_space<vmem>> -> memref<1x128xi32, #tpu.memory_space<vmem>>
      %dma_start3A_27 = tpu.memref_squeeze %dma_start3A_26 : memref<1x128xi32, #tpu.memory_space<vmem>> -> memref<128xi32, #tpu.memory_space<vmem>>
      %dma_start3A_28 = arith.constant 0 : i32
      %dma_start3A_29 = arith.constant 0 : i32
      %dma_start3A_30 = tpu.memref_slice %arg12[%dma_start3A_28, %dma_start3A_29] : memref<10112x16xf32, #tpu.memory_space<vmem_shared>> -> memref<10112x16xf32, #tpu.memory_space<vmem_shared>>
      tpu.enqueue_indirect_dma source(%arg11 : memref<128x16xf32, #tpu.memory_space<vmem>>) target(%dma_start3A_30 : memref<10112x16xf32, #tpu.memory_space<vmem_shared>>) offsets(%dma_start3A_27 : memref<128xi32, #tpu.memory_space<vmem>>) semaphore(%run_scoped3A_25 : memref<!tpu.dma_semaphore, #tpu.memory_space<semaphore_mem>>)
      %dma_wait3A = arith.constant 0 : i32
      %dma_wait3A_31 = tpu.memref_slice %arg10[%run_scoped3A_15, %dma_wait3A] : memref<5x128xi32, #tpu.memory_space<vmem>> -> memref<1x128xi32, #tpu.memory_space<vmem>>
      %dma_wait3A_32 = tpu.memref_squeeze %dma_wait3A_31 : memref<1x128xi32, #tpu.memory_space<vmem>> -> memref<128xi32, #tpu.memory_space<vmem>>
      %dma_wait3A_33 = arith.constant 0 : i32
      %dma_wait3A_34 = arith.constant 0 : i32
      %dma_wait3A_35 = tpu.memref_slice %arg12[%dma_wait3A_33, %dma_wait3A_34] : memref<10112x16xf32, #tpu.memory_space<vmem_shared>> -> memref<10112x16xf32, #tpu.memory_space<vmem_shared>>
      tpu.wait_indirect_dma semaphore(%run_scoped3A_25 : memref<!tpu.dma_semaphore, #tpu.memory_space<semaphore_mem>>) src(%arg11 : memref<128x16xf32, #tpu.memory_space<vmem>>) dst(%dma_wait3A_35 : memref<10112x16xf32, #tpu.memory_space<vmem_shared>>)
      tpu.yield
    }) : () -> ()
    %run_scoped3A_16 = arith.constant 2 : i32
    "tpu.region"() ({
      %run_scoped3A_25 = tpu.sem_alloc : memref<!tpu.dma_semaphore, #tpu.memory_space<semaphore_mem>>
      %dma_start3A = arith.constant 0 : i32
      %dma_start3A_26 = tpu.memref_slice %arg10[%run_scoped3A_16, %dma_start3A] : memref<5x128xi32, #tpu.memory_space<vmem>> -> memref<1x128xi32, #tpu.memory_space<vmem>>
      %dma_start3A_27 = tpu.memref_squeeze %dma_start3A_26 : memref<1x128xi32, #tpu.memory_space<vmem>> -> memref<128xi32, #tpu.memory_space<vmem>>
      %dma_start3A_28 = arith.constant 0 : i32
      %dma_start3A_29 = arith.constant 0 : i32
      %dma_start3A_30 = tpu.memref_slice %arg12[%dma_start3A_28, %dma_start3A_29] : memref<10112x16xf32, #tpu.memory_space<vmem_shared>> -> memref<10112x16xf32, #tpu.memory_space<vmem_shared>>
      tpu.enqueue_indirect_dma source(%arg11 : memref<128x16xf32, #tpu.memory_space<vmem>>) target(%dma_start3A_30 : memref<10112x16xf32, #tpu.memory_space<vmem_shared>>) offsets(%dma_start3A_27 : memref<128xi32, #tpu.memory_space<vmem>>) semaphore(%run_scoped3A_25 : memref<!tpu.dma_semaphore, #tpu.memory_space<semaphore_mem>>)
      %dma_wait3A = arith.constant 0 : i32
      %dma_wait3A_31 = tpu.memref_slice %arg10[%run_scoped3A_16, %dma_wait3A] : memref<5x128xi32, #tpu.memory_space<vmem>> -> memref<1x128xi32, #tpu.memory_space<vmem>>
      %dma_wait3A_32 = tpu.memref_squeeze %dma_wait3A_31 : memref<1x128xi32, #tpu.memory_space<vmem>> -> memref<128xi32, #tpu.memory_space<vmem>>
      %dma_wait3A_33 = arith.constant 0 : i32
      %dma_wait3A_34 = arith.constant 0 : i32
      %dma_wait3A_35 = tpu.memref_slice %arg12[%dma_wait3A_33, %dma_wait3A_34] : memref<10112x16xf32, #tpu.memory_space<vmem_shared>> -> memref<10112x16xf32, #tpu.memory_space<vmem_shared>>
      tpu.wait_indirect_dma semaphore(%run_scoped3A_25 : memref<!tpu.dma_semaphore, #tpu.memory_space<semaphore_mem>>) src(%arg11 : memref<128x16xf32, #tpu.memory_space<vmem>>) dst(%dma_wait3A_35 : memref<10112x16xf32, #tpu.memory_space<vmem_shared>>)
      tpu.yield
    }) : () -> ()
    %run_scoped3A_17 = arith.constant 3 : i32
    "tpu.region"() ({
      %run_scoped3A_25 = tpu.sem_alloc : memref<!tpu.dma_semaphore, #tpu.memory_space<semaphore_mem>>
      %dma_start3A = arith.constant 0 : i32
      %dma_start3A_26 = tpu.memref_slice %arg10[%run_scoped3A_17, %dma_start3A] : memref<5x128xi32, #tpu.memory_space<vmem>> -> memref<1x128xi32, #tpu.memory_space<vmem>>
      %dma_start3A_27 = tpu.memref_squeeze %dma_start3A_26 : memref<1x128xi32, #tpu.memory_space<vmem>> -> memref<128xi32, #tpu.memory_space<vmem>>
      %dma_start3A_28 = arith.constant 0 : i32
      %dma_start3A_29 = arith.constant 0 : i32
      %dma_start3A_30 = tpu.memref_slice %arg12[%dma_start3A_28, %dma_start3A_29] : memref<10112x16xf32, #tpu.memory_space<vmem_shared>> -> memref<10112x16xf32, #tpu.memory_space<vmem_shared>>
      tpu.enqueue_indirect_dma source(%arg11 : memref<128x16xf32, #tpu.memory_space<vmem>>) target(%dma_start3A_30 : memref<10112x16xf32, #tpu.memory_space<vmem_shared>>) offsets(%dma_start3A_27 : memref<128xi32, #tpu.memory_space<vmem>>) semaphore(%run_scoped3A_25 : memref<!tpu.dma_semaphore, #tpu.memory_space<semaphore_mem>>)
      %dma_wait3A = arith.constant 0 : i32
      %dma_wait3A_31 = tpu.memref_slice %arg10[%run_scoped3A_17, %dma_wait3A] : memref<5x128xi32, #tpu.memory_space<vmem>> -> memref<1x128xi32, #tpu.memory_space<vmem>>
      %dma_wait3A_32 = tpu.memref_squeeze %dma_wait3A_31 : memref<1x128xi32, #tpu.memory_space<vmem>> -> memref<128xi32, #tpu.memory_space<vmem>>
      %dma_wait3A_33 = arith.constant 0 : i32
      %dma_wait3A_34 = arith.constant 0 : i32
      %dma_wait3A_35 = tpu.memref_slice %arg12[%dma_wait3A_33, %dma_wait3A_34] : memref<10112x16xf32, #tpu.memory_space<vmem_shared>> -> memref<10112x16xf32, #tpu.memory_space<vmem_shared>>
      tpu.wait_indirect_dma semaphore(%run_scoped3A_25 : memref<!tpu.dma_semaphore, #tpu.memory_space<semaphore_mem>>) src(%arg11 : memref<128x16xf32, #tpu.memory_space<vmem>>) dst(%dma_wait3A_35 : memref<10112x16xf32, #tpu.memory_space<vmem_shared>>)
      tpu.yield
    }) : () -> ()
    %run_scoped3A_18 = arith.constant 4 : i32
    "tpu.region"() ({
      %run_scoped3A_25 = tpu.sem_alloc : memref<!tpu.dma_semaphore, #tpu.memory_space<semaphore_mem>>
      %dma_start3A = arith.constant 0 : i32
      %dma_start3A_26 = tpu.memref_slice %arg10[%run_scoped3A_18, %dma_start3A] : memref<5x128xi32, #tpu.memory_space<vmem>> -> memref<1x128xi32, #tpu.memory_space<vmem>>
      %dma_start3A_27 = tpu.memref_squeeze %dma_start3A_26 : memref<1x128xi32, #tpu.memory_space<vmem>> -> memref<128xi32, #tpu.memory_space<vmem>>
      %dma_start3A_28 = arith.constant 0 : i32
      %dma_start3A_29 = arith.constant 0 : i32
      %dma_start3A_30 = tpu.memref_slice %arg12[%dma_start3A_28, %dma_start3A_29] : memref<10112x16xf32, #tpu.memory_space<vmem_shared>> -> memref<10112x16xf32, #tpu.memory_space<vmem_shared>>
      tpu.enqueue_indirect_dma source(%arg11 : memref<128x16xf32, #tpu.memory_space<vmem>>) target(%dma_start3A_30 : memref<10112x16xf32, #tpu.memory_space<vmem_shared>>) offsets(%dma_start3A_27 : memref<128xi32, #tpu.memory_space<vmem>>) semaphore(%run_scoped3A_25 : memref<!tpu.dma_semaphore, #tpu.memory_space<semaphore_mem>>)
      %dma_wait3A = arith.constant 0 : i32
      %dma_wait3A_31 = tpu.memref_slice %arg10[%run_scoped3A_18, %dma_wait3A] : memref<5x128xi32, #tpu.memory_space<vmem>> -> memref<1x128xi32, #tpu.memory_space<vmem>>
      %dma_wait3A_32 = tpu.memref_squeeze %dma_wait3A_31 : memref<1x128xi32, #tpu.memory_space<vmem>> -> memref<128xi32, #tpu.memory_space<vmem>>
      %dma_wait3A_33 = arith.constant 0 : i32
      %dma_wait3A_34 = arith.constant 0 : i32
      %dma_wait3A_35 = tpu.memref_slice %arg12[%dma_wait3A_33, %dma_wait3A_34] : memref<10112x16xf32, #tpu.memory_space<vmem_shared>> -> memref<10112x16xf32, #tpu.memory_space<vmem_shared>>
      tpu.wait_indirect_dma semaphore(%run_scoped3A_25 : memref<!tpu.dma_semaphore, #tpu.memory_space<semaphore_mem>>) src(%arg11 : memref<128x16xf32, #tpu.memory_space<vmem>>) dst(%dma_wait3A_35 : memref<10112x16xf32, #tpu.memory_space<vmem_shared>>)
      tpu.yield
    }) : () -> ()
    "tpu.region"() ({
      %run_scoped3A_25 = tpu.sem_alloc : memref<!tpu.dma_semaphore, #tpu.memory_space<semaphore_mem>>
      %dma_start3A = arith.constant 0 : i32
      %dma_start3A_26 = arith.constant 0 : i32
      %dma_start3A_27 = tpu.memref_slice %arg3[%arg0, %arg1, %dma_start3A, %dma_start3A_26] : memref<2x16x80x128xi32, #tpu.memory_space<hbm>> -> memref<1x1x80x128xi32, #tpu.memory_space<hbm>>
      %dma_start3A_28 = tpu.memref_squeeze %dma_start3A_27 : memref<1x1x80x128xi32, #tpu.memory_space<hbm>> -> memref<80x128xi32, #tpu.memory_space<hbm>>
      %dma_start3A_29 = arith.constant 0 : i32
      %dma_start3A_30 = arith.constant 0 : i32
      %dma_start3A_31 = tpu.memref_slice %arg3[%arg0, %arg1, %dma_start3A_29, %dma_start3A_30] : memref<2x16x80x128xi32, #tpu.memory_space<hbm>> -> memref<1x1x80x128xi32, #tpu.memory_space<hbm>>
      %dma_start3A_32 = tpu.memref_squeeze %dma_start3A_31 : memref<1x1x80x128xi32, #tpu.memory_space<hbm>> -> memref<80x128xi32, #tpu.memory_space<hbm>>
      tpu.enqueue_dma source(%dma_start3A_32 : memref<80x128xi32, #tpu.memory_space<hbm>>) target(%arg8 : memref<80x128xi32, #tpu.memory_space<vmem>>) target_semaphore(%run_scoped3A_25 : memref<!tpu.dma_semaphore, #tpu.memory_space<semaphore_mem>>)
      %dma_wait3A = arith.constant 0 : i32
      %dma_wait3A_33 = arith.constant 0 : i32
      %dma_wait3A_34 = tpu.memref_slice %arg3[%arg0, %arg1, %dma_wait3A, %dma_wait3A_33] : memref<2x16x80x128xi32, #tpu.memory_space<hbm>> -> memref<1x1x80x128xi32, #tpu.memory_space<hbm>>
      %dma_wait3A_35 = tpu.memref_squeeze %dma_wait3A_34 : memref<1x1x80x128xi32, #tpu.memory_space<hbm>> -> memref<80x128xi32, #tpu.memory_space<hbm>>
      %dma_wait3A_36 = arith.constant 0 : i32
      %dma_wait3A_37 = arith.constant 0 : i32
      %dma_wait3A_38 = tpu.memref_slice %arg3[%arg0, %arg1, %dma_wait3A_36, %dma_wait3A_37] : memref<2x16x80x128xi32, #tpu.memory_space<hbm>> -> memref<1x1x80x128xi32, #tpu.memory_space<hbm>>
      %dma_wait3A_39 = tpu.memref_squeeze %dma_wait3A_38 : memref<1x1x80x128xi32, #tpu.memory_space<hbm>> -> memref<80x128xi32, #tpu.memory_space<hbm>>
      tpu.wait_dma2 semaphore(%run_scoped3A_25 : memref<!tpu.dma_semaphore, #tpu.memory_space<semaphore_mem>>) src(%dma_wait3A_39 : memref<80x128xi32, #tpu.memory_space<hbm>>) dst(%arg8 : memref<80x128xi32, #tpu.memory_space<vmem>>)
      tpu.yield
    }) : () -> ()
    "tpu.region"() ({
      %run_scoped3A_25 = tpu.sem_alloc : memref<!tpu.dma_semaphore, #tpu.memory_space<semaphore_mem>>
      %dma_start3A = arith.constant 0 : i32
      %dma_start3A_26 = arith.constant 0 : i32
      %dma_start3A_27 = tpu.memref_slice %arg4[%arg0, %arg1, %dma_start3A, %dma_start3A_26] : memref<2x16x80x128xi32, #tpu.memory_space<hbm>> -> memref<1x1x80x128xi32, #tpu.memory_space<hbm>>
      %dma_start3A_28 = tpu.memref_squeeze %dma_start3A_27 : memref<1x1x80x128xi32, #tpu.memory_space<hbm>> -> memref<80x128xi32, #tpu.memory_space<hbm>>
      %dma_start3A_29 = arith.constant 0 : i32
      %dma_start3A_30 = arith.constant 0 : i32
      %dma_start3A_31 = tpu.memref_slice %arg4[%arg0, %arg1, %dma_start3A_29, %dma_start3A_30] : memref<2x16x80x128xi32, #tpu.memory_space<hbm>> -> memref<1x1x80x128xi32, #tpu.memory_space<hbm>>
      %dma_start3A_32 = tpu.memref_squeeze %dma_start3A_31 : memref<1x1x80x128xi32, #tpu.memory_space<hbm>> -> memref<80x128xi32, #tpu.memory_space<hbm>>
      tpu.enqueue_dma source(%dma_start3A_32 : memref<80x128xi32, #tpu.memory_space<hbm>>) target(%arg9 : memref<80x128xi32, #tpu.memory_space<vmem>>) target_semaphore(%run_scoped3A_25 : memref<!tpu.dma_semaphore, #tpu.memory_space<semaphore_mem>>)
      %dma_wait3A = arith.constant 0 : i32
      %dma_wait3A_33 = arith.constant 0 : i32
      %dma_wait3A_34 = tpu.memref_slice %arg4[%arg0, %arg1, %dma_wait3A, %dma_wait3A_33] : memref<2x16x80x128xi32, #tpu.memory_space<hbm>> -> memref<1x1x80x128xi32, #tpu.memory_space<hbm>>
      %dma_wait3A_35 = tpu.memref_squeeze %dma_wait3A_34 : memref<1x1x80x128xi32, #tpu.memory_space<hbm>> -> memref<80x128xi32, #tpu.memory_space<hbm>>
      %dma_wait3A_36 = arith.constant 0 : i32
      %dma_wait3A_37 = arith.constant 0 : i32
      %dma_wait3A_38 = tpu.memref_slice %arg4[%arg0, %arg1, %dma_wait3A_36, %dma_wait3A_37] : memref<2x16x80x128xi32, #tpu.memory_space<hbm>> -> memref<1x1x80x128xi32, #tpu.memory_space<hbm>>
      %dma_wait3A_39 = tpu.memref_squeeze %dma_wait3A_38 : memref<1x1x80x128xi32, #tpu.memory_space<hbm>> -> memref<80x128xi32, #tpu.memory_space<hbm>>
      tpu.wait_dma2 semaphore(%run_scoped3A_25 : memref<!tpu.dma_semaphore, #tpu.memory_space<semaphore_mem>>) src(%dma_wait3A_39 : memref<80x128xi32, #tpu.memory_space<hbm>>) dst(%arg9 : memref<80x128xi32, #tpu.memory_space<vmem>>)
      tpu.yield
    }) : () -> ()
    %barrier3A = arith.constant 0 : index
    tpu.barrier barrier_id(%barrier3A)
    %scan3A = arith.constant 0 : i32
    %scan3A_19 = arith.constant 0 : i32
    %scan3A_20 = arith.constant 80 : i32
    %scan3A_21 = arith.addi %scan3A_19, %scan3A_20 : i32
    %scan3A_22 = arith.constant 1 : i32
    scf.for %scan3A_25 = %scan3A_19 to %scan3A_21 step %scan3A_22  : i32 {
      %dma_start3A = arith.constant 0 : i32
      %dma_start3A_26 = tpu.memref_slice %arg8[%scan3A_25, %dma_start3A] : memref<80x128xi32, #tpu.memory_space<vmem>> -> memref<1x128xi32, #tpu.memory_space<vmem>>
      %dma_start3A_27 = tpu.memref_squeeze %dma_start3A_26 : memref<1x128xi32, #tpu.memory_space<vmem>> -> memref<128xi32, #tpu.memory_space<vmem>>
      %dma_start3A_28 = arith.constant 0 : i32
      %dma_start3A_29 = arith.constant 0 : i32
      %dma_start3A_30 = tpu.memref_slice %arg13[%dma_start3A_28, %dma_start3A_29] : memref<10112x16xf32, #tpu.memory_space<vmem_shared>> -> memref<10112x16xf32, #tpu.memory_space<vmem_shared>>
      tpu.enqueue_indirect_dma source(%dma_start3A_30 : memref<10112x16xf32, #tpu.memory_space<vmem_shared>>) target(%arg11 : memref<128x16xf32, #tpu.memory_space<vmem>>) offsets(%dma_start3A_27 : memref<128xi32, #tpu.memory_space<vmem>>) semaphore(%arg14 : memref<!tpu.dma_semaphore, #tpu.memory_space<semaphore_mem>>)
      %dma_wait3A = arith.constant 0 : i32
      %dma_wait3A_31 = tpu.memref_slice %arg8[%scan3A_25, %dma_wait3A] : memref<80x128xi32, #tpu.memory_space<vmem>> -> memref<1x128xi32, #tpu.memory_space<vmem>>
      %dma_wait3A_32 = tpu.memref_squeeze %dma_wait3A_31 : memref<1x128xi32, #tpu.memory_space<vmem>> -> memref<128xi32, #tpu.memory_space<vmem>>
      %dma_wait3A_33 = arith.constant 0 : i32
      %dma_wait3A_34 = arith.constant 0 : i32
      %dma_wait3A_35 = tpu.memref_slice %arg13[%dma_wait3A_33, %dma_wait3A_34] : memref<10112x16xf32, #tpu.memory_space<vmem_shared>> -> memref<10112x16xf32, #tpu.memory_space<vmem_shared>>
      tpu.wait_indirect_dma semaphore(%arg14 : memref<!tpu.dma_semaphore, #tpu.memory_space<semaphore_mem>>) src(%dma_wait3A_35 : memref<10112x16xf32, #tpu.memory_space<vmem_shared>>) dst(%arg11 : memref<128x16xf32, #tpu.memory_space<vmem>>)
      "tpu.region"() ({
        %run_scoped3A_36 = tpu.sem_alloc : memref<!tpu.dma_semaphore, #tpu.memory_space<semaphore_mem>>
        %dma_start3A_37 = arith.constant 0 : i32
        %dma_start3A_38 = tpu.memref_slice %arg9[%scan3A_25, %dma_start3A_37] : memref<80x128xi32, #tpu.memory_space<vmem>> -> memref<1x128xi32, #tpu.memory_space<vmem>>
        %dma_start3A_39 = tpu.memref_squeeze %dma_start3A_38 : memref<1x128xi32, #tpu.memory_space<vmem>> -> memref<128xi32, #tpu.memory_space<vmem>>
        %dma_start3A_40 = arith.constant 0 : i32
        %dma_start3A_41 = arith.constant 0 : i32
        %dma_start3A_42 = tpu.memref_slice %arg12[%dma_start3A_40, %dma_start3A_41] : memref<10112x16xf32, #tpu.memory_space<vmem_shared>> -> memref<10112x16xf32, #tpu.memory_space<vmem_shared>>
        tpu.enqueue_indirect_dma source(%arg11 : memref<128x16xf32, #tpu.memory_space<vmem>>) target(%dma_start3A_42 : memref<10112x16xf32, #tpu.memory_space<vmem_shared>>) offsets(%dma_start3A_39 : memref<128xi32, #tpu.memory_space<vmem>>) semaphore(%run_scoped3A_36 : memref<!tpu.dma_semaphore, #tpu.memory_space<semaphore_mem>>) {add = true}
        %dma_wait3A_43 = arith.constant 0 : i32
        %dma_wait3A_44 = tpu.memref_slice %arg9[%scan3A_25, %dma_wait3A_43] : memref<80x128xi32, #tpu.memory_space<vmem>> -> memref<1x128xi32, #tpu.memory_space<vmem>>
        %dma_wait3A_45 = tpu.memref_squeeze %dma_wait3A_44 : memref<1x128xi32, #tpu.memory_space<vmem>> -> memref<128xi32, #tpu.memory_space<vmem>>
        %dma_wait3A_46 = arith.constant 0 : i32
        %dma_wait3A_47 = arith.constant 0 : i32
        %dma_wait3A_48 = tpu.memref_slice %arg12[%dma_wait3A_46, %dma_wait3A_47] : memref<10112x16xf32, #tpu.memory_space<vmem_shared>> -> memref<10112x16xf32, #tpu.memory_space<vmem_shared>>
        tpu.wait_indirect_dma semaphore(%run_scoped3A_36 : memref<!tpu.dma_semaphore, #tpu.memory_space<semaphore_mem>>) src(%arg11 : memref<128x16xf32, #tpu.memory_space<vmem>>) dst(%dma_wait3A_48 : memref<10112x16xf32, #tpu.memory_space<vmem_shared>>)
        tpu.yield
      }) : () -> ()
    }
    %scan3A_23 = arith.constant 80 : i32
    %barrier3A_24 = arith.constant 0 : index
    tpu.barrier barrier_id(%barrier3A_24)
    "tpu.region"() ({
      %run_scoped3A_25 = tpu.sem_alloc : memref<!tpu.dma_semaphore, #tpu.memory_space<semaphore_mem>>
      %dma_start3A = arith.constant 0 : i32
      %dma_start3A_26 = tpu.memref_slice %arg7[%arg0, %mul3A_0, %dma_start3A] : memref<2x10112x16xf32, #tpu.memory_space<hbm>> -> memref<1x632x16xf32, #tpu.memory_space<hbm>>
      %dma_start3A_27 = tpu.memref_squeeze %dma_start3A_26 : memref<1x632x16xf32, #tpu.memory_space<hbm>> -> memref<632x16xf32, #tpu.memory_space<hbm>>
      %dma_start3A_28 = arith.constant 0 : i32
      %dma_start3A_29 = tpu.memref_slice %arg12[%mul3A_0, %dma_start3A_28] : memref<10112x16xf32, #tpu.memory_space<vmem_shared>> -> memref<632x16xf32, #tpu.memory_space<vmem_shared>>
      tpu.enqueue_dma source(%dma_start3A_29 : memref<632x16xf32, #tpu.memory_space<vmem_shared>>) target(%dma_start3A_27 : memref<632x16xf32, #tpu.memory_space<hbm>>) target_semaphore(%run_scoped3A_25 : memref<!tpu.dma_semaphore, #tpu.memory_space<semaphore_mem>>)
      %dma_wait3A = arith.constant 0 : i32
      %dma_wait3A_30 = tpu.memref_slice %arg7[%arg0, %mul3A_0, %dma_wait3A] : memref<2x10112x16xf32, #tpu.memory_space<hbm>> -> memref<1x632x16xf32, #tpu.memory_space<hbm>>
      %dma_wait3A_31 = tpu.memref_squeeze %dma_wait3A_30 : memref<1x632x16xf32, #tpu.memory_space<hbm>> -> memref<632x16xf32, #tpu.memory_space<hbm>>
      %dma_wait3A_32 = arith.constant 0 : i32
      %dma_wait3A_33 = tpu.memref_slice %arg12[%mul3A_0, %dma_wait3A_32] : memref<10112x16xf32, #tpu.memory_space<vmem_shared>> -> memref<632x16xf32, #tpu.memory_space<vmem_shared>>
      tpu.wait_dma2 semaphore(%run_scoped3A_25 : memref<!tpu.dma_semaphore, #tpu.memory_space<semaphore_mem>>) src(%dma_wait3A_33 : memref<632x16xf32, #tpu.memory_space<vmem_shared>>) dst(%dma_wait3A_31 : memref<632x16xf32, #tpu.memory_space<hbm>>)
      tpu.yield
    }) : () -> ()
    return
  }
}

module attributes {stable_mosaic.version = 14 : i64} {
  func.func @_tc_a_body(%arg0: i32, %arg1: memref<2528x128xf32, #tpu.memory_space<vmem>>, %arg2: memref<128x16xf32, #tpu.memory_space<vmem>>, %arg3: memref<2x2528x16xf32, #tpu.memory_space<vmem>>, %arg4: memref<2528x16xf32, #tpu.memory_space<vmem>>, %arg5: memref<2528x16xf32, #tpu.memory_space<vmem>>) attributes {dimension_semantics = [#tpu.dimension_semantics<arbitrary>], iteration_bounds = array<i64: 4>, scalar_prefetch = 0 : i64, scratch_operands = 0 : i64, tpu.core_type = #tpu.core_type<tc>, window_params = [{transform_indices = @transform_0, window_bounds = array<i64: 2528, 128>}, {pipeline_mode = #tpu.pipeline_mode<synchronous>, transform_indices = @transform_1, window_bounds = array<i64: 128, 16>}, {transform_indices = @transform_2, window_bounds = array<i64: 2, 2528, 16>}, {transform_indices = @transform_3, window_bounds = array<i64: 2528, 16>}, {transform_indices = @transform_4, window_bounds = array<i64: 2528, 16>}]} {
    %get3A = arith.constant 0 : index
    %get3A_0 = arith.constant 0 : index
    %get3A_1 = arith.constant 0 : index
    %get3A_2 = vector.load %arg3[%get3A, %get3A_0, %get3A_1] : memref<2x2528x16xf32, #tpu.memory_space<vmem>>, vector<1x2528x16xf32>
    %get3A_3 = vector.shape_cast %get3A_2 : vector<1x2528x16xf32> to vector<2528x16xf32>
    %get3A_4 = arith.constant 1 : index
    %get3A_5 = arith.constant 0 : index
    %get3A_6 = arith.constant 0 : index
    %get3A_7 = vector.load %arg3[%get3A_4, %get3A_5, %get3A_6] : memref<2x2528x16xf32, #tpu.memory_space<vmem>>, vector<1x2528x16xf32>
    %get3A_8 = vector.shape_cast %get3A_7 : vector<1x2528x16xf32> to vector<2528x16xf32>
    %add3A = arith.addf %get3A_3, %get3A_8 : vector<2528x16xf32>
    %slice3A = vector.extract_strided_slice %add3A {offsets = [0, 0], sizes = [2528, 1], strides = [1, 1]} : vector<2528x16xf32> to vector<2528x1xf32>
    %add3A_9 = arith.constant 1.000000e+00 : f32
    %add3A_10 = vector.broadcast %add3A_9 : f32 to vector<2528x1xf32>
    %add3A_11 = arith.addf %slice3A, %add3A_10 : vector<2528x1xf32>
    %rsqrt3A = math.rsqrt %add3A_11 : vector<2528x1xf32>
    %broadcast_in_dim3A = vector.shape_cast %rsqrt3A : vector<2528x1xf32> to vector<2528x1xf32>
    %broadcast_in_dim3A_12 = vector.broadcast %broadcast_in_dim3A : vector<2528x1xf32> to vector<2528x16xf32>
    %get3A_13 = arith.constant 0 : index
    %get3A_14 = arith.constant 0 : index
    %get3A_15 = vector.load %arg1[%get3A_13, %get3A_14] : memref<2528x128xf32, #tpu.memory_space<vmem>>, vector<2528x128xf32>
    %get3A_16 = arith.constant 0 : index
    %get3A_17 = arith.constant 0 : index
    %get3A_18 = vector.load %arg2[%get3A_16, %get3A_17] : memref<128x16xf32, #tpu.memory_space<vmem>>, vector<128x16xf32>
    %dot_general3A = arith.constant dense<0.000000e+00> : vector<2528x16xf32>
    %dot_general3A_19 = tpu.matmul %get3A_15, %get3A_18, %dot_general3A {dimension_numbers = #tpu.dot_dimension_numbers<[1], [0], [0], [1], [0, 0, 1, 1], [], []>, transpose_lhs_hint = false} : vector<2528x128xf32>, vector<128x16xf32>, vector<2528x16xf32> -> vector<2528x16xf32>
    %mul3A = arith.mulf %dot_general3A_19, %broadcast_in_dim3A_12 : vector<2528x16xf32>
    %swap3A = arith.constant 0 : index
    %swap3A_20 = arith.constant 0 : index
    %swap3A_21 = vector.load %arg4[%swap3A, %swap3A_20] : memref<2528x16xf32, #tpu.memory_space<vmem>>, vector<2528x16xf32>
    tpu.vector_store %arg4[%swap3A, %swap3A_20], %mul3A {strides = array<i32>} : memref<2528x16xf32, #tpu.memory_space<vmem>>, vector<2528x16xf32>,
    %swap3A_22 = arith.constant 0 : index
    %swap3A_23 = arith.constant 0 : index
    %swap3A_24 = vector.load %arg5[%swap3A_22, %swap3A_23] : memref<2528x16xf32, #tpu.memory_space<vmem>>, vector<2528x16xf32>
    tpu.vector_store %arg5[%swap3A_22, %swap3A_23], %broadcast_in_dim3A_12 {strides = array<i32>} : memref<2528x16xf32, #tpu.memory_space<vmem>>, vector<2528x16xf32>,
    return
  }
  func.func @transform_0(%arg0: i32) -> (i32, i32) {
    %c0_i32 = arith.constant 0 : i32
    %c0_i32_0 = arith.constant 0 : i32
    return %arg0, %c0_i32 : i32, i32
  }
  func.func @transform_1(%arg0: i32) -> (i32, i32) {
    %c0_i32 = arith.constant 0 : i32
    %c0_i32_0 = arith.constant 0 : i32
    %c0_i32_1 = arith.constant 0 : i32
    return %c0_i32, %c0_i32_0 : i32, i32
  }
  func.func @transform_2(%arg0: i32) -> (i32, i32, i32) {
    %c0_i32 = arith.constant 0 : i32
    %c0_i32_0 = arith.constant 0 : i32
    %c0_i32_1 = arith.constant 0 : i32
    return %c0_i32, %arg0, %c0_i32_0 : i32, i32, i32
  }
  func.func @transform_3(%arg0: i32) -> (i32, i32) {
    %c0_i32 = arith.constant 0 : i32
    %c0_i32_0 = arith.constant 0 : i32
    return %arg0, %c0_i32 : i32, i32
  }
  func.func @transform_4(%arg0: i32) -> (i32, i32) {
    %c0_i32 = arith.constant 0 : i32
    %c0_i32_0 = arith.constant 0 : i32
    return %arg0, %c0_i32 : i32, i32
  }
}

module attributes {stable_mosaic.version = 14 : i64} {
  func.func @_tc_c_body(%arg0: i32, %arg1: memref<2x2528x16xf32, #tpu.memory_space<vmem>>, %arg2: memref<2528x16xf32, #tpu.memory_space<vmem>>, %arg3: memref<2528x16xf32, #tpu.memory_space<vmem>>, %arg4: memref<1x16xf32, #tpu.memory_space<vmem>>, %arg5: memref<2528x16xf32, #tpu.memory_space<vmem>>, %arg6: memref<16x128xf32, #tpu.memory_space<vmem>>, %arg7: memref<32x128xf32, #tpu.memory_space<vmem>>, %arg8: memref<1x128xf32, #tpu.memory_space<vmem>>, %arg9: memref<1x128xf32, #tpu.memory_space<vmem>>, %arg10: memref<16x128xf32, #tpu.memory_space<vmem>>, %arg11: memref<32x128xf32, #tpu.memory_space<vmem>>, %arg12: memref<1x128xf32, #tpu.memory_space<vmem>>, %arg13: memref<1x128xf32, #tpu.memory_space<vmem>>, %arg14: memref<1x64xf32, #tpu.memory_space<vmem>>, %arg15: memref<1x1xf32, #tpu.memory_space<vmem>>, %arg16: memref<2528x16xf32, #tpu.memory_space<vmem>>) attributes {dimension_semantics = [#tpu.dimension_semantics<arbitrary>], iteration_bounds = array<i64: 4>, scalar_prefetch = 0 : i64, scratch_operands = 0 : i64, tpu.core_type = #tpu.core_type<tc>, window_params = [{transform_indices = @transform_0, window_bounds = array<i64: 2, 2528, 16>}, {transform_indices = @transform_1, window_bounds = array<i64: 2528, 16>}, {transform_indices = @transform_2, window_bounds = array<i64: 2528, 16>}, {pipeline_mode = #tpu.pipeline_mode<synchronous>, transform_indices = @transform_3, window_bounds = array<i64: 1, 16>}, {transform_indices = @transform_4, window_bounds = array<i64: 2528, 16>}, {pipeline_mode = #tpu.pipeline_mode<synchronous>, transform_indices = @transform_5, window_bounds = array<i64: 16, 128>}, {pipeline_mode = #tpu.pipeline_mode<synchronous>, transform_indices = @transform_6, window_bounds = array<i64: 32, 128>}, {pipeline_mode = #tpu.pipeline_mode<synchronous>, transform_indices = @transform_7, window_bounds = array<i64: 1, 128>}, {pipeline_mode = #tpu.pipeline_mode<synchronous>, transform_indices = @transform_8, window_bounds = array<i64: 1, 128>}, {pipeline_mode = #tpu.pipeline_mode<synchronous>, transform_indices = @transform_9, window_bounds = array<i64: 16, 128>}, {pipeline_mode = #tpu.pipeline_mode<synchronous>, transform_indices = @transform_10, window_bounds = array<i64: 32, 128>}, {pipeline_mode = #tpu.pipeline_mode<synchronous>, transform_indices = @transform_11, window_bounds = array<i64: 1, 128>}, {pipeline_mode = #tpu.pipeline_mode<synchronous>, transform_indices = @transform_12, window_bounds = array<i64: 1, 128>}, {pipeline_mode = #tpu.pipeline_mode<synchronous>, transform_indices = @transform_13, window_bounds = array<i64: 1, 64>}, {pipeline_mode = #tpu.pipeline_mode<synchronous>, transform_indices = @transform_14, window_bounds = array<i64: 1, 1>}, {transform_indices = @transform_15, window_bounds = array<i64: 2528, 16>}]} {
    %get3A = arith.constant 0 : index
    %get3A_0 = arith.constant 0 : index
    %get3A_1 = vector.load %arg3[%get3A, %get3A_0] : memref<2528x16xf32, #tpu.memory_space<vmem>>, vector<2528x16xf32>
    %get3A_2 = arith.constant 0 : index
    %get3A_3 = arith.constant 0 : index
    %get3A_4 = vector.load %arg5[%get3A_2, %get3A_3] : memref<2528x16xf32, #tpu.memory_space<vmem>>, vector<2528x16xf32>
    %get3A_5 = arith.constant 0 : index
    %get3A_6 = arith.constant 0 : index
    %get3A_7 = arith.constant 0 : index
    %get3A_8 = vector.load %arg1[%get3A_5, %get3A_6, %get3A_7] : memref<2x2528x16xf32, #tpu.memory_space<vmem>>, vector<1x2528x16xf32>
    %get3A_9 = vector.shape_cast %get3A_8 : vector<1x2528x16xf32> to vector<2528x16xf32>
    %get3A_10 = arith.constant 1 : index
    %get3A_11 = arith.constant 0 : index
    %get3A_12 = arith.constant 0 : index
    %get3A_13 = vector.load %arg1[%get3A_10, %get3A_11, %get3A_12] : memref<2x2528x16xf32, #tpu.memory_space<vmem>>, vector<1x2528x16xf32>
    %get3A_14 = vector.shape_cast %get3A_13 : vector<1x2528x16xf32> to vector<2528x16xf32>
    %add3A = arith.addf %get3A_9, %get3A_14 : vector<2528x16xf32>
    %get3A_15 = arith.constant 0 : index
    %get3A_16 = arith.constant 0 : index
    %get3A_17 = vector.load %arg2[%get3A_15, %get3A_16] : memref<2528x16xf32, #tpu.memory_space<vmem>>, vector<2528x16xf32>
    %add3A_18 = arith.addf %add3A, %get3A_17 : vector<2528x16xf32>
    %mul3A = arith.mulf %add3A_18, %get3A_1 : vector<2528x16xf32>
    %get3A_19 = arith.constant 0 : index
    %get3A_20 = arith.constant 0 : index
    %get3A_21 = vector.load %arg4[%get3A_19, %get3A_20] : memref<1x16xf32, #tpu.memory_space<vmem>>, vector<1x16xf32>
    %add3A_22 = vector.broadcast %get3A_21 : vector<1x16xf32> to vector<2528x16xf32>
    %add3A_23 = arith.addf %mul3A, %add3A_22 : vector<2528x16xf32>
    %max3A = arith.constant 0.000000e+00 : f32
    %max3A_24 = vector.broadcast %max3A : f32 to vector<2528x16xf32>
    %max3A_25 = arith.maximumf %add3A_23, %max3A_24 : vector<2528x16xf32>
    %get3A_26 = arith.constant 0 : index
    %get3A_27 = arith.constant 0 : index
    %get3A_28 = vector.load %arg8[%get3A_26, %get3A_27] : memref<1x128xf32, #tpu.memory_space<vmem>>, vector<1x128xf32>
    %get3A_29 = arith.constant 0 : index
    %get3A_30 = arith.constant 0 : index
    %get3A_31 = vector.load %arg9[%get3A_29, %get3A_30] : memref<1x128xf32, #tpu.memory_space<vmem>>, vector<1x128xf32>
    %add3A_32 = arith.addf %get3A_28, %get3A_31 : vector<1x128xf32>
    %get3A_33 = arith.constant 0 : index
    %get3A_34 = arith.constant 0 : index
    %get3A_35 = vector.load %arg12[%get3A_33, %get3A_34] : memref<1x128xf32, #tpu.memory_space<vmem>>, vector<1x128xf32>
    %get3A_36 = arith.constant 0 : index
    %get3A_37 = arith.constant 0 : index
    %get3A_38 = vector.load %arg13[%get3A_36, %get3A_37] : memref<1x128xf32, #tpu.memory_space<vmem>>, vector<1x128xf32>
    %add3A_39 = arith.addf %get3A_35, %get3A_38 : vector<1x128xf32>
    %get3A_40 = arith.constant 0 : index
    %get3A_41 = arith.constant 0 : index
    %get3A_42 = vector.load %arg6[%get3A_40, %get3A_41] : memref<16x128xf32, #tpu.memory_space<vmem>>, vector<16x128xf32>
    %get3A_43 = arith.constant 0 : index
    %get3A_44 = arith.constant 0 : index
    %get3A_45 = vector.load %arg7[%get3A_43, %get3A_44] : memref<32x128xf32, #tpu.memory_space<vmem>>, vector<32x128xf32>
    %get3A_46 = arith.constant 0 : index
    %get3A_47 = arith.constant 0 : index
    %get3A_48 = vector.load %arg10[%get3A_46, %get3A_47] : memref<16x128xf32, #tpu.memory_space<vmem>>, vector<16x128xf32>
    %get3A_49 = arith.constant 0 : index
    %get3A_50 = arith.constant 0 : index
    %get3A_51 = vector.load %arg11[%get3A_49, %get3A_50] : memref<32x128xf32, #tpu.memory_space<vmem>>, vector<32x128xf32>
    %dot_general3A = arith.constant dense<0.000000e+00> : vector<2528x128xf32>
    %dot_general3A_52 = tpu.matmul %get3A_4, %get3A_42, %dot_general3A {dimension_numbers = #tpu.dot_dimension_numbers<[1], [0], [0], [1], [0, 0, 1, 1], [], []>, transpose_lhs_hint = false} : vector<2528x16xf32>, vector<16x128xf32>, vector<2528x128xf32> -> vector<2528x128xf32>
    %add3A_53 = vector.broadcast %add3A_32 : vector<1x128xf32> to vector<2528x128xf32>
    %add3A_54 = arith.addf %dot_general3A_52, %add3A_53 : vector<2528x128xf32>
    %split3A = vector.extract_strided_slice %add3A_54 {offsets = [0, 0], sizes = [2528, 32], strides = [1, 1]} : vector<2528x128xf32> to vector<2528x32xf32>
    %split3A_55 = vector.extract_strided_slice %add3A_54 {offsets = [0, 32], sizes = [2528, 32], strides = [1, 1]} : vector<2528x128xf32> to vector<2528x32xf32>
    %split3A_56 = vector.extract_strided_slice %add3A_54 {offsets = [0, 64], sizes = [2528, 32], strides = [1, 1]} : vector<2528x128xf32> to vector<2528x32xf32>
    %split3A_57 = vector.extract_strided_slice %add3A_54 {offsets = [0, 96], sizes = [2528, 32], strides = [1, 1]} : vector<2528x128xf32> to vector<2528x32xf32>
    %logistic3A = arith.negf %split3A : vector<2528x32xf32>
    %logistic3A_58 = math.exp %logistic3A : vector<2528x32xf32>
    %logistic3A_59 = arith.constant 1.000000e+00 : f32
    %logistic3A_60 = vector.broadcast %logistic3A_59 : f32 to vector<2528x32xf32>
    %logistic3A_61 = arith.addf %logistic3A_60, %logistic3A_58 : vector<2528x32xf32>
    %logistic3A_62 = arith.divf %logistic3A_60, %logistic3A_61 : vector<2528x32xf32>
    %tanh3A = math.tanh %split3A_56 : vector<2528x32xf32>
    %logistic3A_63 = arith.negf %split3A_57 : vector<2528x32xf32>
    %logistic3A_64 = math.exp %logistic3A_63 : vector<2528x32xf32>
    %logistic3A_65 = arith.constant 1.000000e+00 : f32
    %logistic3A_66 = vector.broadcast %logistic3A_65 : f32 to vector<2528x32xf32>
    %logistic3A_67 = arith.addf %logistic3A_66, %logistic3A_64 : vector<2528x32xf32>
    %logistic3A_68 = arith.divf %logistic3A_66, %logistic3A_67 : vector<2528x32xf32>
    %mul3A_69 = arith.mulf %tanh3A, %logistic3A_62 : vector<2528x32xf32>
    %tanh3A_70 = math.tanh %mul3A_69 : vector<2528x32xf32>
    %mul3A_71 = arith.mulf %logistic3A_68, %tanh3A_70 : vector<2528x32xf32>
    %dot_general3A_72 = arith.constant dense<0.000000e+00> : vector<2528x128xf32>
    %dot_general3A_73 = tpu.matmul %max3A_25, %get3A_42, %dot_general3A_72 {dimension_numbers = #tpu.dot_dimension_numbers<[1], [0], [0], [1], [0, 0, 1, 1], [], []>, transpose_lhs_hint = false} : vector<2528x16xf32>, vector<16x128xf32>, vector<2528x128xf32> -> vector<2528x128xf32>
    %add3A_74 = vector.broadcast %add3A_32 : vector<1x128xf32> to vector<2528x128xf32>
    %add3A_75 = arith.addf %dot_general3A_73, %add3A_74 : vector<2528x128xf32>
    %dot_general3A_76 = arith.constant dense<0.000000e+00> : vector<2528x128xf32>
    %dot_general3A_77 = tpu.matmul %mul3A_71, %get3A_45, %dot_general3A_76 {dimension_numbers = #tpu.dot_dimension_numbers<[1], [0], [0], [1], [0, 0, 1, 1], [], []>, transpose_lhs_hint = false} : vector<2528x32xf32>, vector<32x128xf32>, vector<2528x128xf32> -> vector<2528x128xf32>
    %add3A_78 = arith.addf %add3A_75, %dot_general3A_77 : vector<2528x128xf32>
    %split3A_79 = vector.extract_strided_slice %add3A_78 {offsets = [0, 0], sizes = [2528, 32], strides = [1, 1]} : vector<2528x128xf32> to vector<2528x32xf32>
    %split3A_80 = vector.extract_strided_slice %add3A_78 {offsets = [0, 32], sizes = [2528, 32], strides = [1, 1]} : vector<2528x128xf32> to vector<2528x32xf32>
    %split3A_81 = vector.extract_strided_slice %add3A_78 {offsets = [0, 64], sizes = [2528, 32], strides = [1, 1]} : vector<2528x128xf32> to vector<2528x32xf32>
    %split3A_82 = vector.extract_strided_slice %add3A_78 {offsets = [0, 96], sizes = [2528, 32], strides = [1, 1]} : vector<2528x128xf32> to vector<2528x32xf32>
    %logistic3A_83 = arith.negf %split3A_79 : vector<2528x32xf32>
    %logistic3A_84 = math.exp %logistic3A_83 : vector<2528x32xf32>
    %logistic3A_85 = arith.constant 1.000000e+00 : f32
    %logistic3A_86 = vector.broadcast %logistic3A_85 : f32 to vector<2528x32xf32>
    %logistic3A_87 = arith.addf %logistic3A_86, %logistic3A_84 : vector<2528x32xf32>
    %logistic3A_88 = arith.divf %logistic3A_86, %logistic3A_87 : vector<2528x32xf32>
    %logistic3A_89 = arith.negf %split3A_80 : vector<2528x32xf32>
    %logistic3A_90 = math.exp %logistic3A_89 : vector<2528x32xf32>
    %logistic3A_91 = arith.constant 1.000000e+00 : f32
    %logistic3A_92 = vector.broadcast %logistic3A_91 : f32 to vector<2528x32xf32>
    %logistic3A_93 = arith.addf %logistic3A_92, %logistic3A_90 : vector<2528x32xf32>
    %logistic3A_94 = arith.divf %logistic3A_92, %logistic3A_93 : vector<2528x32xf32>
    %tanh3A_95 = math.tanh %split3A_81 : vector<2528x32xf32>
    %logistic3A_96 = arith.negf %split3A_82 : vector<2528x32xf32>
    %logistic3A_97 = math.exp %logistic3A_96 : vector<2528x32xf32>
    %logistic3A_98 = arith.constant 1.000000e+00 : f32
    %logistic3A_99 = vector.broadcast %logistic3A_98 : f32 to vector<2528x32xf32>
    %logistic3A_100 = arith.addf %logistic3A_99, %logistic3A_97 : vector<2528x32xf32>
    %logistic3A_101 = arith.divf %logistic3A_99, %logistic3A_100 : vector<2528x32xf32>
    %mul3A_102 = arith.mulf %logistic3A_94, %mul3A_69 : vector<2528x32xf32>
    %mul3A_103 = arith.mulf %logistic3A_88, %tanh3A_95 : vector<2528x32xf32>
    %add3A_104 = arith.addf %mul3A_102, %mul3A_103 : vector<2528x32xf32>
    %tanh3A_105 = math.tanh %add3A_104 : vector<2528x32xf32>
    %mul3A_106 = arith.mulf %logistic3A_101, %tanh3A_105 : vector<2528x32xf32>
    %dot_general3A_107 = arith.constant dense<0.000000e+00> : vector<2528x128xf32>
    %dot_general3A_108 = tpu.matmul %max3A_25, %get3A_48, %dot_general3A_107 {dimension_numbers = #tpu.dot_dimension_numbers<[1], [0], [0], [1], [0, 0, 1, 1], [], []>, transpose_lhs_hint = false} : vector<2528x16xf32>, vector<16x128xf32>, vector<2528x128xf32> -> vector<2528x128xf32>
    %add3A_109 = vector.broadcast %add3A_39 : vector<1x128xf32> to vector<2528x128xf32>
    %add3A_110 = arith.addf %dot_general3A_108, %add3A_109 : vector<2528x128xf32>
    %split3A_111 = vector.extract_strided_slice %add3A_110 {offsets = [0, 0], sizes = [2528, 32], strides = [1, 1]} : vector<2528x128xf32> to vector<2528x32xf32>
    %split3A_112 = vector.extract_strided_slice %add3A_110 {offsets = [0, 32], sizes = [2528, 32], strides = [1, 1]} : vector<2528x128xf32> to vector<2528x32xf32>
    %split3A_113 = vector.extract_strided_slice %add3A_110 {offsets = [0, 64], sizes = [2528, 32], strides = [1, 1]} : vector<2528x128xf32> to vector<2528x32xf32>
    %split3A_114 = vector.extract_strided_slice %add3A_110 {offsets = [0, 96], sizes = [2528, 32], strides = [1, 1]} : vector<2528x128xf32> to vector<2528x32xf32>
    %logistic3A_115 = arith.negf %split3A_111 : vector<2528x32xf32>
    %logistic3A_116 = math.exp %logistic3A_115 : vector<2528x32xf32>
    %logistic3A_117 = arith.constant 1.000000e+00 : f32
    %logistic3A_118 = vector.broadcast %logistic3A_117 : f32 to vector<2528x32xf32>
    %logistic3A_119 = arith.addf %logistic3A_118, %logistic3A_116 : vector<2528x32xf32>
    %logistic3A_120 = arith.divf %logistic3A_118, %logistic3A_119 : vector<2528x32xf32>
    %tanh3A_121 = math.tanh %split3A_113 : vector<2528x32xf32>
    %logistic3A_122 = arith.negf %split3A_114 : vector<2528x32xf32>
    %logistic3A_123 = math.exp %logistic3A_122 : vector<2528x32xf32>
    %logistic3A_124 = arith.constant 1.000000e+00 : f32
    %logistic3A_125 = vector.broadcast %logistic3A_124 : f32 to vector<2528x32xf32>
    %logistic3A_126 = arith.addf %logistic3A_125, %logistic3A_123 : vector<2528x32xf32>
    %logistic3A_127 = arith.divf %logistic3A_125, %logistic3A_126 : vector<2528x32xf32>
    %mul3A_128 = arith.mulf %tanh3A_121, %logistic3A_120 : vector<2528x32xf32>
    %tanh3A_129 = math.tanh %mul3A_128 : vector<2528x32xf32>
    %mul3A_130 = arith.mulf %logistic3A_127, %tanh3A_129 : vector<2528x32xf32>
    %dot_general3A_131 = arith.constant dense<0.000000e+00> : vector<2528x128xf32>
    %dot_general3A_132 = tpu.matmul %get3A_4, %get3A_48, %dot_general3A_131 {dimension_numbers = #tpu.dot_dimension_numbers<[1], [0], [0], [1], [0, 0, 1, 1], [], []>, transpose_lhs_hint = false} : vector<2528x16xf32>, vector<16x128xf32>, vector<2528x128xf32> -> vector<2528x128xf32>
    %add3A_133 = vector.broadcast %add3A_39 : vector<1x128xf32> to vector<2528x128xf32>
    %add3A_134 = arith.addf %dot_general3A_132, %add3A_133 : vector<2528x128xf32>
    %dot_general3A_135 = arith.constant dense<0.000000e+00> : vector<2528x128xf32>
    %dot_general3A_136 = tpu.matmul %mul3A_130, %get3A_51, %dot_general3A_135 {dimension_numbers = #tpu.dot_dimension_numbers<[1], [0], [0], [1], [0, 0, 1, 1], [], []>, transpose_lhs_hint = false} : vector<2528x32xf32>, vector<32x128xf32>, vector<2528x128xf32> -> vector<2528x128xf32>
    %add3A_137 = arith.addf %add3A_134, %dot_general3A_136 : vector<2528x128xf32>
    %split3A_138 = vector.extract_strided_slice %add3A_137 {offsets = [0, 0], sizes = [2528, 32], strides = [1, 1]} : vector<2528x128xf32> to vector<2528x32xf32>
    %split3A_139 = vector.extract_strided_slice %add3A_137 {offsets = [0, 32], sizes = [2528, 32], strides = [1, 1]} : vector<2528x128xf32> to vector<2528x32xf32>
    %split3A_140 = vector.extract_strided_slice %add3A_137 {offsets = [0, 64], sizes = [2528, 32], strides = [1, 1]} : vector<2528x128xf32> to vector<2528x32xf32>
    %split3A_141 = vector.extract_strided_slice %add3A_137 {offsets = [0, 96], sizes = [2528, 32], strides = [1, 1]} : vector<2528x128xf32> to vector<2528x32xf32>
    %logistic3A_142 = arith.negf %split3A_138 : vector<2528x32xf32>
    %logistic3A_143 = math.exp %logistic3A_142 : vector<2528x32xf32>
    %logistic3A_144 = arith.constant 1.000000e+00 : f32
    %logistic3A_145 = vector.broadcast %logistic3A_144 : f32 to vector<2528x32xf32>
    %logistic3A_146 = arith.addf %logistic3A_145, %logistic3A_143 : vector<2528x32xf32>
    %logistic3A_147 = arith.divf %logistic3A_145, %logistic3A_146 : vector<2528x32xf32>
    %logistic3A_148 = arith.negf %split3A_139 : vector<2528x32xf32>
    %logistic3A_149 = math.exp %logistic3A_148 : vector<2528x32xf32>
    %logistic3A_150 = arith.constant 1.000000e+00 : f32
    %logistic3A_151 = vector.broadcast %logistic3A_150 : f32 to vector<2528x32xf32>
    %logistic3A_152 = arith.addf %logistic3A_151, %logistic3A_149 : vector<2528x32xf32>
    %logistic3A_153 = arith.divf %logistic3A_151, %logistic3A_152 : vector<2528x32xf32>
    %tanh3A_154 = math.tanh %split3A_140 : vector<2528x32xf32>
    %logistic3A_155 = arith.negf %split3A_141 : vector<2528x32xf32>
    %logistic3A_156 = math.exp %logistic3A_155 : vector<2528x32xf32>
    %logistic3A_157 = arith.constant 1.000000e+00 : f32
    %logistic3A_158 = vector.broadcast %logistic3A_157 : f32 to vector<2528x32xf32>
    %logistic3A_159 = arith.addf %logistic3A_158, %logistic3A_156 : vector<2528x32xf32>
    %logistic3A_160 = arith.divf %logistic3A_158, %logistic3A_159 : vector<2528x32xf32>
    %mul3A_161 = arith.mulf %logistic3A_153, %mul3A_128 : vector<2528x32xf32>
    %mul3A_162 = arith.mulf %logistic3A_147, %tanh3A_154 : vector<2528x32xf32>
    %add3A_163 = arith.addf %mul3A_161, %mul3A_162 : vector<2528x32xf32>
    %tanh3A_164 = math.tanh %add3A_163 : vector<2528x32xf32>
    %mul3A_165 = arith.mulf %logistic3A_160, %tanh3A_164 : vector<2528x32xf32>
    %get3A_166 = arith.constant 0 : index
    %get3A_167 = arith.constant 0 : index
    %get3A_168 = vector.load %arg14[%get3A_166, %get3A_167] : memref<1x64xf32, #tpu.memory_space<vmem>>, vector<1x64xf32>
    %slice3A = vector.extract_strided_slice %get3A_168 {offsets = [0, 0], sizes = [1, 32], strides = [1, 1]} : vector<1x64xf32> to vector<1x32xf32>
    %slice3A_169 = vector.extract_strided_slice %get3A_168 {offsets = [0, 32], sizes = [1, 32], strides = [1, 1]} : vector<1x64xf32> to vector<1x32xf32>
    %get3A_170 = arith.constant 0 : index
    %get3A_171 = arith.constant 0 : index
    %get3A_172 = vector.load %arg15[%get3A_170, %get3A_171] : memref<1x1xf32, #tpu.memory_space<vmem>>, vector<1x1xf32>
    %mul3A_173 = vector.broadcast %slice3A : vector<1x32xf32> to vector<2528x32xf32>
    %mul3A_174 = arith.mulf %mul3A_71, %mul3A_173 : vector<2528x32xf32>
    %reduce_sum3A = arith.constant dense<0.000000e+00> : vector<2528xf32>
    %reduce_sum3A_175 = vector.multi_reduction <add>, %mul3A_174, %reduce_sum3A [1] : vector<2528x32xf32> to vector<2528xf32>
    %broadcast_in_dim3A = vector.shape_cast %reduce_sum3A_175 : vector<2528xf32> to vector<2528x1xf32>
    %mul3A_176 = vector.broadcast %slice3A_169 : vector<1x32xf32> to vector<2528x32xf32>
    %mul3A_177 = arith.mulf %mul3A_165, %mul3A_176 : vector<2528x32xf32>
    %reduce_sum3A_178 = arith.constant dense<0.000000e+00> : vector<2528xf32>
    %reduce_sum3A_179 = vector.multi_reduction <add>, %mul3A_177, %reduce_sum3A_178 [1] : vector<2528x32xf32> to vector<2528xf32>
    %broadcast_in_dim3A_180 = vector.shape_cast %reduce_sum3A_179 : vector<2528xf32> to vector<2528x1xf32>
    %add3A_181 = arith.addf %broadcast_in_dim3A, %broadcast_in_dim3A_180 : vector<2528x1xf32>
    %add3A_182 = vector.broadcast %get3A_172 : vector<1x1xf32> to vector<2528x1xf32>
    %add3A_183 = arith.addf %add3A_181, %add3A_182 : vector<2528x1xf32>
    %mul3A_184 = vector.broadcast %slice3A : vector<1x32xf32> to vector<2528x32xf32>
    %mul3A_185 = arith.mulf %mul3A_106, %mul3A_184 : vector<2528x32xf32>
    %reduce_sum3A_186 = arith.constant dense<0.000000e+00> : vector<2528xf32>
    %reduce_sum3A_187 = vector.multi_reduction <add>, %mul3A_185, %reduce_sum3A_186 [1] : vector<2528x32xf32> to vector<2528xf32>
    %broadcast_in_dim3A_188 = vector.shape_cast %reduce_sum3A_187 : vector<2528xf32> to vector<2528x1xf32>
    %mul3A_189 = vector.broadcast %slice3A_169 : vector<1x32xf32> to vector<2528x32xf32>
    %mul3A_190 = arith.mulf %mul3A_130, %mul3A_189 : vector<2528x32xf32>
    %reduce_sum3A_191 = arith.constant dense<0.000000e+00> : vector<2528xf32>
    %reduce_sum3A_192 = vector.multi_reduction <add>, %mul3A_190, %reduce_sum3A_191 [1] : vector<2528x32xf32> to vector<2528xf32>
    %broadcast_in_dim3A_193 = vector.shape_cast %reduce_sum3A_192 : vector<2528xf32> to vector<2528x1xf32>
    %add3A_194 = arith.addf %broadcast_in_dim3A_188, %broadcast_in_dim3A_193 : vector<2528x1xf32>
    %add3A_195 = vector.broadcast %get3A_172 : vector<1x1xf32> to vector<2528x1xf32>
    %add3A_196 = arith.addf %add3A_194, %add3A_195 : vector<2528x1xf32>
    %max3A_197 = arith.maximumf %add3A_183, %add3A_196 : vector<2528x1xf32>
    %sub3A = arith.subf %add3A_183, %max3A_197 : vector<2528x1xf32>
    %exp3A = math.exp %sub3A : vector<2528x1xf32>
    %sub3A_198 = arith.subf %add3A_196, %max3A_197 : vector<2528x1xf32>
    %exp3A_199 = math.exp %sub3A_198 : vector<2528x1xf32>
    %mul3A_200 = vector.broadcast %exp3A : vector<2528x1xf32> to vector<2528x16xf32>
    %mul3A_201 = arith.mulf %mul3A_200, %get3A_4 : vector<2528x16xf32>
    %mul3A_202 = vector.broadcast %exp3A_199 : vector<2528x1xf32> to vector<2528x16xf32>
    %mul3A_203 = arith.mulf %mul3A_202, %max3A_25 : vector<2528x16xf32>
    %add3A_204 = arith.addf %mul3A_201, %mul3A_203 : vector<2528x16xf32>
    %add3A_205 = arith.addf %exp3A, %exp3A_199 : vector<2528x1xf32>
    %div3A = vector.broadcast %add3A_205 : vector<2528x1xf32> to vector<2528x16xf32>
    %div3A_206 = arith.divf %add3A_204, %div3A : vector<2528x16xf32>
    %mul3A_207 = arith.mulf %div3A_206, %get3A_1 : vector<2528x16xf32>
    %swap3A = arith.constant 0 : index
    %swap3A_208 = arith.constant 0 : index
    %swap3A_209 = vector.load %arg16[%swap3A, %swap3A_208] : memref<2528x16xf32, #tpu.memory_space<vmem>>, vector<2528x16xf32>
    tpu.vector_store %arg16[%swap3A, %swap3A_208], %mul3A_207 {strides = array<i32>} : memref<2528x16xf32, #tpu.memory_space<vmem>>, vector<2528x16xf32>,
    return
  }
  func.func @transform_0(%arg0: i32) -> (i32, i32, i32) {
    %c0_i32 = arith.constant 0 : i32
    %c0_i32_0 = arith.constant 0 : i32
    %c0_i32_1 = arith.constant 0 : i32
    return %c0_i32, %arg0, %c0_i32_0 : i32, i32, i32
  }
  func.func @transform_1(%arg0: i32) -> (i32, i32) {
    %c0_i32 = arith.constant 0 : i32
    %c0_i32_0 = arith.constant 0 : i32
    return %arg0, %c0_i32 : i32, i32
  }
  func.func @transform_2(%arg0: i32) -> (i32, i32) {
    %c0_i32 = arith.constant 0 : i32
    %c0_i32_0 = arith.constant 0 : i32
    return %arg0, %c0_i32 : i32, i32
  }
  func.func @transform_3(%arg0: i32) -> (i32, i32) {
    %c0_i32 = arith.constant 0 : i32
    %c0_i32_0 = arith.constant 0 : i32
    %c0_i32_1 = arith.constant 0 : i32
    return %c0_i32, %c0_i32_0 : i32, i32
  }
  func.func @transform_4(%arg0: i32) -> (i32, i32) {
    %c0_i32 = arith.constant 0 : i32
    %c0_i32_0 = arith.constant 0 : i32
    return %arg0, %c0_i32 : i32, i32
  }
  func.func @transform_5(%arg0: i32) -> (i32, i32) {
    %c0_i32 = arith.constant 0 : i32
    %c0_i32_0 = arith.constant 0 : i32
    %c0_i32_1 = arith.constant 0 : i32
    return %c0_i32, %c0_i32_0 : i32, i32
  }
  func.func @transform_6(%arg0: i32) -> (i32, i32) {
    %c0_i32 = arith.constant 0 : i32
    %c0_i32_0 = arith.constant 0 : i32
    %c0_i32_1 = arith.constant 0 : i32
    return %c0_i32, %c0_i32_0 : i32, i32
  }
  func.func @transform_7(%arg0: i32) -> (i32, i32) {
    %c0_i32 = arith.constant 0 : i32
    %c0_i32_0 = arith.constant 0 : i32
    %c0_i32_1 = arith.constant 0 : i32
    return %c0_i32, %c0_i32_0 : i32, i32
  }
  func.func @transform_8(%arg0: i32) -> (i32, i32) {
    %c0_i32 = arith.constant 0 : i32
    %c0_i32_0 = arith.constant 0 : i32
    %c0_i32_1 = arith.constant 0 : i32
    return %c0_i32, %c0_i32_0 : i32, i32
  }
  func.func @transform_9(%arg0: i32) -> (i32, i32) {
    %c0_i32 = arith.constant 0 : i32
    %c0_i32_0 = arith.constant 0 : i32
    %c0_i32_1 = arith.constant 0 : i32
    return %c0_i32, %c0_i32_0 : i32, i32
  }
  func.func @transform_10(%arg0: i32) -> (i32, i32) {
    %c0_i32 = arith.constant 0 : i32
    %c0_i32_0 = arith.constant 0 : i32
    %c0_i32_1 = arith.constant 0 : i32
    return %c0_i32, %c0_i32_0 : i32, i32
  }
  func.func @transform_11(%arg0: i32) -> (i32, i32) {
    %c0_i32 = arith.constant 0 : i32
    %c0_i32_0 = arith.constant 0 : i32
    %c0_i32_1 = arith.constant 0 : i32
    return %c0_i32, %c0_i32_0 : i32, i32
  }
  func.func @transform_12(%arg0: i32) -> (i32, i32) {
    %c0_i32 = arith.constant 0 : i32
    %c0_i32_0 = arith.constant 0 : i32
    %c0_i32_1 = arith.constant 0 : i32
    return %c0_i32, %c0_i32_0 : i32, i32
  }
  func.func @transform_13(%arg0: i32) -> (i32, i32) {
    %c0_i32 = arith.constant 0 : i32
    %c0_i32_0 = arith.constant 0 : i32
    %c0_i32_1 = arith.constant 0 : i32
    return %c0_i32, %c0_i32_0 : i32, i32
  }
  func.func @transform_14(%arg0: i32) -> (i32, i32) {
    %c0_i32 = arith.constant 0 : i32
    %c0_i32_0 = arith.constant 0 : i32
    %c0_i32_1 = arith.constant 0 : i32
    return %c0_i32, %c0_i32_0 : i32, i32
  }
  func.func @transform_15(%arg0: i32) -> (i32, i32) {
    %c0_i32 = arith.constant 0 : i32
    %c0_i32_0 = arith.constant 0 : i32
    return %arg0, %c0_i32 : i32, i32
  }
}

module attributes {stable_mosaic.version = 14 : i64} {
  func.func @_tc_b_body(%arg0: i32, %arg1: memref<2x2528x16xf32, #tpu.memory_space<vmem>>, %arg2: memref<2528x16xf32, #tpu.memory_space<vmem>>, %arg3: memref<2528x16xf32, #tpu.memory_space<vmem>>, %arg4: memref<1x16xf32, #tpu.memory_space<vmem>>, %arg5: memref<16x16xf32, #tpu.memory_space<vmem>>, %arg6: memref<2528x16xf32, #tpu.memory_space<vmem>>, %arg7: memref<2528x16xf32, #tpu.memory_space<vmem>>) attributes {dimension_semantics = [#tpu.dimension_semantics<arbitrary>], iteration_bounds = array<i64: 4>, scalar_prefetch = 0 : i64, scratch_operands = 0 : i64, tpu.core_type = #tpu.core_type<tc>, window_params = [{transform_indices = @transform_0, window_bounds = array<i64: 2, 2528, 16>}, {transform_indices = @transform_1, window_bounds = array<i64: 2528, 16>}, {transform_indices = @transform_2, window_bounds = array<i64: 2528, 16>}, {pipeline_mode = #tpu.pipeline_mode<synchronous>, transform_indices = @transform_3, window_bounds = array<i64: 1, 16>}, {pipeline_mode = #tpu.pipeline_mode<synchronous>, transform_indices = @transform_4, window_bounds = array<i64: 16, 16>}, {transform_indices = @transform_5, window_bounds = array<i64: 2528, 16>}, {transform_indices = @transform_6, window_bounds = array<i64: 2528, 16>}]} {
    %get3A = arith.constant 0 : index
    %get3A_0 = arith.constant 0 : index
    %get3A_1 = vector.load %arg3[%get3A, %get3A_0] : memref<2528x16xf32, #tpu.memory_space<vmem>>, vector<2528x16xf32>
    %get3A_2 = arith.constant 0 : index
    %get3A_3 = arith.constant 0 : index
    %get3A_4 = arith.constant 0 : index
    %get3A_5 = vector.load %arg1[%get3A_2, %get3A_3, %get3A_4] : memref<2x2528x16xf32, #tpu.memory_space<vmem>>, vector<1x2528x16xf32>
    %get3A_6 = vector.shape_cast %get3A_5 : vector<1x2528x16xf32> to vector<2528x16xf32>
    %get3A_7 = arith.constant 1 : index
    %get3A_8 = arith.constant 0 : index
    %get3A_9 = arith.constant 0 : index
    %get3A_10 = vector.load %arg1[%get3A_7, %get3A_8, %get3A_9] : memref<2x2528x16xf32, #tpu.memory_space<vmem>>, vector<1x2528x16xf32>
    %get3A_11 = vector.shape_cast %get3A_10 : vector<1x2528x16xf32> to vector<2528x16xf32>
    %add3A = arith.addf %get3A_6, %get3A_11 : vector<2528x16xf32>
    %get3A_12 = arith.constant 0 : index
    %get3A_13 = arith.constant 0 : index
    %get3A_14 = vector.load %arg2[%get3A_12, %get3A_13] : memref<2528x16xf32, #tpu.memory_space<vmem>>, vector<2528x16xf32>
    %add3A_15 = arith.addf %add3A, %get3A_14 : vector<2528x16xf32>
    %mul3A = arith.mulf %add3A_15, %get3A_1 : vector<2528x16xf32>
    %get3A_16 = arith.constant 0 : index
    %get3A_17 = arith.constant 0 : index
    %get3A_18 = vector.load %arg4[%get3A_16, %get3A_17] : memref<1x16xf32, #tpu.memory_space<vmem>>, vector<1x16xf32>
    %add3A_19 = vector.broadcast %get3A_18 : vector<1x16xf32> to vector<2528x16xf32>
    %add3A_20 = arith.addf %mul3A, %add3A_19 : vector<2528x16xf32>
    %max3A = arith.constant 0.000000e+00 : f32
    %max3A_21 = vector.broadcast %max3A : f32 to vector<2528x16xf32>
    %max3A_22 = arith.maximumf %add3A_20, %max3A_21 : vector<2528x16xf32>
    %get3A_23 = arith.constant 0 : index
    %get3A_24 = arith.constant 0 : index
    %get3A_25 = vector.load %arg5[%get3A_23, %get3A_24] : memref<16x16xf32, #tpu.memory_space<vmem>>, vector<16x16xf32>
    %dot_general3A = arith.constant dense<0.000000e+00> : vector<2528x16xf32>
    %dot_general3A_26 = tpu.matmul %max3A_22, %get3A_25, %dot_general3A {dimension_numbers = #tpu.dot_dimension_numbers<[1], [0], [0], [1], [0, 0, 1, 1], [], []>, transpose_lhs_hint = false} : vector<2528x16xf32>, vector<16x16xf32>, vector<2528x16xf32> -> vector<2528x16xf32>
    %swap3A = arith.constant 0 : index
    %swap3A_27 = arith.constant 0 : index
    %swap3A_28 = vector.load %arg6[%swap3A, %swap3A_27] : memref<2528x16xf32, #tpu.memory_space<vmem>>, vector<2528x16xf32>
    tpu.vector_store %arg6[%swap3A, %swap3A_27], %max3A_22 {strides = array<i32>} : memref<2528x16xf32, #tpu.memory_space<vmem>>, vector<2528x16xf32>,
    %mul3A_29 = arith.mulf %dot_general3A_26, %get3A_1 : vector<2528x16xf32>
    %swap3A_30 = arith.constant 0 : index
    %swap3A_31 = arith.constant 0 : index
    %swap3A_32 = vector.load %arg7[%swap3A_30, %swap3A_31] : memref<2528x16xf32, #tpu.memory_space<vmem>>, vector<2528x16xf32>
    tpu.vector_store %arg7[%swap3A_30, %swap3A_31], %mul3A_29 {strides = array<i32>} : memref<2528x16xf32, #tpu.memory_space<vmem>>, vector<2528x16xf32>,
    return
  }
  func.func @transform_0(%arg0: i32) -> (i32, i32, i32) {
    %c0_i32 = arith.constant 0 : i32
    %c0_i32_0 = arith.constant 0 : i32
    %c0_i32_1 = arith.constant 0 : i32
    return %c0_i32, %arg0, %c0_i32_0 : i32, i32, i32
  }
  func.func @transform_1(%arg0: i32) -> (i32, i32) {
    %c0_i32 = arith.constant 0 : i32
    %c0_i32_0 = arith.constant 0 : i32
    return %arg0, %c0_i32 : i32, i32
  }
  func.func @transform_2(%arg0: i32) -> (i32, i32) {
    %c0_i32 = arith.constant 0 : i32
    %c0_i32_0 = arith.constant 0 : i32
    return %arg0, %c0_i32 : i32, i32
  }
  func.func @transform_3(%arg0: i32) -> (i32, i32) {
    %c0_i32 = arith.constant 0 : i32
    %c0_i32_0 = arith.constant 0 : i32
    %c0_i32_1 = arith.constant 0 : i32
    return %c0_i32, %c0_i32_0 : i32, i32
  }
  func.func @transform_4(%arg0: i32) -> (i32, i32) {
    %c0_i32 = arith.constant 0 : i32
    %c0_i32_0 = arith.constant 0 : i32
    %c0_i32_1 = arith.constant 0 : i32
    return %c0_i32, %c0_i32_0 : i32, i32
  }
  func.func @transform_5(%arg0: i32) -> (i32, i32) {
    %c0_i32 = arith.constant 0 : i32
    %c0_i32_0 = arith.constant 0 : i32
    return %arg0, %c0_i32 : i32, i32
  }
  func.func @transform_6(%arg0: i32) -> (i32, i32) {
    %c0_i32 = arith.constant 0 : i32
    %c0_i32_0 = arith.constant 0 : i32
    return %arg0, %c0_i32 : i32, i32
  }
}

module attributes {stable_mosaic.version = 14 : i64} {
  func.func @_tc_d_body(%arg0: i32, %arg1: memref<2x2528x16xf32, #tpu.memory_space<vmem>>, %arg2: memref<2528x16xf32, #tpu.memory_space<vmem>>, %arg3: memref<2528x16xf32, #tpu.memory_space<vmem>>, %arg4: memref<16x16xf32, #tpu.memory_space<vmem>>, %arg5: memref<1x16xf32, #tpu.memory_space<vmem>>, %arg6: memref<2528x16xf32, #tpu.memory_space<vmem>>) attributes {dimension_semantics = [#tpu.dimension_semantics<arbitrary>], iteration_bounds = array<i64: 4>, scalar_prefetch = 0 : i64, scratch_operands = 0 : i64, tpu.core_type = #tpu.core_type<tc>, window_params = [{transform_indices = @transform_0, window_bounds = array<i64: 2, 2528, 16>}, {transform_indices = @transform_1, window_bounds = array<i64: 2528, 16>}, {transform_indices = @transform_2, window_bounds = array<i64: 2528, 16>}, {pipeline_mode = #tpu.pipeline_mode<synchronous>, transform_indices = @transform_3, window_bounds = array<i64: 16, 16>}, {pipeline_mode = #tpu.pipeline_mode<synchronous>, transform_indices = @transform_4, window_bounds = array<i64: 1, 16>}, {transform_indices = @transform_5, window_bounds = array<i64: 2528, 16>}]} {
    %get3A = arith.constant 0 : index
    %get3A_0 = arith.constant 0 : index
    %get3A_1 = arith.constant 0 : index
    %get3A_2 = vector.load %arg1[%get3A, %get3A_0, %get3A_1] : memref<2x2528x16xf32, #tpu.memory_space<vmem>>, vector<1x2528x16xf32>
    %get3A_3 = vector.shape_cast %get3A_2 : vector<1x2528x16xf32> to vector<2528x16xf32>
    %get3A_4 = arith.constant 1 : index
    %get3A_5 = arith.constant 0 : index
    %get3A_6 = arith.constant 0 : index
    %get3A_7 = vector.load %arg1[%get3A_4, %get3A_5, %get3A_6] : memref<2x2528x16xf32, #tpu.memory_space<vmem>>, vector<1x2528x16xf32>
    %get3A_8 = vector.shape_cast %get3A_7 : vector<1x2528x16xf32> to vector<2528x16xf32>
    %add3A = arith.addf %get3A_3, %get3A_8 : vector<2528x16xf32>
    %get3A_9 = arith.constant 0 : index
    %get3A_10 = arith.constant 0 : index
    %get3A_11 = vector.load %arg2[%get3A_9, %get3A_10] : memref<2528x16xf32, #tpu.memory_space<vmem>>, vector<2528x16xf32>
    %add3A_12 = arith.addf %add3A, %get3A_11 : vector<2528x16xf32>
    %get3A_13 = arith.constant 0 : index
    %get3A_14 = arith.constant 0 : index
    %get3A_15 = vector.load %arg3[%get3A_13, %get3A_14] : memref<2528x16xf32, #tpu.memory_space<vmem>>, vector<2528x16xf32>
    %mul3A = arith.mulf %add3A_12, %get3A_15 : vector<2528x16xf32>
    %get3A_16 = arith.constant 0 : index
    %get3A_17 = arith.constant 0 : index
    %get3A_18 = vector.load %arg4[%get3A_16, %get3A_17] : memref<16x16xf32, #tpu.memory_space<vmem>>, vector<16x16xf32>
    %dot_general3A = arith.constant dense<0.000000e+00> : vector<2528x16xf32>
    %dot_general3A_19 = tpu.matmul %mul3A, %get3A_18, %dot_general3A {dimension_numbers = #tpu.dot_dimension_numbers<[1], [0], [0], [1], [0, 0, 1, 1], [], []>, transpose_lhs_hint = false} : vector<2528x16xf32>, vector<16x16xf32>, vector<2528x16xf32> -> vector<2528x16xf32>
    %get3A_20 = arith.constant 0 : index
    %get3A_21 = arith.constant 0 : index
    %get3A_22 = vector.load %arg5[%get3A_20, %get3A_21] : memref<1x16xf32, #tpu.memory_space<vmem>>, vector<1x16xf32>
    %add3A_23 = vector.broadcast %get3A_22 : vector<1x16xf32> to vector<2528x16xf32>
    %add3A_24 = arith.addf %dot_general3A_19, %add3A_23 : vector<2528x16xf32>
    %reduce_max3A = arith.constant dense<0xFF800000> : vector<2528xf32>
    %reduce_max3A_25 = vector.multi_reduction <maximumf>, %add3A_24, %reduce_max3A [1] : vector<2528x16xf32> to vector<2528xf32>
    %broadcast_in_dim3A = vector.shape_cast %reduce_max3A_25 : vector<2528xf32> to vector<2528x1xf32>
    %sub3A = vector.broadcast %broadcast_in_dim3A : vector<2528x1xf32> to vector<2528x16xf32>
    %sub3A_26 = arith.subf %add3A_24, %sub3A : vector<2528x16xf32>
    %exp3A = math.exp %sub3A_26 : vector<2528x16xf32>
    %reduce_sum3A = arith.constant dense<0.000000e+00> : vector<2528xf32>
    %reduce_sum3A_27 = vector.multi_reduction <add>, %exp3A, %reduce_sum3A [1] : vector<2528x16xf32> to vector<2528xf32>
    %broadcast_in_dim3A_28 = vector.shape_cast %reduce_sum3A_27 : vector<2528xf32> to vector<2528x1xf32>
    %log3A = math.log %broadcast_in_dim3A_28 : vector<2528x1xf32>
    %sub3A_29 = vector.broadcast %log3A : vector<2528x1xf32> to vector<2528x16xf32>
    %sub3A_30 = arith.subf %sub3A_26, %sub3A_29 : vector<2528x16xf32>
    %swap3A = arith.constant 0 : index
    %swap3A_31 = arith.constant 0 : index
    %swap3A_32 = vector.load %arg6[%swap3A, %swap3A_31] : memref<2528x16xf32, #tpu.memory_space<vmem>>, vector<2528x16xf32>
    tpu.vector_store %arg6[%swap3A, %swap3A_31], %sub3A_30 {strides = array<i32>} : memref<2528x16xf32, #tpu.memory_space<vmem>>, vector<2528x16xf32>,
    return
  }
  func.func @transform_0(%arg0: i32) -> (i32, i32, i32) {
    %c0_i32 = arith.constant 0 : i32
    %c0_i32_0 = arith.constant 0 : i32
    %c0_i32_1 = arith.constant 0 : i32
    return %c0_i32, %arg0, %c0_i32_0 : i32, i32, i32
  }
  func.func @transform_1(%arg0: i32) -> (i32, i32) {
    %c0_i32 = arith.constant 0 : i32
    %c0_i32_0 = arith.constant 0 : i32
    return %arg0, %c0_i32 : i32, i32
  }
  func.func @transform_2(%arg0: i32) -> (i32, i32) {
    %c0_i32 = arith.constant 0 : i32
    %c0_i32_0 = arith.constant 0 : i32
    return %arg0, %c0_i32 : i32, i32
  }
  func.func @transform_3(%arg0: i32) -> (i32, i32) {
    %c0_i32 = arith.constant 0 : i32
    %c0_i32_0 = arith.constant 0 : i32
    %c0_i32_1 = arith.constant 0 : i32
    return %c0_i32, %c0_i32_0 : i32, i32
  }
  func.func @transform_4(%arg0: i32) -> (i32, i32) {
    %c0_i32 = arith.constant 0 : i32
    %c0_i32_0 = arith.constant 0 : i32
    %c0_i32_1 = arith.constant 0 : i32
    return %c0_i32, %c0_i32_0 : i32, i32
  }
  func.func @transform_5(%arg0: i32) -> (i32, i32) {
    %c0_i32 = arith.constant 0 : i32
    %c0_i32_0 = arith.constant 0 : i32
    return %arg0, %c0_i32 : i32, i32
  }
}

</mosaic_0001>

<sc_bundles>
// kernel: kernel.10.cloned.1.call-start
scs
__scs_entry_jumppad:
0x0: {  	(pc) =	sbr.rel $0x88, $3  }
0x1: {  	(tag) =	ssettag $0x0;
	lr =	simm.s32 $0x1  }
0x2: {  	[smem:$0x3F8F] =	sst lr;
	_ =	strace $0xD0000000  }
0x3: {  	_ = 	snop  }
0x4: {  	_ = 	snop  }
0x5: {  	_ = 	snop  }
0x6: {  	_ = 	snop  }
0x7: {  	_ = 	snop  }
__scs_overlays_trampoline_lowered:
0x8: {  	[smem:$0x3F9E] =	sst s0  }
0x9: {  	[smem:$0x3F9F] =	sst s1  }
0xa: {  	[smem:$0x3FA0] =	sst s2  }
0xb: {  	[smem:$0x3FA1] =	sst s3  }
0xc: {  	[smem:$0x3FA2] =	sst s4  }
0xd: {  	[smem:$0x3FA3] =	sst s5  }
0xe: {  	[smem:$0x3FA4] =	sst s6  }
0xf: {  	[smem:$0x3FA5] =	sst s7  }
0x10: {  	[smem:$0x3FA6] =	sst s8  }
0x11: {  	[smem:$0x3FA7] =	sst s9;
	s0 =	simm.s32 @!p0 $0x0  }
0x12: {  	s1 =	sld [smem:$0x3F8D];
	s0 =	simm.s32 @p0 $0x1  }
0x13: {  	[smem:$0x3FA8] =	sst s0;
	s0 =	simm.s32 @!p1 $0x0  }
0x14: {  	s2 =	sld [smem:$0x3F8C];
	s0 =	simm.s32 @p1 $0x1  }
0x15: {  	[smem:$0x3FA9] =	sst s0;
	s0 =	simm.s32 @!p2 $0x0  }
0x16: {  	s3 =	sld [smem:$0x3FDB];
	s0 =	simm.s32 @p2 $0x1  }
0x17: {  	s4 =	simm.s32 $0x1BF5;
	[smem:$0x3FAB] =	sst s0  }
0x18: {  	s0 =	sld [smem:$0x3F8E];
	_ =	swait.ge [sflag:s4], $0x0  }
0x19: {  	s7 =	sld [smem:$0x3F8F]  }
0x1a: {  	s8 =	sadd.s32 $0xFFFFE003, lr  }
0x1b: {  	s9 =	sadd.s32 $0xFFFFFEF7, lr;
	s5 =	simm.s32 $0xFFFFFFFF;
	p2 =	slt.u32 s8, $0xFFFFF086  }
0x1c: {  	p1 =	slt.u32 s9, $0xF7A;
	s5 =	simm.s32 @!p2 $0x0  }
0x1d: {  	s5 =	simm.s32 @p1 $0x1;
	p0 =	seq.s32 s7, s2  }
0x1e: {  	s7 =	smul.u32 @!p0 $0xF7A, s2;
	p2 =	seq.s32 @!p0 s5, $0x0  }
0x1f: {  	s9 =	smul.u32 $0xF7A, s1;
	s8 =	simm.s32 @!p0 $0x1BF5;
	p2 =	por !p2, p0  }
0x20: {  	[sflag:s8] =	ssyncset.s32 @!p0 $0xFFFFF086;
	s6 =	sadd.s32 @!p0 s3, s7;
	s7 =	simm.s32 @!p0 $0x108  }
0x21: {  	s3 =	sadd.s32 s3, s9;
	s6 =	sadd.s32 @!p0 $0x88, s6;
	s7 =	simm.s32 @p2 $0x1082  }
0x22: {  	[simem:s7], [sflag:s8] =	dma.local @!p0 [hbm:s6], $0xF7A  }
0x23: {  	s9 =	sor.u32 $0xD0000000, s2;
	s6 =	simm.s32 $0x108;
	_ =	swait.ge @!p0 [sflag:s8], $0x0  }
0x24: {  	s3 =	sadd.s32 $0x88, s3;
	s6 =	simm.s32 @!p1 $0x1082;
	[sflag:s4] =	ssyncset.s32 $0xFFFFF086  }
0x25: {  	[simem:s6], [sflag:s4] =	dma.local [hbm:s3], $0xF7A  }
0x26: {  	[smem:$0x3F8F] =	sst s1;
	(tag) =	ssettag s2;
	_ =	strace s9  }
0x27: {  	s1 =	sld [smem:$0x3F9F]  }
0x28: {  	s2 =	sld [smem:$0x3FA0]  }
0x29: {  	s4 =	sld [smem:$0x3FA2]  }
0x2a: {  	p0 =	seq.s32 s5, $0x0;
	s5 =	sld [smem:$0x3FA3]  }
0x2b: {  	s6 =	sld [smem:$0x3FA4]  }
0x2c: {  	s7 =	sld [smem:$0x3FA5]  }
0x2d: {  	s3 =	simm.s32 $0x108;
	s8 =	sld [smem:$0x3FA6]  }
0x2e: {  	s3 =	simm.s32 @!p0 $0x1082;
	s9 =	sld [smem:$0x3FA7]  }
0x2f: {  	lr =	sadd.s32 s0, s3;
	s0 =	sld [smem:$0x3F9E]  }
0x30: {  	s3 =	sld [smem:$0x3FA1]  }
0x31: {  	[smem:$0x3FAA] =	sst s10  }
0x32: {  	s10 =	sld [smem:$0x3FA8];
	_ =	sdelay $0x3  }
0x33: {  	p0 =	seq.s32 s10, $0x1;
	s10 =	sld [smem:$0x3FAA];
	_ =	sdelay $0x3  }
0x34: {  	[smem:$0x3FAA] =	sst s10  }
0x35: {  	s10 =	sld [smem:$0x3FA9];
	_ =	sdelay $0x3  }
0x36: {  	p1 =	seq.s32 s10, $0x1;
	s10 =	sld [smem:$0x3FAA];
	_ =	sdelay $0x3  }
0x37: {  	[smem:$0x3FAA] =	sst s10  }
0x38: {  	s10 =	sld [smem:$0x3FAB]  }
0x39: {  	_ = 	snop;
	(pc) =	sbr.ind lr, $3  }
0x3a: {  	_ = 	snop  }
0x3b: {  	_ = 	snop  }
0x3c: {  	p2 =	seq.s32 s10, $0x1;
	s10 =	sld [smem:$0x3FAA]  }
0x3d: {  	_ =	shalt  }
0x3e: {  	_ =	shalt  }
0x3f: {  	_ =	shalt  }
0x40: {  	_ =	shalt  }
0x41: {  	_ =	shalt  }
0x42: {  	_ =	shalt  }
0x43: {  	_ =	shalt  }
0x44: {  	_ =	shalt  }
0x45: {  	_ =	shalt  }
0x46: {  	_ =	shalt  }
0x47: {  	_ =	shalt  }
0x48: {  	_ =	shalt  }
0x49: {  	_ =	shalt  }
0x4a: {  	_ =	shalt  }
0x4b: {  	_ =	shalt  }
0x4c: {  	_ =	shalt  }
0x4d: {  	_ =	shalt  }
0x4e: {  	_ =	shalt  }
0x4f: {  	_ =	shalt  }
0x50: {  	_ =	shalt  }
0x51: {  	_ =	shalt  }
0x52: {  	_ =	shalt  }
0x53: {  	_ =	shalt  }
0x54: {  	_ =	shalt  }
0x55: {  	_ =	shalt  }
0x56: {  	_ =	shalt  }
0x57: {  	_ =	shalt  }
0x58: {  	_ =	shalt  }
0x59: {  	_ =	shalt  }
0x5a: {  	_ =	shalt  }
0x5b: {  	_ =	shalt  }
0x5c: {  	_ =	shalt  }
0x5d: {  	_ =	shalt  }
0x5e: {  	_ =	shalt  }
0x5f: {  	_ =	shalt  }
0x60: {  	_ =	shalt  }
0x61: {  	_ =	shalt  }
0x62: {  	_ =	shalt  }
0x63: {  	_ =	shalt  }
0x64: {  	_ =	shalt  }
0x65: {  	_ =	shalt  }
0x66: {  	_ =	shalt  }
0x67: {  	_ =	shalt  }
0x68: {  	_ =	shalt  }
0x69: {  	_ =	shalt  }
0x6a: {  	_ =	shalt  }
0x6b: {  	_ =	shalt  }
0x6c: {  	_ =	shalt  }
0x6d: {  	_ =	shalt  }
0x6e: {  	_ =	shalt  }
0x6f: {  	_ =	shalt  }
0x70: {  	_ =	shalt  }
0x71: {  	_ =	shalt  }
0x72: {  	_ =	shalt  }
0x73: {  	_ =	shalt  }
0x74: {  	_ =	shalt  }
0x75: {  	_ =	shalt  }
0x76: {  	_ =	shalt  }
0x77: {  	_ =	shalt  }
0x78: {  	_ =	shalt  }
0x79: {  	_ =	shalt  }
0x7a: {  	_ =	shalt  }
0x7b: {  	_ =	shalt  }
0x7c: {  	_ =	shalt  }
0x7d: {  	_ =	shalt  }
0x7e: {  	_ =	shalt  }
0x7f: {  	_ =	shalt  }
0x80: {  	_ =	shalt  }
0x81: {  	_ =	shalt  }
0x82: {  	_ =	shalt  }
0x83: {  	_ =	shalt  }
0x84: {  	_ =	shalt  }
0x85: {  	_ =	shalt  }
0x86: {  	_ =	shalt  }
0x87: {  	_ =	shalt  }
.Lfunc_end0:
.L_simem_size_0:
called_computation_lowered:
.L_overlay_start_0:
0x88: {  	s2 =	sld [smem:$0x3FD9]  }
0x89: {  	s3 =	sld [smem:$0x3FFE];
	_ =	sdelay $0x1  }
0x8a: {  	s1 =	srdreg.scid  }
0x8b: {  	s0 =	sand.u32 $0x1, s1  }
0x8c: {  	s17 =	sshll.u32 s0, $0xA;
	s2 =	sadd.s32 s3, s2  }
0x8d: {  	s2 =	sadd.s32 s2, s17  }
0x8e: {  	[smem:$0x3FB6] =	sst s2  }
0x8f: {  	_ = 	snop  }
0x90: {  	s2 =	sld [smem:$0x3FD0];
	(tm) =	ssettm $0x1  }
0x91: {  	s18 =	sld [smem:$0x3FFB];
	_ =	sdelay $0x3  }
0x92: {  	_ =	strace s18  }
0x93: {  	s3 =	sld [smem:$0x3FFC];
	_ =	sdelay $0x3  }
0x94: {  	_ =	strace s3  }
0x95: {  	s3 =	sld [smem:$0x3FFD];
	_ =	sdelay $0x3  }
0x96: {  	_ =	strace s3  }
0x97: {  	_ =	strace $0x8FFFFFFF  }
0x98: {  	s19 =	sld [smem:$0x3FDB];
	_ =	sdelay $0x1  }
0x99: {  	s4 =	simm.s32 $_scs_section_size  }
0x9a: {  	s5 =	simm.s32 $_size__tile_overlayer_lowered;
	s6 =	simm.s32 $_tile_overlayer_lowered  }
0x9b: {  	s22 =	simm.s32 $0x1BFF;
	s21 =	sshll.u32 s6, $0x1;
	s3 =	sadd.s32 s4, s19  }
0x9c: {  	s7 =	simm.s32 $0x0;
	s20 =	sshll.u32 s5, $0x1;
	s5 =	sadd.s32 s21, s3  }
0x9d: {  	[timem:s7], [sflag:s22] =	dma.local [hbm:s5], s20  }
0x9e: {  	_ =	swait.ge [sflag:s22], s20  }
0x9f: {  	s4 =	ssub.s32 $0x0, s20;
	[sflag:s22] =	ssyncset.done $0x0  }
0xa0: {  	[sflag:s22] =	ssyncadd.s32 s4;
	_ =	sdelay $0x1  }
0xa1: {  	s23 =	simm.s32 $0x1B8B  }
0xa2: {  	_ =	swait.ge [sflag:s23], $0x1  }
0xa3: {  	[sflag:s23] =	ssyncset.done $0x0  }
0xa4: {  	s25 =	simm.s32 $0x1B8E;
	s24 =	sld [smem:$0x3FFE];
	[sflag:s23] =	ssyncadd.s32 $0xFFFFFFFF  }
0xa5: {  	s26 =	simm.s32 $execute0_lowered;
	[smem:$0x3FD2] =	sst s25  }
0xa6: {  	s5 =	sshll.u32 s26, $0x1;
	_ =	strace $0x80000046;
	[dreg:$0x1] =	wrdreg $0xFFFFFFFF  }
0xa7: {  	s28 =	simm.s32 $_size_execute0_lowered;
	s3 =	sadd.s32 s3, s5;
	[dreg:$0x0] =	wrdreg $0x0  }
0xa8: {  	s5 =	sshll.u32 s28, $0x1;
	[dreg:$0x2] =	wrdreg s3  }
0xa9: {  	[dreg:$0x3] =	wrdreg s5  }
0xaa: {  	[dreg:$0x4] =	wrdreg $0xC0  }
0xab: {  	_ =	task [dreg:s7], $0x5FFFF  }
0xac: {  	[dreg:$0x1] =	wrdreg $0xFFFFFFFF  }
0xad: {  	[dreg:$0x0] =	wrdreg $0x60  }
0xae: {  	[dreg:$0x2] =	wrdreg s24  }
0xaf: {  	[dreg:$0x3] =	wrdreg s2  }
0xb0: {  	[dreg:$0x4] =	wrdreg $0xAC000  }
0xb1: {  	[dreg:$0x5] =	wrdreg $0x9  }
0xb2: {  	_ =	task.clear_ibuf [dreg:s7], $0x6FFFF;
	_ =	strace $0x90000046  }
0xb3: {  	s29 =	simm.s32 $0x9;
	_ =	strace $0x80000048  }
0xb4: {  	_ =	swait.ge [sflag:s29], $0x1  }
0xb5: {  	[sflag:s29] =	ssyncadd.s32 $0xFFFFFFFF  }
0xb6: {  	_ =	strace $0x90000048  }
0xb7: {  	_ =	sfence  }
0xb8: {  	s30 =	sld [smem:$0x0];
	_ =	sdelay $0x2  }
0xb9: {  	s31 =	sshll.u32 s1, $0xD;
	s1 =	sshrl.u32 s1, $0x2  }
0xba: {  	s3 =	sand.u32 $0x4000, s31;
	s1 =	sadd.s32 s1, s30  }
0xbb: {  	s0 =	sor.u32 s3, s0;
	s1 =	sshll.u32 s1, $0x11  }
0xbc: {  	s0 =	sor.u32 s1, s0  }
0xbd: {  	s0 =	sadd.s32 $0x8F2B, s0  }
0xbe: {  	[sflag:s0] =	ssyncadd.remote.s32 $0x1  }
0xbf: {  	_ =	sfence.sel $0xFFFF  }
0xc0: {  	[dreg:$0x0] =	wrdreg $0xFFFFFFFF;
	(pc) =	sbr.abs _section_cstart, $3  }
0xc1: {  	[dreg:$0x1] =	wrdreg $0xFFFFFFFF  }
0xc2: {  	_ =	task.clear_ibuf [dreg:s7], $0x2FFFF;
	_ =	strace $0x9FFFFFFF  }
0xc3: {  	(tm) =	ssettm $0x7FFFFFFF  }
tec
execute0_lowered:
.L_overlay_start_1:
0x0: {  	(tag) =	ssettag $0x1  }
0x1: {  	s6 =	rddreg [dreg:$0x0]  }
0x2: {  	s7 =	rddreg [dreg:$0x1]  }
0x3: {  	s0 =	srdreg.scid;
	s2 =	rddreg [dreg:$0x2]  }
0x4: {  	s1 =	rddreg [dreg:$0x3];
	s3 =	simm.s32 $0x0;
	s8 =	sand.u32 $0x1, s0  }
0x5: {  	s14 =	simm.s32 $0x2880;
	s0 =	stileid.u32;
	s4 =	smul.u32 $0x28000, s8  }
0x6: {  	s15 =	simm.s32 $0x2900;
	s16 =	simm.s32 $0x2980;
	s5 =	smul.u32 $0x2800, s0  }
0x7: {  	s17 =	simm.s32 $0x2A00;
	s18 =	simm.s32 $0x2C00;
	s9 =	smul.u32 $0x13C000, s8  }
0x8: {  	s21 =	simm.s32 $0x0;
	[smem:$0x7FF] =	sst s3;
	s30 =	smul.u32 $0x13C00, s0  }
0x9: {  	_ =	strace $0x80000047;
	s8 =	ssub.s32 $0x2, s8;
	s12 =	sshll.u32 s0, $0x7  }
0xa: {  	s13 =	smul.u32 $0x4F000, s0;
	s19 =	sshll.u32 s0, $0x6;
	s11 =	sshrl.u32 s8, $0x1  }
0xb: {  	s19 =	sor.u32 $0x1C01, s19;
	s4 =	sadd.s32 s5, s4;
	s9 =	sadd.s32 s30, s9  }
0xc: {  	s5 =	sadd.s32 $0xE000, s6;
	s11 =	ssub.s32 s8, s11;
	s31 =	sshrl.u32 s13, $0x2  }
0xd: {  	s13 =	simm.s32 $0x80;
	s4 =	sshrl.u32 s4, $0x3;
	s9 =	sshrl.u32 s9, $0x3  }
0xe: {  	s20 =	sadd.s32 s31, s2;
	s10 =	sadd.s32 s4, s6;
	s4 =	sadd.s32 $0xE800, s6  }
0xf: {  	s9 =	sadd.s32 s9, s6;
	s6 =	sadd.s32 s7, s12;
	s12 =	simm.s32 $0x6C00  }
0x10: {  	s20 =	sshrl.u32 s20, $0x3;
	s7 =	sadd.s32 $0x4000, s10;
	s8 =	sadd.s32 $0xF000, s9  }
0x11: {  	s9 =	smax.u32 s11, $0x1;
	s10 =	simm.s32 $0x2800;
	s11 =	simm.s32 $0x1  }
.LBB2_1:
0x12: {  	[tilespmem:s10], [sflag:$0x1] =	stream.linear.gather [hbm4b:s6+s3], $0x280, $0x38;
	[tilespmem:$0xD380] =	vst v63  }
0x13: {  	_ =	swait.ge [sflag:s11], $0x280  }
0x14: {  	[sflag:s11] =	ssyncset.done $0x0  }
0x15: {  	[sflag:s11] =	ssyncadd.s32 $0xFFFFFD80  }
0x16: {  	[tilespmem:s12], [sflag:$0x1] =	stream.linear.gather [hbm4b:s5+s3], $0x4000, $0x38;
	[tilespmem:$0xD380] =	vst v63  }
0x17: {  	_ =	swait.ge [sflag:s11], $0x4000  }
0x18: {  	[sflag:s11] =	ssyncset.done $0x0  }
0x19: {  	[sflag:s11] =	ssyncadd.s32 $0xFFFFC000  }
0x1a: {  	[spmem:s2] =	stream.indirect.scatter [tilespmem:s12], [sflag:$0x1], $0x10, s10, s13, $0xb8;
	[tilespmem:$0xD380] =	vst v63  }
0x1b: {  	_ =	swait.ge [sflag:s11], $0x800  }
0x1c: {  	[sflag:s11] =	ssyncset.done $0x0  }
0x1d: {  	[sflag:s11] =	ssyncadd.s32 $0xFFFFF800  }
0x1e: {  	[spmem:s2] =	stream.indirect.scatter [tilespmem:s12], [sflag:$0x1], $0x10, s14, s13, $0xb8;
	[tilespmem:$0xD380] =	vst v63  }
0x1f: {  	_ =	swait.ge [sflag:s11], $0x800  }
0x20: {  	[sflag:s11] =	ssyncset.done $0x0  }
0x21: {  	[sflag:s11] =	ssyncadd.s32 $0xFFFFF800  }
0x22: {  	[spmem:s2] =	stream.indirect.scatter [tilespmem:s12], [sflag:$0x1], $0x10, s15, s13, $0xb8;
	[tilespmem:$0xD380] =	vst v63  }
0x23: {  	_ =	swait.ge [sflag:s11], $0x800  }
0x24: {  	[sflag:s11] =	ssyncset.done $0x0  }
0x25: {  	[sflag:s11] =	ssyncadd.s32 $0xFFFFF800  }
0x26: {  	[spmem:s2] =	stream.indirect.scatter [tilespmem:s12], [sflag:$0x1], $0x10, s16, s13, $0xb8;
	[tilespmem:$0xD380] =	vst v63  }
0x27: {  	_ =	swait.ge [sflag:s11], $0x800  }
0x28: {  	[sflag:s11] =	ssyncset.done $0x0  }
0x29: {  	[sflag:s11] =	ssyncadd.s32 $0xFFFFF800  }
0x2a: {  	[spmem:s2] =	stream.indirect.scatter [tilespmem:s12], [sflag:$0x1], $0x10, s17, s13, $0xb8;
	[tilespmem:$0xD380] =	vst v63  }
0x2b: {  	_ =	swait.ge [sflag:s11], $0x800  }
0x2c: {  	[sflag:s11] =	ssyncset.done $0x0  }
0x2d: {  	[sflag:s11] =	ssyncadd.s32 $0xFFFFF800  }
0x2e: {  	[tilespmem:s18], [sflag:$0x1] =	stream.linear.gather [hbm4b:s4+s3], $0x4000, $0x38;
	[tilespmem:$0xD380] =	vst v63  }
0x2f: {  	_ =	swait.ge [sflag:s11], $0x4000  }
0x30: {  	[sflag:s11] =	ssyncset.done $0x0  }
0x31: {  	[sflag:s11] =	ssyncadd.s32 $0xFFFFC000  }
0x32: {  	[tilespmem:s3], [sflag:$0x1] =	stream.linear.gather [hbm4b:s7+s3], $0x2800, $0x38;
	[tilespmem:$0xD380] =	vst v63  }
0x33: {  	_ =	swait.ge [sflag:s11], $0x2800  }
0x34: {  	[sflag:s11] =	ssyncset.done $0x0  }
0x35: {  	[sflag:s11] =	ssyncadd.s32 $0xFFFFD800  }
0x36: {  	s22 =	simm.s32 $0x0;
	[bflag:$0x0] =	sbarrier.arrive $0xFFFF  }
0x37: {  	[spmem:s2] =	stream.indirect.scatter.add.f32 [tilespmem:s18], [sflag:$0x1], $0x10, s22, s13, $0xb8;
	[tilespmem:$0xD380] =	vst v63  }
0x38: {  	_ =	swait.ge [sflag:s11], $0x800  }
0x39: {  	s22 =	simm.s32 $0x200;
	[sflag:s11] =	ssyncset.done $0x0  }
.LBB2_2:
0x3a: {  	s23 =	sshra.s32 s22, $0x2;
	[sflag:s11] =	ssyncadd.s32 $0xFFFFF800;
	p0 =	sne.s32 s22, $0x9E00  }
0x3b: {  	[spmem:s2] =	stream.indirect.scatter.add.f32 [tilespmem:s18], [sflag:$0x1], $0x10, s23, s13, $0xb8;
	[tilespmem:$0xD380] =	vst v63  }
.Ltmp0:
0x3c: {  	_ = 	snop;
	(pc) =	sbr.rel @p0 .LBB2_2-.Ltmp0, $4  }
0x3d: {  	_ = 	snop  }
0x3e: {  	s22 =	sadd.s32 $0x200, s22  }
0x3f: {  	_ =	swait.ge [sflag:s11], $0x800  }
0x40: {  	[sflag:s11] =	ssyncset.done $0x0  }
0x41: {  	s21 =	sadd.s32 $0x1, s21  }
0x42: {  	[sflag:s11] =	ssyncadd.s32 $0xFFFFF800;
	p0 =	sne.s32 s21, s9  }
.Ltmp1:
0x43: {  	[bflag:$0x0] =	sbarrier.arrive $0xFFFF;
	(pc) =	sbr.rel @p0 .LBB2_1-.Ltmp1, $4  }
0x44: {  	[hbm:s8], [sflag:s19] =	dma.local [spmem:s20], $0x2780  }
0x45: {  	_ =	swait.ge [sflag:s11], $0x2780  }
0x46: {  	[sflag:s11] =	ssyncset.done $0x0  }
0x47: {  	[sflag:s11] =	ssyncadd.s32 $0xFFFFD880  }
0x48: {  	_ =	sfence.sel $0x180000  }
0x49: {  	[bflag:$0x0] =	sbarrier.arrive $0xFFFF  }
0x4a: {  	p0 =	sne.s32 s0, $0x0;
	_ =	strace $0x90000047  }
0x4b: {  	s0 =	sadd.s32 @!p0 $0x100000, s1;
	[bflag:$0x2] =	sbarrier.arrive $0xFFFF  }
0x4c: {  	[sflag:s0] =	ssyncadd.tile.s32 @!p0 $0x1;
	_ =	shalt  }
.Lfunc_end2:
_tile_overlayer_lowered:
.L_overlay_start_2:
0x4d: {  	(tag) =	ssettag $0x2  }
0x4e: {  	s0 =	rddreg [dreg:$0x0];
	s2 =	stileid.u32  }
0x4f: {  	s1 =	rddreg [dreg:$0x1];
	p0 =	sne.s32 s2, $0x0  }
0x50: {  	s3 =	rddreg [dreg:$0x2];
	[bflag:$0x3] =	sbarrier.arrive $0xFFFF;
	s2 =	simm.s32 @!p0 $0x1C01  }
0x51: {  	[timem:s3], [sflag:s2] =	dma.local @!p0 [hbm:s0], s1  }
0x52: {  	s0 =	simm.s32 @!p0 $0x1  }
0x53: {  	_ =	swait.ge @!p0 [sflag:s0], s1  }
0x54: {  	s1 =	ssub.s32 @!p0 $0x0, s1;
	[sflag:s0] =	ssyncset.done @!p0 $0x0  }
0x55: {  	[sflag:s0] =	ssyncadd.s32 @!p0 s1  }
0x56: {  	[bflag:$0x3] =	sbarrier.arrive $0xFFFF  }
0x57: {  	_ =	shalt  }

// kernel: kernel.13.cloned.1.call-start
scs
__scs_entry_jumppad:
0x0: {  	(pc) =	sbr.rel $0x88, $3  }
0x1: {  	(tag) =	ssettag $0x0;
	lr =	simm.s32 $0x1  }
0x2: {  	[smem:$0x3F8F] =	sst lr;
	_ =	strace $0xD0000000  }
0x3: {  	_ = 	snop  }
0x4: {  	_ = 	snop  }
0x5: {  	_ = 	snop  }
0x6: {  	_ = 	snop  }
0x7: {  	_ = 	snop  }
__scs_overlays_trampoline_lowered:
0x8: {  	[smem:$0x3F9E] =	sst s0  }
0x9: {  	[smem:$0x3F9F] =	sst s1  }
0xa: {  	[smem:$0x3FA0] =	sst s2  }
0xb: {  	[smem:$0x3FA1] =	sst s3  }
0xc: {  	[smem:$0x3FA2] =	sst s4  }
0xd: {  	[smem:$0x3FA3] =	sst s5  }
0xe: {  	[smem:$0x3FA4] =	sst s6  }
0xf: {  	[smem:$0x3FA5] =	sst s7  }
0x10: {  	[smem:$0x3FA6] =	sst s8  }
0x11: {  	[smem:$0x3FA7] =	sst s9;
	s0 =	simm.s32 @!p0 $0x0  }
0x12: {  	s1 =	sld [smem:$0x3F8D];
	s0 =	simm.s32 @p0 $0x1  }
0x13: {  	[smem:$0x3FA8] =	sst s0;
	s0 =	simm.s32 @!p1 $0x0  }
0x14: {  	s2 =	sld [smem:$0x3F8C];
	s0 =	simm.s32 @p1 $0x1  }
0x15: {  	[smem:$0x3FA9] =	sst s0;
	s0 =	simm.s32 @!p2 $0x0  }
0x16: {  	s3 =	sld [smem:$0x3FDB];
	s0 =	simm.s32 @p2 $0x1  }
0x17: {  	s4 =	simm.s32 $0x1BF5;
	[smem:$0x3FAB] =	sst s0  }
0x18: {  	s0 =	sld [smem:$0x3F8E];
	_ =	swait.ge [sflag:s4], $0x0  }
0x19: {  	s7 =	sld [smem:$0x3F8F]  }
0x1a: {  	s8 =	sadd.s32 $0xFFFFE003, lr  }
0x1b: {  	s9 =	sadd.s32 $0xFFFFFEF7, lr;
	s5 =	simm.s32 $0xFFFFFFFF;
	p2 =	slt.u32 s8, $0xFFFFF086  }
0x1c: {  	p1 =	slt.u32 s9, $0xF7A;
	s5 =	simm.s32 @!p2 $0x0  }
0x1d: {  	s5 =	simm.s32 @p1 $0x1;
	p0 =	seq.s32 s7, s2  }
0x1e: {  	s7 =	smul.u32 @!p0 $0xF7A, s2;
	p2 =	seq.s32 @!p0 s5, $0x0  }
0x1f: {  	s9 =	smul.u32 $0xF7A, s1;
	s8 =	simm.s32 @!p0 $0x1BF5;
	p2 =	por !p2, p0  }
0x20: {  	[sflag:s8] =	ssyncset.s32 @!p0 $0xFFFFF086;
	s6 =	sadd.s32 @!p0 s3, s7;
	s7 =	simm.s32 @!p0 $0x108  }
0x21: {  	s3 =	sadd.s32 s3, s9;
	s6 =	sadd.s32 @!p0 $0x88, s6;
	s7 =	simm.s32 @p2 $0x1082  }
0x22: {  	[simem:s7], [sflag:s8] =	dma.local @!p0 [hbm:s6], $0xF7A  }
0x23: {  	s9 =	sor.u32 $0xD0000000, s2;
	s6 =	simm.s32 $0x108;
	_ =	swait.ge @!p0 [sflag:s8], $0x0  }
0x24: {  	s3 =	sadd.s32 $0x88, s3;
	s6 =	simm.s32 @!p1 $0x1082;
	[sflag:s4] =	ssyncset.s32 $0xFFFFF086  }
0x25: {  	[simem:s6], [sflag:s4] =	dma.local [hbm:s3], $0xF7A  }
0x26: {  	[smem:$0x3F8F] =	sst s1;
	(tag) =	ssettag s2;
	_ =	strace s9  }
0x27: {  	s1 =	sld [smem:$0x3F9F]  }
0x28: {  	s2 =	sld [smem:$0x3FA0]  }
0x29: {  	s4 =	sld [smem:$0x3FA2]  }
0x2a: {  	p0 =	seq.s32 s5, $0x0;
	s5 =	sld [smem:$0x3FA3]  }
0x2b: {  	s6 =	sld [smem:$0x3FA4]  }
0x2c: {  	s7 =	sld [smem:$0x3FA5]  }
0x2d: {  	s3 =	simm.s32 $0x108;
	s8 =	sld [smem:$0x3FA6]  }
0x2e: {  	s3 =	simm.s32 @!p0 $0x1082;
	s9 =	sld [smem:$0x3FA7]  }
0x2f: {  	lr =	sadd.s32 s0, s3;
	s0 =	sld [smem:$0x3F9E]  }
0x30: {  	s3 =	sld [smem:$0x3FA1]  }
0x31: {  	[smem:$0x3FAA] =	sst s10  }
0x32: {  	s10 =	sld [smem:$0x3FA8];
	_ =	sdelay $0x3  }
0x33: {  	p0 =	seq.s32 s10, $0x1;
	s10 =	sld [smem:$0x3FAA];
	_ =	sdelay $0x3  }
0x34: {  	[smem:$0x3FAA] =	sst s10  }
0x35: {  	s10 =	sld [smem:$0x3FA9];
	_ =	sdelay $0x3  }
0x36: {  	p1 =	seq.s32 s10, $0x1;
	s10 =	sld [smem:$0x3FAA];
	_ =	sdelay $0x3  }
0x37: {  	[smem:$0x3FAA] =	sst s10  }
0x38: {  	s10 =	sld [smem:$0x3FAB]  }
0x39: {  	_ = 	snop;
	(pc) =	sbr.ind lr, $3  }
0x3a: {  	_ = 	snop  }
0x3b: {  	_ = 	snop  }
0x3c: {  	p2 =	seq.s32 s10, $0x1;
	s10 =	sld [smem:$0x3FAA]  }
0x3d: {  	_ =	shalt  }
0x3e: {  	_ =	shalt  }
0x3f: {  	_ =	shalt  }
0x40: {  	_ =	shalt  }
0x41: {  	_ =	shalt  }
0x42: {  	_ =	shalt  }
0x43: {  	_ =	shalt  }
0x44: {  	_ =	shalt  }
0x45: {  	_ =	shalt  }
0x46: {  	_ =	shalt  }
0x47: {  	_ =	shalt  }
0x48: {  	_ =	shalt  }
0x49: {  	_ =	shalt  }
0x4a: {  	_ =	shalt  }
0x4b: {  	_ =	shalt  }
0x4c: {  	_ =	shalt  }
0x4d: {  	_ =	shalt  }
0x4e: {  	_ =	shalt  }
0x4f: {  	_ =	shalt  }
0x50: {  	_ =	shalt  }
0x51: {  	_ =	shalt  }
0x52: {  	_ =	shalt  }
0x53: {  	_ =	shalt  }
0x54: {  	_ =	shalt  }
0x55: {  	_ =	shalt  }
0x56: {  	_ =	shalt  }
0x57: {  	_ =	shalt  }
0x58: {  	_ =	shalt  }
0x59: {  	_ =	shalt  }
0x5a: {  	_ =	shalt  }
0x5b: {  	_ =	shalt  }
0x5c: {  	_ =	shalt  }
0x5d: {  	_ =	shalt  }
0x5e: {  	_ =	shalt  }
0x5f: {  	_ =	shalt  }
0x60: {  	_ =	shalt  }
0x61: {  	_ =	shalt  }
0x62: {  	_ =	shalt  }
0x63: {  	_ =	shalt  }
0x64: {  	_ =	shalt  }
0x65: {  	_ =	shalt  }
0x66: {  	_ =	shalt  }
0x67: {  	_ =	shalt  }
0x68: {  	_ =	shalt  }
0x69: {  	_ =	shalt  }
0x6a: {  	_ =	shalt  }
0x6b: {  	_ =	shalt  }
0x6c: {  	_ =	shalt  }
0x6d: {  	_ =	shalt  }
0x6e: {  	_ =	shalt  }
0x6f: {  	_ =	shalt  }
0x70: {  	_ =	shalt  }
0x71: {  	_ =	shalt  }
0x72: {  	_ =	shalt  }
0x73: {  	_ =	shalt  }
0x74: {  	_ =	shalt  }
0x75: {  	_ =	shalt  }
0x76: {  	_ =	shalt  }
0x77: {  	_ =	shalt  }
0x78: {  	_ =	shalt  }
0x79: {  	_ =	shalt  }
0x7a: {  	_ =	shalt  }
0x7b: {  	_ =	shalt  }
0x7c: {  	_ =	shalt  }
0x7d: {  	_ =	shalt  }
0x7e: {  	_ =	shalt  }
0x7f: {  	_ =	shalt  }
0x80: {  	_ =	shalt  }
0x81: {  	_ =	shalt  }
0x82: {  	_ =	shalt  }
0x83: {  	_ =	shalt  }
0x84: {  	_ =	shalt  }
0x85: {  	_ =	shalt  }
0x86: {  	_ =	shalt  }
0x87: {  	_ =	shalt  }
.Lfunc_end0:
.L_simem_size_0:
called_computation.1_lowered:
.L_overlay_start_0:
0x88: {  	s2 =	sld [smem:$0x3FD9]  }
0x89: {  	s3 =	sld [smem:$0x3FFE];
	_ =	sdelay $0x1  }
0x8a: {  	s1 =	srdreg.scid  }
0x8b: {  	s0 =	sand.u32 $0x1, s1  }
0x8c: {  	s17 =	sshll.u32 s0, $0xA;
	s2 =	sadd.s32 s3, s2  }
0x8d: {  	s2 =	sadd.s32 s2, s17  }
0x8e: {  	[smem:$0x3FB6] =	sst s2  }
0x8f: {  	_ = 	snop  }
0x90: {  	s2 =	sld [smem:$0x3FD0];
	(tm) =	ssettm $0x1  }
0x91: {  	s18 =	sld [smem:$0x3FFB];
	_ =	sdelay $0x3  }
0x92: {  	_ =	strace s18  }
0x93: {  	s3 =	sld [smem:$0x3FFC];
	_ =	sdelay $0x3  }
0x94: {  	_ =	strace s3  }
0x95: {  	s3 =	sld [smem:$0x3FFD];
	_ =	sdelay $0x3  }
0x96: {  	_ =	strace s3  }
0x97: {  	_ =	strace $0x8FFFFFFF  }
0x98: {  	s19 =	sld [smem:$0x3FDB];
	_ =	sdelay $0x1  }
0x99: {  	s4 =	simm.s32 $_scs_section_size  }
0x9a: {  	s5 =	simm.s32 $_size__tile_overlayer_lowered;
	s6 =	simm.s32 $_tile_overlayer_lowered  }
0x9b: {  	s22 =	simm.s32 $0x1BFF;
	s21 =	sshll.u32 s6, $0x1;
	s3 =	sadd.s32 s4, s19  }
0x9c: {  	s7 =	simm.s32 $0x0;
	s20 =	sshll.u32 s5, $0x1;
	s5 =	sadd.s32 s21, s3  }
0x9d: {  	[timem:s7], [sflag:s22] =	dma.local [hbm:s5], s20  }
0x9e: {  	_ =	swait.ge [sflag:s22], s20  }
0x9f: {  	s4 =	ssub.s32 $0x0, s20;
	[sflag:s22] =	ssyncset.done $0x0  }
0xa0: {  	[sflag:s22] =	ssyncadd.s32 s4;
	_ =	sdelay $0x1  }
0xa1: {  	s23 =	simm.s32 $0x1B8B  }
0xa2: {  	_ =	swait.ge [sflag:s23], $0x1  }
0xa3: {  	[sflag:s23] =	ssyncset.done $0x0  }
0xa4: {  	s25 =	simm.s32 $0x1B8E;
	s24 =	sld [smem:$0x3FFE];
	[sflag:s23] =	ssyncadd.s32 $0xFFFFFFFF  }
0xa5: {  	s26 =	simm.s32 $execute0_lowered;
	[smem:$0x3FD2] =	sst s25  }
0xa6: {  	s5 =	sshll.u32 s26, $0x1;
	_ =	strace $0x80000049;
	[dreg:$0x1] =	wrdreg $0xFFFFFFFF  }
0xa7: {  	s28 =	simm.s32 $_size_execute0_lowered;
	s3 =	sadd.s32 s3, s5;
	[dreg:$0x0] =	wrdreg $0x0  }
0xa8: {  	s5 =	sshll.u32 s28, $0x1;
	[dreg:$0x2] =	wrdreg s3  }
0xa9: {  	[dreg:$0x3] =	wrdreg s5  }
0xaa: {  	[dreg:$0x4] =	wrdreg $0xC0  }
0xab: {  	_ =	task [dreg:s7], $0x5FFFF  }
0xac: {  	[dreg:$0x1] =	wrdreg $0xFFFFFFFF  }
0xad: {  	[dreg:$0x0] =	wrdreg $0x60  }
0xae: {  	[dreg:$0x2] =	wrdreg s24  }
0xaf: {  	[dreg:$0x3] =	wrdreg s2  }
0xb0: {  	[dreg:$0x4] =	wrdreg $0x94000  }
0xb1: {  	[dreg:$0x5] =	wrdreg $0xBB800  }
0xb2: {  	[dreg:$0x6] =	wrdreg $0x9  }
0xb3: {  	_ =	task.clear_ibuf [dreg:s7], $0x7FFFF;
	_ =	strace $0x90000049  }
0xb4: {  	s29 =	simm.s32 $0x9;
	_ =	strace $0x8000004B  }
0xb5: {  	_ =	swait.ge [sflag:s29], $0x1  }
0xb6: {  	[sflag:s29] =	ssyncadd.s32 $0xFFFFFFFF  }
0xb7: {  	_ =	strace $0x9000004B  }
0xb8: {  	_ =	sfence  }
0xb9: {  	s30 =	sld [smem:$0x0];
	_ =	sdelay $0x2  }
0xba: {  	s31 =	sshll.u32 s1, $0xD;
	s1 =	sshrl.u32 s1, $0x2  }
0xbb: {  	s3 =	sand.u32 $0x4000, s31;
	s1 =	sadd.s32 s1, s30  }
0xbc: {  	s0 =	sor.u32 s3, s0;
	s1 =	sshll.u32 s1, $0x11  }
0xbd: {  	s0 =	sor.u32 s1, s0  }
0xbe: {  	s0 =	sadd.s32 $0x8F2B, s0  }
0xbf: {  	[sflag:s0] =	ssyncadd.remote.s32 $0x1  }
0xc0: {  	_ =	sfence.sel $0xFFFF  }
0xc1: {  	[dreg:$0x0] =	wrdreg $0xFFFFFFFF;
	(pc) =	sbr.abs _section_cstart, $3  }
0xc2: {  	[dreg:$0x1] =	wrdreg $0xFFFFFFFF  }
0xc3: {  	_ =	task.clear_ibuf [dreg:s7], $0x2FFFF;
	_ =	strace $0x9FFFFFFF  }
0xc4: {  	(tm) =	ssettm $0x7FFFFFFF  }
0xc5: {  	_ =	shalt  }
tec
execute0_lowered:
.L_overlay_start_1:
0x0: {  	(tag) =	ssettag $0x1  }
0x1: {  	s6 =	rddreg [dreg:$0x0]  }
0x2: {  	s7 =	rddreg [dreg:$0x1]  }
0x3: {  	s0 =	srdreg.scid;
	s2 =	rddreg [dreg:$0x2]  }
0x4: {  	s3 =	rddreg [dreg:$0x3];
	s4 =	simm.s32 $0x0;
	s17 =	simm.s32 $0x2  }
0x5: {  	s18 =	simm.s32 $0x5400;
	s19 =	simm.s32 $0x80;
	s8 =	sand.u32 $0x1, s0  }
0x6: {  	s20 =	simm.s32 $0x5080;
	s0 =	stileid.u32;
	s5 =	smul.u32 $0x28000, s8  }
0x7: {  	s21 =	simm.s32 $0x5100;
	s22 =	simm.s32 $0x5180;
	s9 =	smul.u32 $0x2800, s0  }
0x8: {  	s23 =	simm.s32 $0x5200;
	s24 =	simm.s32 $0x2800;
	s10 =	smul.u32 $0x13C00, s0  }
0x9: {  	s28 =	simm.s32 $0x0;
	[smem:$0x7FF] =	sst s4;
	s11 =	smul.u32 $0x13C000, s8  }
0xa: {  	_ =	strace $0x8000004A;
	s8 =	ssub.s32 $0x2, s8;
	s31 =	sshll.u32 s0, $0x7  }
0xb: {  	s16 =	smul.u32 $0x4F000, s0;
	s30 =	sshrl.u32 s8, $0x1;
	s5 =	sadd.s32 s9, s5  }
0xc: {  	s26 =	sshrl.u32 s10, $0x3;
	s29 =	sadd.s32 s10, s11;
	s15 =	ssub.s32 s8, s30  }
0xd: {  	s16 =	sshrl.u32 s16, $0x2;
	s5 =	sshrl.u32 s5, $0x3;
	s12 =	sadd.s32 s26, s6  }
0xe: {  	s9 =	sshrl.u32 s29, $0x3;
	s25 =	sadd.s32 s16, s2;
	s15 =	smax.u32 s15, $0x1  }
0xf: {  	s16 =	simm.s32 $0x5000;
	s26 =	simm.s32 $0x1;
	s13 =	sadd.s32 s5, s6  }
0x10: {  	s5 =	sadd.s32 $0xE000, s6;
	s14 =	sadd.s32 s9, s6;
	s6 =	sadd.s32 s7, s31  }
0x11: {  	s7 =	sadd.s32 $0xE800, s12;
	s8 =	sadd.s32 $0xF000, s12;
	s9 =	sadd.s32 $0xF800, s12  }
0x12: {  	s10 =	sadd.s32 $0x10000, s12;
	s11 =	sadd.s32 $0x10780, s12;
	s25 =	sshrl.u32 s25, $0x3  }
0x13: {  	s12 =	sadd.s32 $0x5E000, s13;
	s13 =	sadd.s32 $0x4000, s13;
	s14 =	sadd.s32 $0x68000, s14  }
.LBB2_1:
0x14: {  	[tilespmem:s16], [sflag:$0x2] =	stream.linear.gather [hbm4b:s6+s4], $0x280, $0x38;
	[tilespmem:$0xE300] =	vst v63  }
0x15: {  	_ =	swait.ge [sflag:s17], $0x280  }
0x16: {  	[sflag:s17] =	ssyncset.done $0x0  }
0x17: {  	[sflag:s17] =	ssyncadd.s32 $0xFFFFFD80  }
0x18: {  	[tilespmem:s18], [sflag:$0x2] =	stream.linear.gather [hbm4b:s7+s4], $0x4000, $0x38;
	[tilespmem:$0xE300] =	vst v63  }
0x19: {  	_ =	swait.ge [sflag:s17], $0x4000  }
0x1a: {  	[sflag:s17] =	ssyncset.done $0x0  }
0x1b: {  	[sflag:s17] =	ssyncadd.s32 $0xFFFFC000  }
0x1c: {  	[spmem:s3] =	stream.indirect.scatter [tilespmem:s18], [sflag:$0x2], $0x10, s16, s19, $0xb8;
	[tilespmem:$0xE300] =	vst v63  }
0x1d: {  	_ =	swait.ge [sflag:s17], $0x800  }
0x1e: {  	[sflag:s17] =	ssyncset.done $0x0  }
0x1f: {  	[sflag:s17] =	ssyncadd.s32 $0xFFFFF800  }
0x20: {  	[tilespmem:s18], [sflag:$0x2] =	stream.linear.gather [hbm4b:s8+s4], $0x4000, $0x38;
	[tilespmem:$0xE300] =	vst v63  }
0x21: {  	_ =	swait.ge [sflag:s17], $0x4000  }
0x22: {  	[sflag:s17] =	ssyncset.done $0x0  }
0x23: {  	[sflag:s17] =	ssyncadd.s32 $0xFFFFC000  }
0x24: {  	[spmem:s3] =	stream.indirect.scatter [tilespmem:s18], [sflag:$0x2], $0x10, s20, s19, $0xb8;
	[tilespmem:$0xE300] =	vst v63  }
0x25: {  	_ =	swait.ge [sflag:s17], $0x800  }
0x26: {  	[sflag:s17] =	ssyncset.done $0x0  }
0x27: {  	[sflag:s17] =	ssyncadd.s32 $0xFFFFF800  }
0x28: {  	[tilespmem:s18], [sflag:$0x2] =	stream.linear.gather [hbm4b:s9+s4], $0x4000, $0x38;
	[tilespmem:$0xE300] =	vst v63  }
0x29: {  	_ =	swait.ge [sflag:s17], $0x4000  }
0x2a: {  	[sflag:s17] =	ssyncset.done $0x0  }
0x2b: {  	[sflag:s17] =	ssyncadd.s32 $0xFFFFC000  }
0x2c: {  	[spmem:s3] =	stream.indirect.scatter [tilespmem:s18], [sflag:$0x2], $0x10, s21, s19, $0xb8;
	[tilespmem:$0xE300] =	vst v63  }
0x2d: {  	_ =	swait.ge [sflag:s17], $0x800  }
0x2e: {  	[sflag:s17] =	ssyncset.done $0x0  }
0x2f: {  	[sflag:s17] =	ssyncadd.s32 $0xFFFFF800  }
0x30: {  	[tilespmem:s18], [sflag:$0x2] =	stream.linear.gather [hbm4b:s10+s4], $0x4000, $0x38;
	[tilespmem:$0xE300] =	vst v63  }
0x31: {  	_ =	swait.ge [sflag:s17], $0x4000  }
0x32: {  	[sflag:s17] =	ssyncset.done $0x0  }
0x33: {  	[sflag:s17] =	ssyncadd.s32 $0xFFFFC000  }
0x34: {  	[spmem:s3] =	stream.indirect.scatter [tilespmem:s18], [sflag:$0x2], $0x10, s22, s19, $0xb8;
	[tilespmem:$0xE300] =	vst v63  }
0x35: {  	_ =	swait.ge [sflag:s17], $0x800  }
0x36: {  	[sflag:s17] =	ssyncset.done $0x0  }
0x37: {  	[sflag:s17] =	ssyncadd.s32 $0xFFFFF800  }
0x38: {  	[tilespmem:s18], [sflag:$0x2] =	stream.linear.gather [hbm4b:s11+s4], $0x4000, $0x38;
	[tilespmem:$0xE300] =	vst v63  }
0x39: {  	_ =	swait.ge [sflag:s17], $0x4000  }
0x3a: {  	[sflag:s17] =	ssyncset.done $0x0  }
0x3b: {  	[sflag:s17] =	ssyncadd.s32 $0xFFFFC000  }
0x3c: {  	[spmem:s3] =	stream.indirect.scatter [tilespmem:s18], [sflag:$0x2], $0x10, s23, s19, $0xb8;
	[tilespmem:$0xE300] =	vst v63  }
0x3d: {  	_ =	swait.ge [sflag:s17], $0x800  }
0x3e: {  	[sflag:s17] =	ssyncset.done $0x0  }
0x3f: {  	[sflag:s17] =	ssyncadd.s32 $0xFFFFF800  }
0x40: {  	[tilespmem:s18], [sflag:$0x2] =	stream.linear.gather [hbm4b:s5+s4], $0x4000, $0x38;
	[tilespmem:$0xE300] =	vst v63  }
0x41: {  	_ =	swait.ge [sflag:s17], $0x4000  }
0x42: {  	[sflag:s17] =	ssyncset.done $0x0  }
0x43: {  	[sflag:s17] =	ssyncadd.s32 $0xFFFFC000  }
0x44: {  	[spmem:s2] =	stream.indirect.scatter [tilespmem:s18], [sflag:$0x2], $0x10, s16, s19, $0xb8;
	[tilespmem:$0xE300] =	vst v63  }
0x45: {  	_ =	swait.ge [sflag:s17], $0x800  }
0x46: {  	[sflag:s17] =	ssyncset.done $0x0  }
0x47: {  	[sflag:s17] =	ssyncadd.s32 $0xFFFFF800  }
0x48: {  	[spmem:s2] =	stream.indirect.scatter [tilespmem:s18], [sflag:$0x2], $0x10, s20, s19, $0xb8;
	[tilespmem:$0xE300] =	vst v63  }
0x49: {  	_ =	swait.ge [sflag:s17], $0x800  }
0x4a: {  	[sflag:s17] =	ssyncset.done $0x0  }
0x4b: {  	[sflag:s17] =	ssyncadd.s32 $0xFFFFF800  }
0x4c: {  	[spmem:s2] =	stream.indirect.scatter [tilespmem:s18], [sflag:$0x2], $0x10, s21, s19, $0xb8;
	[tilespmem:$0xE300] =	vst v63  }
0x4d: {  	_ =	swait.ge [sflag:s17], $0x800  }
0x4e: {  	[sflag:s17] =	ssyncset.done $0x0  }
0x4f: {  	[sflag:s17] =	ssyncadd.s32 $0xFFFFF800  }
0x50: {  	[spmem:s2] =	stream.indirect.scatter [tilespmem:s18], [sflag:$0x2], $0x10, s22, s19, $0xb8;
	[tilespmem:$0xE300] =	vst v63  }
0x51: {  	_ =	swait.ge [sflag:s17], $0x800  }
0x52: {  	[sflag:s17] =	ssyncset.done $0x0  }
0x53: {  	[sflag:s17] =	ssyncadd.s32 $0xFFFFF800  }
0x54: {  	[spmem:s2] =	stream.indirect.scatter [tilespmem:s18], [sflag:$0x2], $0x10, s23, s19, $0xb8;
	[tilespmem:$0xE300] =	vst v63  }
0x55: {  	_ =	swait.ge [sflag:s17], $0x800  }
0x56: {  	[sflag:s17] =	ssyncset.done $0x0  }
0x57: {  	[sflag:s17] =	ssyncadd.s32 $0xFFFFF800  }
0x58: {  	[tilespmem:s4], [sflag:$0x2] =	stream.linear.gather [hbm4b:s12+s4], $0x2800, $0x38;
	[tilespmem:$0xE300] =	vst v63  }
0x59: {  	_ =	swait.ge [sflag:s17], $0x2800  }
0x5a: {  	[sflag:s17] =	ssyncset.done $0x0  }
0x5b: {  	[sflag:s17] =	ssyncadd.s32 $0xFFFFD800  }
0x5c: {  	[tilespmem:s24], [sflag:$0x2] =	stream.linear.gather [hbm4b:s13+s4], $0x2800, $0x38;
	[tilespmem:$0xE300] =	vst v63  }
0x5d: {  	_ =	swait.ge [sflag:s17], $0x2800  }
0x5e: {  	[sflag:s17] =	ssyncset.done $0x0  }
0x5f: {  	[sflag:s17] =	ssyncadd.s32 $0xFFFFD800  }
0x60: {  	s29 =	simm.s32 $0x0;
	[bflag:$0x0] =	sbarrier.arrive $0xFFFF  }
0x61: {  	[tilespmem:s18], [sflag:$0x1] =	stream.indirect.gather [spmem:s3], $0x10, s29, s19, $0xb8;
	[tilespmem:$0xE300] =	vst v63  }
0x62: {  	_ =	swait.ge [sflag:s26], $0x800  }
0x63: {  	[sflag:s26] =	ssyncset.done $0x0  }
0x64: {  	s29 =	simm.s32 $0x2800;
	[sflag:s26] =	ssyncadd.s32 $0xFFFFF800  }
0x65: {  	[spmem:s2] =	stream.indirect.scatter.add.f32 [tilespmem:s18], [sflag:$0x2], $0x10, s29, s19, $0xb8;
	[tilespmem:$0xE300] =	vst v63  }
0x66: {  	_ =	swait.ge [sflag:s17], $0x800  }
0x67: {  	s30 =	simm.s32 $0x400;
	s29 =	simm.s32 $0x200;
	[sflag:s17] =	ssyncset.done $0x0  }
.LBB2_2:
0x68: {  	s31 =	sshra.s32 s29, $0x2  }
0x69: {  	[sflag:s17] =	ssyncadd.s32 $0xFFFFF800;
	s29 =	smov.u32 s30;
	s1 =	sadd.s32 $0x200, s30  }
0x6a: {  	[tilespmem:s18], [sflag:$0x1] =	stream.indirect.gather [spmem:s3], $0x10, s31, s19, $0xb8;
	[tilespmem:$0xE300] =	vst v63  }
0x6b: {  	p0 =	sne.s32 s30, $0x9E00;
	_ =	swait.ge [sflag:s26], $0x800  }
.Ltmp0:
0x6c: {  	[sflag:s26] =	ssyncset.done $0x0;
	(pc) =	sbr.rel @p0 .LBB2_2-.Ltmp0, $4  }
0x6d: {  	s30 =	sadd.s32 $0x2800, s31;
	[sflag:s26] =	ssyncadd.s32 $0xFFFFF800  }
0x6e: {  	[spmem:s2] =	stream.indirect.scatter.add.f32 [tilespmem:s18], [sflag:$0x2], $0x10, s30, s19, $0xb8;
	[tilespmem:$0xE300] =	vst v63  }
0x6f: {  	_ =	swait.ge [sflag:s17], $0x800  }
0x70: {  	s30 =	smov.u32 s1;
	[sflag:s17] =	ssyncset.done $0x0  }
0x71: {  	s1 =	sshra.s32 s29, $0x2;
	[sflag:s17] =	ssyncadd.s32 $0xFFFFF800  }
0x72: {  	[tilespmem:s18], [sflag:$0x1] =	stream.indirect.gather [spmem:s3], $0x10, s1, s19, $0xb8;
	[tilespmem:$0xE300] =	vst v63  }
0x73: {  	_ =	swait.ge [sflag:s26], $0x800  }
0x74: {  	[sflag:s26] =	ssyncset.done $0x0  }
0x75: {  	s1 =	sadd.s32 $0x2800, s1;
	[sflag:s26] =	ssyncadd.s32 $0xFFFFF800  }
0x76: {  	[spmem:s2] =	stream.indirect.scatter.add.f32 [tilespmem:s18], [sflag:$0x2], $0x10, s1, s19, $0xb8;
	[tilespmem:$0xE300] =	vst v63  }
0x77: {  	_ =	swait.ge [sflag:s17], $0x800  }
0x78: {  	s28 =	sadd.s32 $0x1, s28;
	[sflag:s17] =	ssyncset.done $0x0  }
0x79: {  	s31 =	sshll.u32 s0, $0x6;
	p0 =	sne.s32 s28, s15;
	[sflag:s17] =	ssyncadd.s32 $0xFFFFF800  }
.Ltmp1:
0x7a: {  	s1 =	sor.u32 $0x1C02, s31;
	[bflag:$0x0] =	sbarrier.arrive $0xFFFF;
	(pc) =	sbr.rel @p0 .LBB2_1-.Ltmp1, $4  }
0x7b: {  	[hbm:s14], [sflag:s1] =	dma.local [spmem:s25], $0x2780  }
0x7c: {  	_ =	swait.ge [sflag:s17], $0x2780  }
0x7d: {  	[sflag:s17] =	ssyncset.done $0x0  }
0x7e: {  	[sflag:s17] =	ssyncadd.s32 $0xFFFFD880  }
0x7f: {  	_ =	sfence.sel $0x180000  }
0x80: {  	[bflag:$0x0] =	sbarrier.arrive $0xFFFF  }
0x81: {  	_ =	strace $0x9000004A  }
0x82: {  	[bflag:$0x2] =	sbarrier.arrive $0xFFFF  }
0x83: {  	p0 =	sne.s32 s0, $0x0;
	s0 =	rddreg [dreg:$0x4]  }
0x84: {  	s0 =	sadd.s32 @!p0 $0x100000, s0  }
0x85: {  	[sflag:s0] =	ssyncadd.tile.s32 @!p0 $0x1;
	_ =	shalt  }
.Lfunc_end2:
_tile_overlayer_lowered:
.L_overlay_start_2:
0x86: {  	(tag) =	ssettag $0x2  }
0x87: {  	s0 =	rddreg [dreg:$0x0];
	s2 =	stileid.u32  }
0x88: {  	s1 =	rddreg [dreg:$0x1];
	p0 =	sne.s32 s2, $0x0  }
0x89: {  	s3 =	rddreg [dreg:$0x2];
	[bflag:$0x3] =	sbarrier.arrive $0xFFFF;
	s2 =	simm.s32 @!p0 $0x1C02  }
0x8a: {  	[timem:s3], [sflag:s2] =	dma.local @!p0 [hbm:s0], s1  }
0x8b: {  	s0 =	simm.s32 @!p0 $0x2  }
0x8c: {  	_ =	swait.ge @!p0 [sflag:s0], s1  }
0x8d: {  	s1 =	ssub.s32 @!p0 $0x0, s1;
	[sflag:s0] =	ssyncset.done @!p0 $0x0  }
0x8e: {  	[sflag:s0] =	ssyncadd.s32 @!p0 s1  }
0x8f: {  	[bflag:$0x3] =	sbarrier.arrive $0xFFFF  }
0x90: {  	_ =	shalt  }

// kernel: kernel.16.cloned.1.call-start
scs
__scs_entry_jumppad:
0x0: {  	(pc) =	sbr.rel $0x88, $3  }
0x1: {  	(tag) =	ssettag $0x0;
	lr =	simm.s32 $0x1  }
0x2: {  	[smem:$0x3F8F] =	sst lr;
	_ =	strace $0xD0000000  }
0x3: {  	_ = 	snop  }
0x4: {  	_ = 	snop  }
0x5: {  	_ = 	snop  }
0x6: {  	_ = 	snop  }
0x7: {  	_ = 	snop  }
__scs_overlays_trampoline_lowered:
0x8: {  	[smem:$0x3F9E] =	sst s0  }
0x9: {  	[smem:$0x3F9F] =	sst s1  }
0xa: {  	[smem:$0x3FA0] =	sst s2  }
0xb: {  	[smem:$0x3FA1] =	sst s3  }
0xc: {  	[smem:$0x3FA2] =	sst s4  }
0xd: {  	[smem:$0x3FA3] =	sst s5  }
0xe: {  	[smem:$0x3FA4] =	sst s6  }
0xf: {  	[smem:$0x3FA5] =	sst s7  }
0x10: {  	[smem:$0x3FA6] =	sst s8  }
0x11: {  	[smem:$0x3FA7] =	sst s9;
	s0 =	simm.s32 @!p0 $0x0  }
0x12: {  	s1 =	sld [smem:$0x3F8D];
	s0 =	simm.s32 @p0 $0x1  }
0x13: {  	[smem:$0x3FA8] =	sst s0;
	s0 =	simm.s32 @!p1 $0x0  }
0x14: {  	s2 =	sld [smem:$0x3F8C];
	s0 =	simm.s32 @p1 $0x1  }
0x15: {  	[smem:$0x3FA9] =	sst s0;
	s0 =	simm.s32 @!p2 $0x0  }
0x16: {  	s3 =	sld [smem:$0x3FDB];
	s0 =	simm.s32 @p2 $0x1  }
0x17: {  	s4 =	simm.s32 $0x1BF5;
	[smem:$0x3FAB] =	sst s0  }
0x18: {  	s0 =	sld [smem:$0x3F8E];
	_ =	swait.ge [sflag:s4], $0x0  }
0x19: {  	s7 =	sld [smem:$0x3F8F]  }
0x1a: {  	s8 =	sadd.s32 $0xFFFFE003, lr  }
0x1b: {  	s9 =	sadd.s32 $0xFFFFFEF7, lr;
	s5 =	simm.s32 $0xFFFFFFFF;
	p2 =	slt.u32 s8, $0xFFFFF086  }
0x1c: {  	p1 =	slt.u32 s9, $0xF7A;
	s5 =	simm.s32 @!p2 $0x0  }
0x1d: {  	s5 =	simm.s32 @p1 $0x1;
	p0 =	seq.s32 s7, s2  }
0x1e: {  	s7 =	smul.u32 @!p0 $0xF7A, s2;
	p2 =	seq.s32 @!p0 s5, $0x0  }
0x1f: {  	s9 =	smul.u32 $0xF7A, s1;
	s8 =	simm.s32 @!p0 $0x1BF5;
	p2 =	por !p2, p0  }
0x20: {  	[sflag:s8] =	ssyncset.s32 @!p0 $0xFFFFF086;
	s6 =	sadd.s32 @!p0 s3, s7;
	s7 =	simm.s32 @!p0 $0x108  }
0x21: {  	s3 =	sadd.s32 s3, s9;
	s6 =	sadd.s32 @!p0 $0x88, s6;
	s7 =	simm.s32 @p2 $0x1082  }
0x22: {  	[simem:s7], [sflag:s8] =	dma.local @!p0 [hbm:s6], $0xF7A  }
0x23: {  	s9 =	sor.u32 $0xD0000000, s2;
	s6 =	simm.s32 $0x108;
	_ =	swait.ge @!p0 [sflag:s8], $0x0  }
0x24: {  	s3 =	sadd.s32 $0x88, s3;
	s6 =	simm.s32 @!p1 $0x1082;
	[sflag:s4] =	ssyncset.s32 $0xFFFFF086  }
0x25: {  	[simem:s6], [sflag:s4] =	dma.local [hbm:s3], $0xF7A  }
0x26: {  	[smem:$0x3F8F] =	sst s1;
	(tag) =	ssettag s2;
	_ =	strace s9  }
0x27: {  	s1 =	sld [smem:$0x3F9F]  }
0x28: {  	s2 =	sld [smem:$0x3FA0]  }
0x29: {  	s4 =	sld [smem:$0x3FA2]  }
0x2a: {  	p0 =	seq.s32 s5, $0x0;
	s5 =	sld [smem:$0x3FA3]  }
0x2b: {  	s6 =	sld [smem:$0x3FA4]  }
0x2c: {  	s7 =	sld [smem:$0x3FA5]  }
0x2d: {  	s3 =	simm.s32 $0x108;
	s8 =	sld [smem:$0x3FA6]  }
0x2e: {  	s3 =	simm.s32 @!p0 $0x1082;
	s9 =	sld [smem:$0x3FA7]  }
0x2f: {  	lr =	sadd.s32 s0, s3;
	s0 =	sld [smem:$0x3F9E]  }
0x30: {  	s3 =	sld [smem:$0x3FA1]  }
0x31: {  	[smem:$0x3FAA] =	sst s10  }
0x32: {  	s10 =	sld [smem:$0x3FA8];
	_ =	sdelay $0x3  }
0x33: {  	p0 =	seq.s32 s10, $0x1;
	s10 =	sld [smem:$0x3FAA];
	_ =	sdelay $0x3  }
0x34: {  	[smem:$0x3FAA] =	sst s10  }
0x35: {  	s10 =	sld [smem:$0x3FA9];
	_ =	sdelay $0x3  }
0x36: {  	p1 =	seq.s32 s10, $0x1;
	s10 =	sld [smem:$0x3FAA];
	_ =	sdelay $0x3  }
0x37: {  	[smem:$0x3FAA] =	sst s10  }
0x38: {  	s10 =	sld [smem:$0x3FAB]  }
0x39: {  	_ = 	snop;
	(pc) =	sbr.ind lr, $3  }
0x3a: {  	_ = 	snop  }
0x3b: {  	_ = 	snop  }
0x3c: {  	p2 =	seq.s32 s10, $0x1;
	s10 =	sld [smem:$0x3FAA]  }
0x3d: {  	_ =	shalt  }
0x3e: {  	_ =	shalt  }
0x3f: {  	_ =	shalt  }
0x40: {  	_ =	shalt  }
0x41: {  	_ =	shalt  }
0x42: {  	_ =	shalt  }
0x43: {  	_ =	shalt  }
0x44: {  	_ =	shalt  }
0x45: {  	_ =	shalt  }
0x46: {  	_ =	shalt  }
0x47: {  	_ =	shalt  }
0x48: {  	_ =	shalt  }
0x49: {  	_ =	shalt  }
0x4a: {  	_ =	shalt  }
0x4b: {  	_ =	shalt  }
0x4c: {  	_ =	shalt  }
0x4d: {  	_ =	shalt  }
0x4e: {  	_ =	shalt  }
0x4f: {  	_ =	shalt  }
0x50: {  	_ =	shalt  }
0x51: {  	_ =	shalt  }
0x52: {  	_ =	shalt  }
0x53: {  	_ =	shalt  }
0x54: {  	_ =	shalt  }
0x55: {  	_ =	shalt  }
0x56: {  	_ =	shalt  }
0x57: {  	_ =	shalt  }
0x58: {  	_ =	shalt  }
0x59: {  	_ =	shalt  }
0x5a: {  	_ =	shalt  }
0x5b: {  	_ =	shalt  }
0x5c: {  	_ =	shalt  }
0x5d: {  	_ =	shalt  }
0x5e: {  	_ =	shalt  }
0x5f: {  	_ =	shalt  }
0x60: {  	_ =	shalt  }
0x61: {  	_ =	shalt  }
0x62: {  	_ =	shalt  }
0x63: {  	_ =	shalt  }
0x64: {  	_ =	shalt  }
0x65: {  	_ =	shalt  }
0x66: {  	_ =	shalt  }
0x67: {  	_ =	shalt  }
0x68: {  	_ =	shalt  }
0x69: {  	_ =	shalt  }
0x6a: {  	_ =	shalt  }
0x6b: {  	_ =	shalt  }
0x6c: {  	_ =	shalt  }
0x6d: {  	_ =	shalt  }
0x6e: {  	_ =	shalt  }
0x6f: {  	_ =	shalt  }
0x70: {  	_ =	shalt  }
0x71: {  	_ =	shalt  }
0x72: {  	_ =	shalt  }
0x73: {  	_ =	shalt  }
0x74: {  	_ =	shalt  }
0x75: {  	_ =	shalt  }
0x76: {  	_ =	shalt  }
0x77: {  	_ =	shalt  }
0x78: {  	_ =	shalt  }
0x79: {  	_ =	shalt  }
0x7a: {  	_ =	shalt  }
0x7b: {  	_ =	shalt  }
0x7c: {  	_ =	shalt  }
0x7d: {  	_ =	shalt  }
0x7e: {  	_ =	shalt  }
0x7f: {  	_ =	shalt  }
0x80: {  	_ =	shalt  }
0x81: {  	_ =	shalt  }
0x82: {  	_ =	shalt  }
0x83: {  	_ =	shalt  }
0x84: {  	_ =	shalt  }
0x85: {  	_ =	shalt  }
0x86: {  	_ =	shalt  }
0x87: {  	_ =	shalt  }
.Lfunc_end0:
.L_simem_size_0:
called_computation.2_lowered:
.L_overlay_start_0:
0x88: {  	s2 =	sld [smem:$0x3FD9]  }
0x89: {  	s3 =	sld [smem:$0x3FFE];
	_ =	sdelay $0x1  }
0x8a: {  	s1 =	srdreg.scid  }
0x8b: {  	s0 =	sand.u32 $0x1, s1  }
0x8c: {  	s17 =	sshll.u32 s0, $0xA;
	s2 =	sadd.s32 s3, s2  }
0x8d: {  	s2 =	sadd.s32 s2, s17  }
0x8e: {  	[smem:$0x3FB6] =	sst s2  }
0x8f: {  	_ = 	snop  }
0x90: {  	s2 =	sld [smem:$0x3FD0];
	(tm) =	ssettm $0x1  }
0x91: {  	s18 =	sld [smem:$0x3FFB];
	_ =	sdelay $0x3  }
0x92: {  	_ =	strace s18  }
0x93: {  	s3 =	sld [smem:$0x3FFC];
	_ =	sdelay $0x3  }
0x94: {  	_ =	strace s3  }
0x95: {  	s3 =	sld [smem:$0x3FFD];
	_ =	sdelay $0x3  }
0x96: {  	_ =	strace s3  }
0x97: {  	_ =	strace $0x8FFFFFFF  }
0x98: {  	s19 =	sld [smem:$0x3FDB];
	_ =	sdelay $0x1  }
0x99: {  	s4 =	simm.s32 $_scs_section_size  }
0x9a: {  	s5 =	simm.s32 $_size__tile_overlayer_lowered;
	s6 =	simm.s32 $_tile_overlayer_lowered  }
0x9b: {  	s22 =	simm.s32 $0x1BFF;
	s21 =	sshll.u32 s6, $0x1;
	s3 =	sadd.s32 s4, s19  }
0x9c: {  	s7 =	simm.s32 $0x0;
	s20 =	sshll.u32 s5, $0x1;
	s5 =	sadd.s32 s21, s3  }
0x9d: {  	[timem:s7], [sflag:s22] =	dma.local [hbm:s5], s20  }
0x9e: {  	_ =	swait.ge [sflag:s22], s20  }
0x9f: {  	s4 =	ssub.s32 $0x0, s20;
	[sflag:s22] =	ssyncset.done $0x0  }
0xa0: {  	[sflag:s22] =	ssyncadd.s32 s4;
	_ =	sdelay $0x1  }
0xa1: {  	s23 =	simm.s32 $0x1B8B  }
0xa2: {  	_ =	swait.ge [sflag:s23], $0x1  }
0xa3: {  	[sflag:s23] =	ssyncset.done $0x0  }
0xa4: {  	s25 =	simm.s32 $0x1B8E;
	s24 =	sld [smem:$0x3FFE];
	[sflag:s23] =	ssyncadd.s32 $0xFFFFFFFF  }
0xa5: {  	s26 =	simm.s32 $execute0_lowered;
	[smem:$0x3FD2] =	sst s25  }
0xa6: {  	s5 =	sshll.u32 s26, $0x1;
	_ =	strace $0x8000004C;
	[dreg:$0x1] =	wrdreg $0xFFFFFFFF  }
0xa7: {  	s28 =	simm.s32 $_size_execute0_lowered;
	s3 =	sadd.s32 s3, s5;
	[dreg:$0x0] =	wrdreg $0x0  }
0xa8: {  	s5 =	sshll.u32 s28, $0x1;
	[dreg:$0x2] =	wrdreg s3  }
0xa9: {  	[dreg:$0x3] =	wrdreg s5  }
0xaa: {  	[dreg:$0x4] =	wrdreg $0xC0  }
0xab: {  	_ =	task [dreg:s7], $0x5FFFF  }
0xac: {  	[dreg:$0x1] =	wrdreg $0xFFFFFFFF  }
0xad: {  	[dreg:$0x0] =	wrdreg $0x60  }
0xae: {  	[dreg:$0x2] =	wrdreg s24  }
0xaf: {  	[dreg:$0x3] =	wrdreg s2  }
0xb0: {  	[dreg:$0x4] =	wrdreg $0x94000  }
0xb1: {  	[dreg:$0x5] =	wrdreg $0xBB800  }
0xb2: {  	[dreg:$0x6] =	wrdreg $0x9  }
0xb3: {  	_ =	task.clear_ibuf [dreg:s7], $0x7FFFF;
	_ =	strace $0x9000004C  }
0xb4: {  	s29 =	simm.s32 $0x9;
	_ =	strace $0x8000004E  }
0xb5: {  	_ =	swait.ge [sflag:s29], $0x1  }
0xb6: {  	[sflag:s29] =	ssyncadd.s32 $0xFFFFFFFF  }
0xb7: {  	_ =	strace $0x9000004E  }
0xb8: {  	_ =	sfence  }
0xb9: {  	s30 =	sld [smem:$0x0];
	_ =	sdelay $0x2  }
0xba: {  	s31 =	sshll.u32 s1, $0xD;
	s1 =	sshrl.u32 s1, $0x2  }
0xbb: {  	s3 =	sand.u32 $0x4000, s31;
	s1 =	sadd.s32 s1, s30  }
0xbc: {  	s0 =	sor.u32 s3, s0;
	s1 =	sshll.u32 s1, $0x11  }
0xbd: {  	s0 =	sor.u32 s1, s0  }
0xbe: {  	s0 =	sadd.s32 $0x8F2B, s0  }
0xbf: {  	[sflag:s0] =	ssyncadd.remote.s32 $0x1  }
0xc0: {  	_ =	sfence.sel $0xFFFF  }
0xc1: {  	[dreg:$0x0] =	wrdreg $0xFFFFFFFF;
	(pc) =	sbr.abs _section_cstart, $3  }
0xc2: {  	[dreg:$0x1] =	wrdreg $0xFFFFFFFF  }
0xc3: {  	_ =	task.clear_ibuf [dreg:s7], $0x2FFFF;
	_ =	strace $0x9FFFFFFF  }
0xc4: {  	(tm) =	ssettm $0x7FFFFFFF  }
0xc5: {  	_ =	shalt  }
tec
execute0_lowered:
.L_overlay_start_1:
0x0: {  	(tag) =	ssettag $0x1  }
0x1: {  	s6 =	rddreg [dreg:$0x0]  }
0x2: {  	s7 =	rddreg [dreg:$0x1]  }
0x3: {  	s0 =	srdreg.scid;
	s2 =	rddreg [dreg:$0x2]  }
0x4: {  	s3 =	rddreg [dreg:$0x3];
	s4 =	simm.s32 $0x0;
	s17 =	simm.s32 $0x2  }
0x5: {  	s18 =	simm.s32 $0x5400;
	s19 =	simm.s32 $0x80;
	s8 =	sand.u32 $0x1, s0  }
0x6: {  	s20 =	simm.s32 $0x5080;
	s0 =	stileid.u32;
	s5 =	smul.u32 $0x28000, s8  }
0x7: {  	s21 =	simm.s32 $0x5100;
	s22 =	simm.s32 $0x5180;
	s9 =	smul.u32 $0x2800, s0  }
0x8: {  	s23 =	simm.s32 $0x5200;
	s24 =	simm.s32 $0x2800;
	s10 =	smul.u32 $0x13C00, s0  }
0x9: {  	s28 =	simm.s32 $0x0;
	[smem:$0x7FF] =	sst s4;
	s11 =	smul.u32 $0x13C000, s8  }
0xa: {  	_ =	strace $0x8000004D;
	s8 =	ssub.s32 $0x2, s8;
	s31 =	sshll.u32 s0, $0x7  }
0xb: {  	s16 =	smul.u32 $0x4F000, s0;
	s30 =	sshrl.u32 s8, $0x1;
	s5 =	sadd.s32 s9, s5  }
0xc: {  	s26 =	sshrl.u32 s10, $0x3;
	s29 =	sadd.s32 s10, s11;
	s15 =	ssub.s32 s8, s30  }
0xd: {  	s16 =	sshrl.u32 s16, $0x2;
	s5 =	sshrl.u32 s5, $0x3;
	s12 =	sadd.s32 s26, s6  }
0xe: {  	s9 =	sshrl.u32 s29, $0x3;
	s25 =	sadd.s32 s16, s2;
	s15 =	smax.u32 s15, $0x1  }
0xf: {  	s16 =	simm.s32 $0x5000;
	s26 =	simm.s32 $0x1;
	s13 =	sadd.s32 s5, s6  }
0x10: {  	s5 =	sadd.s32 $0xE000, s6;
	s14 =	sadd.s32 s9, s6;
	s6 =	sadd.s32 s7, s31  }
0x11: {  	s7 =	sadd.s32 $0xE800, s12;
	s8 =	sadd.s32 $0xF000, s12;
	s9 =	sadd.s32 $0xF800, s12  }
0x12: {  	s10 =	sadd.s32 $0x10000, s12;
	s11 =	sadd.s32 $0x10780, s12;
	s25 =	sshrl.u32 s25, $0x3  }
0x13: {  	s12 =	sadd.s32 $0x5E000, s13;
	s13 =	sadd.s32 $0x4000, s13;
	s14 =	sadd.s32 $0x68000, s14  }
.LBB2_1:
0x14: {  	[tilespmem:s16], [sflag:$0x2] =	stream.linear.gather [hbm4b:s6+s4], $0x280, $0x38;
	[tilespmem:$0xE300] =	vst v63  }
0x15: {  	_ =	swait.ge [sflag:s17], $0x280  }
0x16: {  	[sflag:s17] =	ssyncset.done $0x0  }
0x17: {  	[sflag:s17] =	ssyncadd.s32 $0xFFFFFD80  }
0x18: {  	[tilespmem:s18], [sflag:$0x2] =	stream.linear.gather [hbm4b:s7+s4], $0x4000, $0x38;
	[tilespmem:$0xE300] =	vst v63  }
0x19: {  	_ =	swait.ge [sflag:s17], $0x4000  }
0x1a: {  	[sflag:s17] =	ssyncset.done $0x0  }
0x1b: {  	[sflag:s17] =	ssyncadd.s32 $0xFFFFC000  }
0x1c: {  	[spmem:s3] =	stream.indirect.scatter [tilespmem:s18], [sflag:$0x2], $0x10, s16, s19, $0xb8;
	[tilespmem:$0xE300] =	vst v63  }
0x1d: {  	_ =	swait.ge [sflag:s17], $0x800  }
0x1e: {  	[sflag:s17] =	ssyncset.done $0x0  }
0x1f: {  	[sflag:s17] =	ssyncadd.s32 $0xFFFFF800  }
0x20: {  	[tilespmem:s18], [sflag:$0x2] =	stream.linear.gather [hbm4b:s8+s4], $0x4000, $0x38;
	[tilespmem:$0xE300] =	vst v63  }
0x21: {  	_ =	swait.ge [sflag:s17], $0x4000  }
0x22: {  	[sflag:s17] =	ssyncset.done $0x0  }
0x23: {  	[sflag:s17] =	ssyncadd.s32 $0xFFFFC000  }
0x24: {  	[spmem:s3] =	stream.indirect.scatter [tilespmem:s18], [sflag:$0x2], $0x10, s20, s19, $0xb8;
	[tilespmem:$0xE300] =	vst v63  }
0x25: {  	_ =	swait.ge [sflag:s17], $0x800  }
0x26: {  	[sflag:s17] =	ssyncset.done $0x0  }
0x27: {  	[sflag:s17] =	ssyncadd.s32 $0xFFFFF800  }
0x28: {  	[tilespmem:s18], [sflag:$0x2] =	stream.linear.gather [hbm4b:s9+s4], $0x4000, $0x38;
	[tilespmem:$0xE300] =	vst v63  }
0x29: {  	_ =	swait.ge [sflag:s17], $0x4000  }
0x2a: {  	[sflag:s17] =	ssyncset.done $0x0  }
0x2b: {  	[sflag:s17] =	ssyncadd.s32 $0xFFFFC000  }
0x2c: {  	[spmem:s3] =	stream.indirect.scatter [tilespmem:s18], [sflag:$0x2], $0x10, s21, s19, $0xb8;
	[tilespmem:$0xE300] =	vst v63  }
0x2d: {  	_ =	swait.ge [sflag:s17], $0x800  }
0x2e: {  	[sflag:s17] =	ssyncset.done $0x0  }
0x2f: {  	[sflag:s17] =	ssyncadd.s32 $0xFFFFF800  }
0x30: {  	[tilespmem:s18], [sflag:$0x2] =	stream.linear.gather [hbm4b:s10+s4], $0x4000, $0x38;
	[tilespmem:$0xE300] =	vst v63  }
0x31: {  	_ =	swait.ge [sflag:s17], $0x4000  }
0x32: {  	[sflag:s17] =	ssyncset.done $0x0  }
0x33: {  	[sflag:s17] =	ssyncadd.s32 $0xFFFFC000  }
0x34: {  	[spmem:s3] =	stream.indirect.scatter [tilespmem:s18], [sflag:$0x2], $0x10, s22, s19, $0xb8;
	[tilespmem:$0xE300] =	vst v63  }
0x35: {  	_ =	swait.ge [sflag:s17], $0x800  }
0x36: {  	[sflag:s17] =	ssyncset.done $0x0  }
0x37: {  	[sflag:s17] =	ssyncadd.s32 $0xFFFFF800  }
0x38: {  	[tilespmem:s18], [sflag:$0x2] =	stream.linear.gather [hbm4b:s11+s4], $0x4000, $0x38;
	[tilespmem:$0xE300] =	vst v63  }
0x39: {  	_ =	swait.ge [sflag:s17], $0x4000  }
0x3a: {  	[sflag:s17] =	ssyncset.done $0x0  }
0x3b: {  	[sflag:s17] =	ssyncadd.s32 $0xFFFFC000  }
0x3c: {  	[spmem:s3] =	stream.indirect.scatter [tilespmem:s18], [sflag:$0x2], $0x10, s23, s19, $0xb8;
	[tilespmem:$0xE300] =	vst v63  }
0x3d: {  	_ =	swait.ge [sflag:s17], $0x800  }
0x3e: {  	[sflag:s17] =	ssyncset.done $0x0  }
0x3f: {  	[sflag:s17] =	ssyncadd.s32 $0xFFFFF800  }
0x40: {  	[tilespmem:s18], [sflag:$0x2] =	stream.linear.gather [hbm4b:s5+s4], $0x4000, $0x38;
	[tilespmem:$0xE300] =	vst v63  }
0x41: {  	_ =	swait.ge [sflag:s17], $0x4000  }
0x42: {  	[sflag:s17] =	ssyncset.done $0x0  }
0x43: {  	[sflag:s17] =	ssyncadd.s32 $0xFFFFC000  }
0x44: {  	[spmem:s2] =	stream.indirect.scatter [tilespmem:s18], [sflag:$0x2], $0x10, s16, s19, $0xb8;
	[tilespmem:$0xE300] =	vst v63  }
0x45: {  	_ =	swait.ge [sflag:s17], $0x800  }
0x46: {  	[sflag:s17] =	ssyncset.done $0x0  }
0x47: {  	[sflag:s17] =	ssyncadd.s32 $0xFFFFF800  }
0x48: {  	[spmem:s2] =	stream.indirect.scatter [tilespmem:s18], [sflag:$0x2], $0x10, s20, s19, $0xb8;
	[tilespmem:$0xE300] =	vst v63  }
0x49: {  	_ =	swait.ge [sflag:s17], $0x800  }
0x4a: {  	[sflag:s17] =	ssyncset.done $0x0  }
0x4b: {  	[sflag:s17] =	ssyncadd.s32 $0xFFFFF800  }
0x4c: {  	[spmem:s2] =	stream.indirect.scatter [tilespmem:s18], [sflag:$0x2], $0x10, s21, s19, $0xb8;
	[tilespmem:$0xE300] =	vst v63  }
0x4d: {  	_ =	swait.ge [sflag:s17], $0x800  }
0x4e: {  	[sflag:s17] =	ssyncset.done $0x0  }
0x4f: {  	[sflag:s17] =	ssyncadd.s32 $0xFFFFF800  }
0x50: {  	[spmem:s2] =	stream.indirect.scatter [tilespmem:s18], [sflag:$0x2], $0x10, s22, s19, $0xb8;
	[tilespmem:$0xE300] =	vst v63  }
0x51: {  	_ =	swait.ge [sflag:s17], $0x800  }
0x52: {  	[sflag:s17] =	ssyncset.done $0x0  }
0x53: {  	[sflag:s17] =	ssyncadd.s32 $0xFFFFF800  }
0x54: {  	[spmem:s2] =	stream.indirect.scatter [tilespmem:s18], [sflag:$0x2], $0x10, s23, s19, $0xb8;
	[tilespmem:$0xE300] =	vst v63  }
0x55: {  	_ =	swait.ge [sflag:s17], $0x800  }
0x56: {  	[sflag:s17] =	ssyncset.done $0x0  }
0x57: {  	[sflag:s17] =	ssyncadd.s32 $0xFFFFF800  }
0x58: {  	[tilespmem:s4], [sflag:$0x2] =	stream.linear.gather [hbm4b:s12+s4], $0x2800, $0x38;
	[tilespmem:$0xE300] =	vst v63  }
0x59: {  	_ =	swait.ge [sflag:s17], $0x2800  }
0x5a: {  	[sflag:s17] =	ssyncset.done $0x0  }
0x5b: {  	[sflag:s17] =	ssyncadd.s32 $0xFFFFD800  }
0x5c: {  	[tilespmem:s24], [sflag:$0x2] =	stream.linear.gather [hbm4b:s13+s4], $0x2800, $0x38;
	[tilespmem:$0xE300] =	vst v63  }
0x5d: {  	_ =	swait.ge [sflag:s17], $0x2800  }
0x5e: {  	[sflag:s17] =	ssyncset.done $0x0  }
0x5f: {  	[sflag:s17] =	ssyncadd.s32 $0xFFFFD800  }
0x60: {  	s29 =	simm.s32 $0x0;
	[bflag:$0x0] =	sbarrier.arrive $0xFFFF  }
0x61: {  	[tilespmem:s18], [sflag:$0x1] =	stream.indirect.gather [spmem:s3], $0x10, s29, s19, $0xb8;
	[tilespmem:$0xE300] =	vst v63  }
0x62: {  	_ =	swait.ge [sflag:s26], $0x800  }
0x63: {  	[sflag:s26] =	ssyncset.done $0x0  }
0x64: {  	s29 =	simm.s32 $0x2800;
	[sflag:s26] =	ssyncadd.s32 $0xFFFFF800  }
0x65: {  	[spmem:s2] =	stream.indirect.scatter.add.f32 [tilespmem:s18], [sflag:$0x2], $0x10, s29, s19, $0xb8;
	[tilespmem:$0xE300] =	vst v63  }
0x66: {  	_ =	swait.ge [sflag:s17], $0x800  }
0x67: {  	s30 =	simm.s32 $0x400;
	s29 =	simm.s32 $0x200;
	[sflag:s17] =	ssyncset.done $0x0  }
.LBB2_2:
0x68: {  	s31 =	sshra.s32 s29, $0x2  }
0x69: {  	[sflag:s17] =	ssyncadd.s32 $0xFFFFF800;
	s29 =	smov.u32 s30;
	s1 =	sadd.s32 $0x200, s30  }
0x6a: {  	[tilespmem:s18], [sflag:$0x1] =	stream.indirect.gather [spmem:s3], $0x10, s31, s19, $0xb8;
	[tilespmem:$0xE300] =	vst v63  }
0x6b: {  	p0 =	sne.s32 s30, $0x9E00;
	_ =	swait.ge [sflag:s26], $0x800  }
.Ltmp0:
0x6c: {  	[sflag:s26] =	ssyncset.done $0x0;
	(pc) =	sbr.rel @p0 .LBB2_2-.Ltmp0, $4  }
0x6d: {  	s30 =	sadd.s32 $0x2800, s31;
	[sflag:s26] =	ssyncadd.s32 $0xFFFFF800  }
0x6e: {  	[spmem:s2] =	stream.indirect.scatter.add.f32 [tilespmem:s18], [sflag:$0x2], $0x10, s30, s19, $0xb8;
	[tilespmem:$0xE300] =	vst v63  }
0x6f: {  	_ =	swait.ge [sflag:s17], $0x800  }
0x70: {  	s30 =	smov.u32 s1;
	[sflag:s17] =	ssyncset.done $0x0  }
0x71: {  	s1 =	sshra.s32 s29, $0x2;
	[sflag:s17] =	ssyncadd.s32 $0xFFFFF800  }
0x72: {  	[tilespmem:s18], [sflag:$0x1] =	stream.indirect.gather [spmem:s3], $0x10, s1, s19, $0xb8;
	[tilespmem:$0xE300] =	vst v63  }
0x73: {  	_ =	swait.ge [sflag:s26], $0x800  }
0x74: {  	[sflag:s26] =	ssyncset.done $0x0  }
0x75: {  	s1 =	sadd.s32 $0x2800, s1;
	[sflag:s26] =	ssyncadd.s32 $0xFFFFF800  }
0x76: {  	[spmem:s2] =	stream.indirect.scatter.add.f32 [tilespmem:s18], [sflag:$0x2], $0x10, s1, s19, $0xb8;
	[tilespmem:$0xE300] =	vst v63  }
0x77: {  	_ =	swait.ge [sflag:s17], $0x800  }
0x78: {  	s28 =	sadd.s32 $0x1, s28;
	[sflag:s17] =	ssyncset.done $0x0  }
0x79: {  	s31 =	sshll.u32 s0, $0x6;
	p0 =	sne.s32 s28, s15;
	[sflag:s17] =	ssyncadd.s32 $0xFFFFF800  }
.Ltmp1:
0x7a: {  	s1 =	sor.u32 $0x1C02, s31;
	[bflag:$0x0] =	sbarrier.arrive $0xFFFF;
	(pc) =	sbr.rel @p0 .LBB2_1-.Ltmp1, $4  }
0x7b: {  	[hbm:s14], [sflag:s1] =	dma.local [spmem:s25], $0x2780  }
0x7c: {  	_ =	swait.ge [sflag:s17], $0x2780  }
0x7d: {  	[sflag:s17] =	ssyncset.done $0x0  }
0x7e: {  	[sflag:s17] =	ssyncadd.s32 $0xFFFFD880  }
0x7f: {  	_ =	sfence.sel $0x180000  }
0x80: {  	[bflag:$0x0] =	sbarrier.arrive $0xFFFF  }
0x81: {  	_ =	strace $0x9000004D  }
0x82: {  	[bflag:$0x2] =	sbarrier.arrive $0xFFFF  }
0x83: {  	p0 =	sne.s32 s0, $0x0;
	s0 =	rddreg [dreg:$0x4]  }
0x84: {  	s0 =	sadd.s32 @!p0 $0x100000, s0  }
0x85: {  	[sflag:s0] =	ssyncadd.tile.s32 @!p0 $0x1;
	_ =	shalt  }
.Lfunc_end2:
_tile_overlayer_lowered:
.L_overlay_start_2:
0x86: {  	(tag) =	ssettag $0x2  }
0x87: {  	s0 =	rddreg [dreg:$0x0];
	s2 =	stileid.u32  }
0x88: {  	s1 =	rddreg [dreg:$0x1];
	p0 =	sne.s32 s2, $0x0  }
0x89: {  	s3 =	rddreg [dreg:$0x2];
	[bflag:$0x3] =	sbarrier.arrive $0xFFFF;
	s2 =	simm.s32 @!p0 $0x1C02  }
0x8a: {  	[timem:s3], [sflag:s2] =	dma.local @!p0 [hbm:s0], s1  }
0x8b: {  	s0 =	simm.s32 @!p0 $0x2  }
0x8c: {  	_ =	swait.ge @!p0 [sflag:s0], s1  }
0x8d: {  	s1 =	ssub.s32 @!p0 $0x0, s1;
	[sflag:s0] =	ssyncset.done @!p0 $0x0  }
0x8e: {  	[sflag:s0] =	ssyncadd.s32 @!p0 s1  }
0x8f: {  	[bflag:$0x3] =	sbarrier.arrive $0xFFFF  }
0x90: {  	_ =	shalt  }

// kernel: kernel.19.cloned.1.call-start
scs
__scs_entry_jumppad:
0x0: {  	(pc) =	sbr.rel $0x88, $3  }
0x1: {  	(tag) =	ssettag $0x0;
	lr =	simm.s32 $0x1  }
0x2: {  	[smem:$0x3F8F] =	sst lr;
	_ =	strace $0xD0000000  }
0x3: {  	_ = 	snop  }
0x4: {  	_ = 	snop  }
0x5: {  	_ = 	snop  }
0x6: {  	_ = 	snop  }
0x7: {  	_ = 	snop  }
__scs_overlays_trampoline_lowered:
0x8: {  	[smem:$0x3F9E] =	sst s0  }
0x9: {  	[smem:$0x3F9F] =	sst s1  }
0xa: {  	[smem:$0x3FA0] =	sst s2  }
0xb: {  	[smem:$0x3FA1] =	sst s3  }
0xc: {  	[smem:$0x3FA2] =	sst s4  }
0xd: {  	[smem:$0x3FA3] =	sst s5  }
0xe: {  	[smem:$0x3FA4] =	sst s6  }
0xf: {  	[smem:$0x3FA5] =	sst s7  }
0x10: {  	[smem:$0x3FA6] =	sst s8  }
0x11: {  	[smem:$0x3FA7] =	sst s9;
	s0 =	simm.s32 @!p0 $0x0  }
0x12: {  	s1 =	sld [smem:$0x3F8D];
	s0 =	simm.s32 @p0 $0x1  }
0x13: {  	[smem:$0x3FA8] =	sst s0;
	s0 =	simm.s32 @!p1 $0x0  }
0x14: {  	s2 =	sld [smem:$0x3F8C];
	s0 =	simm.s32 @p1 $0x1  }
0x15: {  	[smem:$0x3FA9] =	sst s0;
	s0 =	simm.s32 @!p2 $0x0  }
0x16: {  	s3 =	sld [smem:$0x3FDB];
	s0 =	simm.s32 @p2 $0x1  }
0x17: {  	s4 =	simm.s32 $0x1BF5;
	[smem:$0x3FAB] =	sst s0  }
0x18: {  	s0 =	sld [smem:$0x3F8E];
	_ =	swait.ge [sflag:s4], $0x0  }
0x19: {  	s7 =	sld [smem:$0x3F8F]  }
0x1a: {  	s8 =	sadd.s32 $0xFFFFE003, lr  }
0x1b: {  	s9 =	sadd.s32 $0xFFFFFEF7, lr;
	s5 =	simm.s32 $0xFFFFFFFF;
	p2 =	slt.u32 s8, $0xFFFFF086  }
0x1c: {  	p1 =	slt.u32 s9, $0xF7A;
	s5 =	simm.s32 @!p2 $0x0  }
0x1d: {  	s5 =	simm.s32 @p1 $0x1;
	p0 =	seq.s32 s7, s2  }
0x1e: {  	s7 =	smul.u32 @!p0 $0xF7A, s2;
	p2 =	seq.s32 @!p0 s5, $0x0  }
0x1f: {  	s9 =	smul.u32 $0xF7A, s1;
	s8 =	simm.s32 @!p0 $0x1BF5;
	p2 =	por !p2, p0  }
0x20: {  	[sflag:s8] =	ssyncset.s32 @!p0 $0xFFFFF086;
	s6 =	sadd.s32 @!p0 s3, s7;
	s7 =	simm.s32 @!p0 $0x108  }
0x21: {  	s3 =	sadd.s32 s3, s9;
	s6 =	sadd.s32 @!p0 $0x88, s6;
	s7 =	simm.s32 @p2 $0x1082  }
0x22: {  	[simem:s7], [sflag:s8] =	dma.local @!p0 [hbm:s6], $0xF7A  }
0x23: {  	s9 =	sor.u32 $0xD0000000, s2;
	s6 =	simm.s32 $0x108;
	_ =	swait.ge @!p0 [sflag:s8], $0x0  }
0x24: {  	s3 =	sadd.s32 $0x88, s3;
	s6 =	simm.s32 @!p1 $0x1082;
	[sflag:s4] =	ssyncset.s32 $0xFFFFF086  }
0x25: {  	[simem:s6], [sflag:s4] =	dma.local [hbm:s3], $0xF7A  }
0x26: {  	[smem:$0x3F8F] =	sst s1;
	(tag) =	ssettag s2;
	_ =	strace s9  }
0x27: {  	s1 =	sld [smem:$0x3F9F]  }
0x28: {  	s2 =	sld [smem:$0x3FA0]  }
0x29: {  	s4 =	sld [smem:$0x3FA2]  }
0x2a: {  	p0 =	seq.s32 s5, $0x0;
	s5 =	sld [smem:$0x3FA3]  }
0x2b: {  	s6 =	sld [smem:$0x3FA4]  }
0x2c: {  	s7 =	sld [smem:$0x3FA5]  }
0x2d: {  	s3 =	simm.s32 $0x108;
	s8 =	sld [smem:$0x3FA6]  }
0x2e: {  	s3 =	simm.s32 @!p0 $0x1082;
	s9 =	sld [smem:$0x3FA7]  }
0x2f: {  	lr =	sadd.s32 s0, s3;
	s0 =	sld [smem:$0x3F9E]  }
0x30: {  	s3 =	sld [smem:$0x3FA1]  }
0x31: {  	[smem:$0x3FAA] =	sst s10  }
0x32: {  	s10 =	sld [smem:$0x3FA8];
	_ =	sdelay $0x3  }
0x33: {  	p0 =	seq.s32 s10, $0x1;
	s10 =	sld [smem:$0x3FAA];
	_ =	sdelay $0x3  }
0x34: {  	[smem:$0x3FAA] =	sst s10  }
0x35: {  	s10 =	sld [smem:$0x3FA9];
	_ =	sdelay $0x3  }
0x36: {  	p1 =	seq.s32 s10, $0x1;
	s10 =	sld [smem:$0x3FAA];
	_ =	sdelay $0x3  }
0x37: {  	[smem:$0x3FAA] =	sst s10  }
0x38: {  	s10 =	sld [smem:$0x3FAB]  }
0x39: {  	_ = 	snop;
	(pc) =	sbr.ind lr, $3  }
0x3a: {  	_ = 	snop  }
0x3b: {  	_ = 	snop  }
0x3c: {  	p2 =	seq.s32 s10, $0x1;
	s10 =	sld [smem:$0x3FAA]  }
0x3d: {  	_ =	shalt  }
0x3e: {  	_ =	shalt  }
0x3f: {  	_ =	shalt  }
0x40: {  	_ =	shalt  }
0x41: {  	_ =	shalt  }
0x42: {  	_ =	shalt  }
0x43: {  	_ =	shalt  }
0x44: {  	_ =	shalt  }
0x45: {  	_ =	shalt  }
0x46: {  	_ =	shalt  }
0x47: {  	_ =	shalt  }
0x48: {  	_ =	shalt  }
0x49: {  	_ =	shalt  }
0x4a: {  	_ =	shalt  }
0x4b: {  	_ =	shalt  }
0x4c: {  	_ =	shalt  }
0x4d: {  	_ =	shalt  }
0x4e: {  	_ =	shalt  }
0x4f: {  	_ =	shalt  }
0x50: {  	_ =	shalt  }
0x51: {  	_ =	shalt  }
0x52: {  	_ =	shalt  }
0x53: {  	_ =	shalt  }
0x54: {  	_ =	shalt  }
0x55: {  	_ =	shalt  }
0x56: {  	_ =	shalt  }
0x57: {  	_ =	shalt  }
0x58: {  	_ =	shalt  }
0x59: {  	_ =	shalt  }
0x5a: {  	_ =	shalt  }
0x5b: {  	_ =	shalt  }
0x5c: {  	_ =	shalt  }
0x5d: {  	_ =	shalt  }
0x5e: {  	_ =	shalt  }
0x5f: {  	_ =	shalt  }
0x60: {  	_ =	shalt  }
0x61: {  	_ =	shalt  }
0x62: {  	_ =	shalt  }
0x63: {  	_ =	shalt  }
0x64: {  	_ =	shalt  }
0x65: {  	_ =	shalt  }
0x66: {  	_ =	shalt  }
0x67: {  	_ =	shalt  }
0x68: {  	_ =	shalt  }
0x69: {  	_ =	shalt  }
0x6a: {  	_ =	shalt  }
0x6b: {  	_ =	shalt  }
0x6c: {  	_ =	shalt  }
0x6d: {  	_ =	shalt  }
0x6e: {  	_ =	shalt  }
0x6f: {  	_ =	shalt  }
0x70: {  	_ =	shalt  }
0x71: {  	_ =	shalt  }
0x72: {  	_ =	shalt  }
0x73: {  	_ =	shalt  }
0x74: {  	_ =	shalt  }
0x75: {  	_ =	shalt  }
0x76: {  	_ =	shalt  }
0x77: {  	_ =	shalt  }
0x78: {  	_ =	shalt  }
0x79: {  	_ =	shalt  }
0x7a: {  	_ =	shalt  }
0x7b: {  	_ =	shalt  }
0x7c: {  	_ =	shalt  }
0x7d: {  	_ =	shalt  }
0x7e: {  	_ =	shalt  }
0x7f: {  	_ =	shalt  }
0x80: {  	_ =	shalt  }
0x81: {  	_ =	shalt  }
0x82: {  	_ =	shalt  }
0x83: {  	_ =	shalt  }
0x84: {  	_ =	shalt  }
0x85: {  	_ =	shalt  }
0x86: {  	_ =	shalt  }
0x87: {  	_ =	shalt  }
.Lfunc_end0:
.L_simem_size_0:
called_computation.3_lowered:
.L_overlay_start_0:
0x88: {  	s2 =	sld [smem:$0x3FD9]  }
0x89: {  	s3 =	sld [smem:$0x3FFE];
	_ =	sdelay $0x1  }
0x8a: {  	s1 =	srdreg.scid  }
0x8b: {  	s0 =	sand.u32 $0x1, s1  }
0x8c: {  	s17 =	sshll.u32 s0, $0xA;
	s2 =	sadd.s32 s3, s2  }
0x8d: {  	s2 =	sadd.s32 s2, s17  }
0x8e: {  	[smem:$0x3FB6] =	sst s2  }
0x8f: {  	_ = 	snop  }
0x90: {  	s2 =	sld [smem:$0x3FD0];
	(tm) =	ssettm $0x1  }
0x91: {  	s18 =	sld [smem:$0x3FFB];
	_ =	sdelay $0x3  }
0x92: {  	_ =	strace s18  }
0x93: {  	s3 =	sld [smem:$0x3FFC];
	_ =	sdelay $0x3  }
0x94: {  	_ =	strace s3  }
0x95: {  	s3 =	sld [smem:$0x3FFD];
	_ =	sdelay $0x3  }
0x96: {  	_ =	strace s3  }
0x97: {  	_ =	strace $0x8FFFFFFF  }
0x98: {  	s19 =	sld [smem:$0x3FDB];
	_ =	sdelay $0x1  }
0x99: {  	s4 =	simm.s32 $_scs_section_size  }
0x9a: {  	s5 =	simm.s32 $_size__tile_overlayer_lowered;
	s6 =	simm.s32 $_tile_overlayer_lowered  }
0x9b: {  	s22 =	simm.s32 $0x1BFF;
	s21 =	sshll.u32 s6, $0x1;
	s3 =	sadd.s32 s4, s19  }
0x9c: {  	s7 =	simm.s32 $0x0;
	s20 =	sshll.u32 s5, $0x1;
	s5 =	sadd.s32 s21, s3  }
0x9d: {  	[timem:s7], [sflag:s22] =	dma.local [hbm:s5], s20  }
0x9e: {  	_ =	swait.ge [sflag:s22], s20  }
0x9f: {  	s4 =	ssub.s32 $0x0, s20;
	[sflag:s22] =	ssyncset.done $0x0  }
0xa0: {  	[sflag:s22] =	ssyncadd.s32 s4;
	_ =	sdelay $0x1  }
0xa1: {  	s23 =	simm.s32 $0x1B8B  }
0xa2: {  	_ =	swait.ge [sflag:s23], $0x1  }
0xa3: {  	[sflag:s23] =	ssyncset.done $0x0  }
0xa4: {  	s25 =	simm.s32 $0x1B8E;
	s24 =	sld [smem:$0x3FFE];
	[sflag:s23] =	ssyncadd.s32 $0xFFFFFFFF  }
0xa5: {  	s26 =	simm.s32 $execute0_lowered;
	[smem:$0x3FD2] =	sst s25  }
0xa6: {  	s5 =	sshll.u32 s26, $0x1;
	_ =	strace $0x8000004F;
	[dreg:$0x1] =	wrdreg $0xFFFFFFFF  }
0xa7: {  	s28 =	simm.s32 $_size_execute0_lowered;
	s3 =	sadd.s32 s3, s5;
	[dreg:$0x0] =	wrdreg $0x0  }
0xa8: {  	s5 =	sshll.u32 s28, $0x1;
	[dreg:$0x2] =	wrdreg s3  }
0xa9: {  	[dreg:$0x3] =	wrdreg s5  }
0xaa: {  	[dreg:$0x4] =	wrdreg $0xC0  }
0xab: {  	_ =	task [dreg:s7], $0x5FFFF  }
0xac: {  	[dreg:$0x1] =	wrdreg $0xFFFFFFFF  }
0xad: {  	[dreg:$0x0] =	wrdreg $0x60  }
0xae: {  	[dreg:$0x2] =	wrdreg s24  }
0xaf: {  	[dreg:$0x3] =	wrdreg s2  }
0xb0: {  	[dreg:$0x4] =	wrdreg $0x94000  }
0xb1: {  	[dreg:$0x5] =	wrdreg $0xBB800  }
0xb2: {  	[dreg:$0x6] =	wrdreg $0x9  }
0xb3: {  	_ =	task.clear_ibuf [dreg:s7], $0x7FFFF;
	_ =	strace $0x9000004F  }
0xb4: {  	s29 =	simm.s32 $0x9;
	_ =	strace $0x80000051  }
0xb5: {  	_ =	swait.ge [sflag:s29], $0x1  }
0xb6: {  	[sflag:s29] =	ssyncadd.s32 $0xFFFFFFFF  }
0xb7: {  	_ =	strace $0x90000051  }
0xb8: {  	_ =	sfence  }
0xb9: {  	s30 =	sld [smem:$0x0];
	_ =	sdelay $0x2  }
0xba: {  	s31 =	sshll.u32 s1, $0xD;
	s1 =	sshrl.u32 s1, $0x2  }
0xbb: {  	s3 =	sand.u32 $0x4000, s31;
	s1 =	sadd.s32 s1, s30  }
0xbc: {  	s0 =	sor.u32 s3, s0;
	s1 =	sshll.u32 s1, $0x11  }
0xbd: {  	s0 =	sor.u32 s1, s0  }
0xbe: {  	s0 =	sadd.s32 $0x8F2B, s0  }
0xbf: {  	[sflag:s0] =	ssyncadd.remote.s32 $0x1  }
0xc0: {  	_ =	sfence.sel $0xFFFF  }
0xc1: {  	[dreg:$0x0] =	wrdreg $0xFFFFFFFF;
	(pc) =	sbr.abs _section_cstart, $3  }
0xc2: {  	[dreg:$0x1] =	wrdreg $0xFFFFFFFF  }
0xc3: {  	_ =	task.clear_ibuf [dreg:s7], $0x2FFFF;
	_ =	strace $0x9FFFFFFF  }
0xc4: {  	(tm) =	ssettm $0x7FFFFFFF  }
0xc5: {  	_ =	shalt  }
tec
execute0_lowered:
.L_overlay_start_1:
0x0: {  	(tag) =	ssettag $0x1  }
0x1: {  	s6 =	rddreg [dreg:$0x0]  }
0x2: {  	s7 =	rddreg [dreg:$0x1]  }
0x3: {  	s0 =	srdreg.scid;
	s2 =	rddreg [dreg:$0x2]  }
0x4: {  	s3 =	rddreg [dreg:$0x3];
	s4 =	simm.s32 $0x0;
	s17 =	simm.s32 $0x2  }
0x5: {  	s18 =	simm.s32 $0x5400;
	s19 =	simm.s32 $0x80;
	s8 =	sand.u32 $0x1, s0  }
0x6: {  	s20 =	simm.s32 $0x5080;
	s0 =	stileid.u32;
	s5 =	smul.u32 $0x28000, s8  }
0x7: {  	s21 =	simm.s32 $0x5100;
	s22 =	simm.s32 $0x5180;
	s9 =	smul.u32 $0x2800, s0  }
0x8: {  	s23 =	simm.s32 $0x5200;
	s24 =	simm.s32 $0x2800;
	s10 =	smul.u32 $0x13C00, s0  }
0x9: {  	s28 =	simm.s32 $0x0;
	[smem:$0x7FF] =	sst s4;
	s11 =	smul.u32 $0x13C000, s8  }
0xa: {  	_ =	strace $0x80000050;
	s8 =	ssub.s32 $0x2, s8;
	s31 =	sshll.u32 s0, $0x7  }
0xb: {  	s16 =	smul.u32 $0x4F000, s0;
	s30 =	sshrl.u32 s8, $0x1;
	s5 =	sadd.s32 s9, s5  }
0xc: {  	s26 =	sshrl.u32 s10, $0x3;
	s29 =	sadd.s32 s10, s11;
	s15 =	ssub.s32 s8, s30  }
0xd: {  	s16 =	sshrl.u32 s16, $0x2;
	s5 =	sshrl.u32 s5, $0x3;
	s12 =	sadd.s32 s26, s6  }
0xe: {  	s9 =	sshrl.u32 s29, $0x3;
	s25 =	sadd.s32 s16, s2;
	s15 =	smax.u32 s15, $0x1  }
0xf: {  	s16 =	simm.s32 $0x5000;
	s26 =	simm.s32 $0x1;
	s13 =	sadd.s32 s5, s6  }
0x10: {  	s5 =	sadd.s32 $0xE000, s6;
	s14 =	sadd.s32 s9, s6;
	s6 =	sadd.s32 s7, s31  }
0x11: {  	s7 =	sadd.s32 $0xE800, s12;
	s8 =	sadd.s32 $0xF000, s12;
	s9 =	sadd.s32 $0xF800, s12  }
0x12: {  	s10 =	sadd.s32 $0x10000, s12;
	s11 =	sadd.s32 $0x10780, s12;
	s25 =	sshrl.u32 s25, $0x3  }
0x13: {  	s12 =	sadd.s32 $0x5E000, s13;
	s13 =	sadd.s32 $0x4000, s13;
	s14 =	sadd.s32 $0x68000, s14  }
.LBB2_1:
0x14: {  	[tilespmem:s16], [sflag:$0x2] =	stream.linear.gather [hbm4b:s6+s4], $0x280, $0x38;
	[tilespmem:$0xE300] =	vst v63  }
0x15: {  	_ =	swait.ge [sflag:s17], $0x280  }
0x16: {  	[sflag:s17] =	ssyncset.done $0x0  }
0x17: {  	[sflag:s17] =	ssyncadd.s32 $0xFFFFFD80  }
0x18: {  	[tilespmem:s18], [sflag:$0x2] =	stream.linear.gather [hbm4b:s7+s4], $0x4000, $0x38;
	[tilespmem:$0xE300] =	vst v63  }
0x19: {  	_ =	swait.ge [sflag:s17], $0x4000  }
0x1a: {  	[sflag:s17] =	ssyncset.done $0x0  }
0x1b: {  	[sflag:s17] =	ssyncadd.s32 $0xFFFFC000  }
0x1c: {  	[spmem:s3] =	stream.indirect.scatter [tilespmem:s18], [sflag:$0x2], $0x10, s16, s19, $0xb8;
	[tilespmem:$0xE300] =	vst v63  }
0x1d: {  	_ =	swait.ge [sflag:s17], $0x800  }
0x1e: {  	[sflag:s17] =	ssyncset.done $0x0  }
0x1f: {  	[sflag:s17] =	ssyncadd.s32 $0xFFFFF800  }
0x20: {  	[tilespmem:s18], [sflag:$0x2] =	stream.linear.gather [hbm4b:s8+s4], $0x4000, $0x38;
	[tilespmem:$0xE300] =	vst v63  }
0x21: {  	_ =	swait.ge [sflag:s17], $0x4000  }
0x22: {  	[sflag:s17] =	ssyncset.done $0x0  }
0x23: {  	[sflag:s17] =	ssyncadd.s32 $0xFFFFC000  }
0x24: {  	[spmem:s3] =	stream.indirect.scatter [tilespmem:s18], [sflag:$0x2], $0x10, s20, s19, $0xb8;
	[tilespmem:$0xE300] =	vst v63  }
0x25: {  	_ =	swait.ge [sflag:s17], $0x800  }
0x26: {  	[sflag:s17] =	ssyncset.done $0x0  }
0x27: {  	[sflag:s17] =	ssyncadd.s32 $0xFFFFF800  }
0x28: {  	[tilespmem:s18], [sflag:$0x2] =	stream.linear.gather [hbm4b:s9+s4], $0x4000, $0x38;
	[tilespmem:$0xE300] =	vst v63  }
0x29: {  	_ =	swait.ge [sflag:s17], $0x4000  }
0x2a: {  	[sflag:s17] =	ssyncset.done $0x0  }
0x2b: {  	[sflag:s17] =	ssyncadd.s32 $0xFFFFC000  }
0x2c: {  	[spmem:s3] =	stream.indirect.scatter [tilespmem:s18], [sflag:$0x2], $0x10, s21, s19, $0xb8;
	[tilespmem:$0xE300] =	vst v63  }
0x2d: {  	_ =	swait.ge [sflag:s17], $0x800  }
0x2e: {  	[sflag:s17] =	ssyncset.done $0x0  }
0x2f: {  	[sflag:s17] =	ssyncadd.s32 $0xFFFFF800  }
0x30: {  	[tilespmem:s18], [sflag:$0x2] =	stream.linear.gather [hbm4b:s10+s4], $0x4000, $0x38;
	[tilespmem:$0xE300] =	vst v63  }
0x31: {  	_ =	swait.ge [sflag:s17], $0x4000  }
0x32: {  	[sflag:s17] =	ssyncset.done $0x0  }
0x33: {  	[sflag:s17] =	ssyncadd.s32 $0xFFFFC000  }
0x34: {  	[spmem:s3] =	stream.indirect.scatter [tilespmem:s18], [sflag:$0x2], $0x10, s22, s19, $0xb8;
	[tilespmem:$0xE300] =	vst v63  }
0x35: {  	_ =	swait.ge [sflag:s17], $0x800  }
0x36: {  	[sflag:s17] =	ssyncset.done $0x0  }
0x37: {  	[sflag:s17] =	ssyncadd.s32 $0xFFFFF800  }
0x38: {  	[tilespmem:s18], [sflag:$0x2] =	stream.linear.gather [hbm4b:s11+s4], $0x4000, $0x38;
	[tilespmem:$0xE300] =	vst v63  }
0x39: {  	_ =	swait.ge [sflag:s17], $0x4000  }
0x3a: {  	[sflag:s17] =	ssyncset.done $0x0  }
0x3b: {  	[sflag:s17] =	ssyncadd.s32 $0xFFFFC000  }
0x3c: {  	[spmem:s3] =	stream.indirect.scatter [tilespmem:s18], [sflag:$0x2], $0x10, s23, s19, $0xb8;
	[tilespmem:$0xE300] =	vst v63  }
0x3d: {  	_ =	swait.ge [sflag:s17], $0x800  }
0x3e: {  	[sflag:s17] =	ssyncset.done $0x0  }
0x3f: {  	[sflag:s17] =	ssyncadd.s32 $0xFFFFF800  }
0x40: {  	[tilespmem:s18], [sflag:$0x2] =	stream.linear.gather [hbm4b:s5+s4], $0x4000, $0x38;
	[tilespmem:$0xE300] =	vst v63  }
0x41: {  	_ =	swait.ge [sflag:s17], $0x4000  }
0x42: {  	[sflag:s17] =	ssyncset.done $0x0  }
0x43: {  	[sflag:s17] =	ssyncadd.s32 $0xFFFFC000  }
0x44: {  	[spmem:s2] =	stream.indirect.scatter [tilespmem:s18], [sflag:$0x2], $0x10, s16, s19, $0xb8;
	[tilespmem:$0xE300] =	vst v63  }
0x45: {  	_ =	swait.ge [sflag:s17], $0x800  }
0x46: {  	[sflag:s17] =	ssyncset.done $0x0  }
0x47: {  	[sflag:s17] =	ssyncadd.s32 $0xFFFFF800  }
0x48: {  	[spmem:s2] =	stream.indirect.scatter [tilespmem:s18], [sflag:$0x2], $0x10, s20, s19, $0xb8;
	[tilespmem:$0xE300] =	vst v63  }
0x49: {  	_ =	swait.ge [sflag:s17], $0x800  }
0x4a: {  	[sflag:s17] =	ssyncset.done $0x0  }
0x4b: {  	[sflag:s17] =	ssyncadd.s32 $0xFFFFF800  }
0x4c: {  	[spmem:s2] =	stream.indirect.scatter [tilespmem:s18], [sflag:$0x2], $0x10, s21, s19, $0xb8;
	[tilespmem:$0xE300] =	vst v63  }
0x4d: {  	_ =	swait.ge [sflag:s17], $0x800  }
0x4e: {  	[sflag:s17] =	ssyncset.done $0x0  }
0x4f: {  	[sflag:s17] =	ssyncadd.s32 $0xFFFFF800  }
0x50: {  	[spmem:s2] =	stream.indirect.scatter [tilespmem:s18], [sflag:$0x2], $0x10, s22, s19, $0xb8;
	[tilespmem:$0xE300] =	vst v63  }
0x51: {  	_ =	swait.ge [sflag:s17], $0x800  }
0x52: {  	[sflag:s17] =	ssyncset.done $0x0  }
0x53: {  	[sflag:s17] =	ssyncadd.s32 $0xFFFFF800  }
0x54: {  	[spmem:s2] =	stream.indirect.scatter [tilespmem:s18], [sflag:$0x2], $0x10, s23, s19, $0xb8;
	[tilespmem:$0xE300] =	vst v63  }
0x55: {  	_ =	swait.ge [sflag:s17], $0x800  }
0x56: {  	[sflag:s17] =	ssyncset.done $0x0  }
0x57: {  	[sflag:s17] =	ssyncadd.s32 $0xFFFFF800  }
0x58: {  	[tilespmem:s4], [sflag:$0x2] =	stream.linear.gather [hbm4b:s12+s4], $0x2800, $0x38;
	[tilespmem:$0xE300] =	vst v63  }
0x59: {  	_ =	swait.ge [sflag:s17], $0x2800  }
0x5a: {  	[sflag:s17] =	ssyncset.done $0x0  }
0x5b: {  	[sflag:s17] =	ssyncadd.s32 $0xFFFFD800  }
0x5c: {  	[tilespmem:s24], [sflag:$0x2] =	stream.linear.gather [hbm4b:s13+s4], $0x2800, $0x38;
	[tilespmem:$0xE300] =	vst v63  }
0x5d: {  	_ =	swait.ge [sflag:s17], $0x2800  }
0x5e: {  	[sflag:s17] =	ssyncset.done $0x0  }
0x5f: {  	[sflag:s17] =	ssyncadd.s32 $0xFFFFD800  }
0x60: {  	s29 =	simm.s32 $0x0;
	[bflag:$0x0] =	sbarrier.arrive $0xFFFF  }
0x61: {  	[tilespmem:s18], [sflag:$0x1] =	stream.indirect.gather [spmem:s3], $0x10, s29, s19, $0xb8;
	[tilespmem:$0xE300] =	vst v63  }
0x62: {  	_ =	swait.ge [sflag:s26], $0x800  }
0x63: {  	[sflag:s26] =	ssyncset.done $0x0  }
0x64: {  	s29 =	simm.s32 $0x2800;
	[sflag:s26] =	ssyncadd.s32 $0xFFFFF800  }
0x65: {  	[spmem:s2] =	stream.indirect.scatter.add.f32 [tilespmem:s18], [sflag:$0x2], $0x10, s29, s19, $0xb8;
	[tilespmem:$0xE300] =	vst v63  }
0x66: {  	_ =	swait.ge [sflag:s17], $0x800  }
0x67: {  	s30 =	simm.s32 $0x400;
	s29 =	simm.s32 $0x200;
	[sflag:s17] =	ssyncset.done $0x0  }
.LBB2_2:
0x68: {  	s31 =	sshra.s32 s29, $0x2  }
0x69: {  	[sflag:s17] =	ssyncadd.s32 $0xFFFFF800;
	s29 =	smov.u32 s30;
	s1 =	sadd.s32 $0x200, s30  }
0x6a: {  	[tilespmem:s18], [sflag:$0x1] =	stream.indirect.gather [spmem:s3], $0x10, s31, s19, $0xb8;
	[tilespmem:$0xE300] =	vst v63  }
0x6b: {  	p0 =	sne.s32 s30, $0x9E00;
	_ =	swait.ge [sflag:s26], $0x800  }
.Ltmp0:
0x6c: {  	[sflag:s26] =	ssyncset.done $0x0;
	(pc) =	sbr.rel @p0 .LBB2_2-.Ltmp0, $4  }
0x6d: {  	s30 =	sadd.s32 $0x2800, s31;
	[sflag:s26] =	ssyncadd.s32 $0xFFFFF800  }
0x6e: {  	[spmem:s2] =	stream.indirect.scatter.add.f32 [tilespmem:s18], [sflag:$0x2], $0x10, s30, s19, $0xb8;
	[tilespmem:$0xE300] =	vst v63  }
0x6f: {  	_ =	swait.ge [sflag:s17], $0x800  }
0x70: {  	s30 =	smov.u32 s1;
	[sflag:s17] =	ssyncset.done $0x0  }
0x71: {  	s1 =	sshra.s32 s29, $0x2;
	[sflag:s17] =	ssyncadd.s32 $0xFFFFF800  }
0x72: {  	[tilespmem:s18], [sflag:$0x1] =	stream.indirect.gather [spmem:s3], $0x10, s1, s19, $0xb8;
	[tilespmem:$0xE300] =	vst v63  }
0x73: {  	_ =	swait.ge [sflag:s26], $0x800  }
0x74: {  	[sflag:s26] =	ssyncset.done $0x0  }
0x75: {  	s1 =	sadd.s32 $0x2800, s1;
	[sflag:s26] =	ssyncadd.s32 $0xFFFFF800  }
0x76: {  	[spmem:s2] =	stream.indirect.scatter.add.f32 [tilespmem:s18], [sflag:$0x2], $0x10, s1, s19, $0xb8;
	[tilespmem:$0xE300] =	vst v63  }
0x77: {  	_ =	swait.ge [sflag:s17], $0x800  }
0x78: {  	s28 =	sadd.s32 $0x1, s28;
	[sflag:s17] =	ssyncset.done $0x0  }
0x79: {  	s31 =	sshll.u32 s0, $0x6;
	p0 =	sne.s32 s28, s15;
	[sflag:s17] =	ssyncadd.s32 $0xFFFFF800  }
.Ltmp1:
0x7a: {  	s1 =	sor.u32 $0x1C02, s31;
	[bflag:$0x0] =	sbarrier.arrive $0xFFFF;
	(pc) =	sbr.rel @p0 .LBB2_1-.Ltmp1, $4  }
0x7b: {  	[hbm:s14], [sflag:s1] =	dma.local [spmem:s25], $0x2780  }
0x7c: {  	_ =	swait.ge [sflag:s17], $0x2780  }
0x7d: {  	[sflag:s17] =	ssyncset.done $0x0  }
0x7e: {  	[sflag:s17] =	ssyncadd.s32 $0xFFFFD880  }
0x7f: {  	_ =	sfence.sel $0x180000  }
0x80: {  	[bflag:$0x0] =	sbarrier.arrive $0xFFFF  }
0x81: {  	_ =	strace $0x90000050  }
0x82: {  	[bflag:$0x2] =	sbarrier.arrive $0xFFFF  }
0x83: {  	p0 =	sne.s32 s0, $0x0;
	s0 =	rddreg [dreg:$0x4]  }
0x84: {  	s0 =	sadd.s32 @!p0 $0x100000, s0  }
0x85: {  	[sflag:s0] =	ssyncadd.tile.s32 @!p0 $0x1;
	_ =	shalt  }
.Lfunc_end2:
_tile_overlayer_lowered:
.L_overlay_start_2:
0x86: {  	(tag) =	ssettag $0x2  }
0x87: {  	s0 =	rddreg [dreg:$0x0];
	s2 =	stileid.u32  }
0x88: {  	s1 =	rddreg [dreg:$0x1];
	p0 =	sne.s32 s2, $0x0  }
0x89: {  	s3 =	rddreg [dreg:$0x2];
	[bflag:$0x3] =	sbarrier.arrive $0xFFFF;
	s2 =	simm.s32 @!p0 $0x1C02  }
0x8a: {  	[timem:s3], [sflag:s2] =	dma.local @!p0 [hbm:s0], s1  }
0x8b: {  	s0 =	simm.s32 @!p0 $0x2  }
0x8c: {  	_ =	swait.ge @!p0 [sflag:s0], s1  }
0x8d: {  	s1 =	ssub.s32 @!p0 $0x0, s1;
	[sflag:s0] =	ssyncset.done @!p0 $0x0  }
0x8e: {  	[sflag:s0] =	ssyncadd.s32 @!p0 s1  }
0x8f: {  	[bflag:$0x3] =	sbarrier.arrive $0xFFFF  }
0x90: {  	_ =	shalt  }

</sc_bundles>
